<compile_context>
chip_gen: v7x
topology: tpu7x:2x2x1
jax: 0.10.2.dev20260603
libtpu: 0.0.44.dev20260713+nightly
codegen_flags: <defaults>
</compile_context>

<pallas_src>
import functools

import jax
import jax.numpy as jnp
from jax import lax
from jax.experimental import pallas as pl
from jax.experimental.pallas import tpu as pltpu
from jax.experimental.pallas import tpu_sc as plsc

_EPS = 1e-12
_L = 16


def _lane_shuffle(x, idx):
    return lax.gather(
        x, idx[:, None],
        dimension_numbers=lax.GatherDimensionNumbers(
            offset_dims=(), collapsed_slice_dims=(0,), start_index_map=(0,)),
        slice_sizes=(1,),
        mode=lax.GatherScatterMode.PROMISE_IN_BOUNDS)


def _make_sc_kernel(n_tasks, d, batch):
    info = plsc.get_sparse_core_info()
    nc, ns = info.num_cores, info.num_subcores
    nw = nc * ns
    assert batch % nw == 0
    b_per_w = batch // nw
    chunk = min(128, b_per_w)
    n_chunks = b_per_w // chunk
    mesh = plsc.VectorSubcoreMesh(core_axis_name="c", subcore_axis_name="s")

    @functools.partial(
        pl.kernel,
        out_type=jax.ShapeDtypeStruct((batch, d), jnp.float32),
        mesh=mesh,
        scratch_types=[
            pltpu.VMEM((n_chunks, chunk), jnp.int32),
            pltpu.VMEM((b_per_w, d), jnp.float32),
            pltpu.SemaphoreType.DMA,
            pltpu.SemaphoreType.DMA,
        ],
    )
    def sc_kernel(table_hbm, tasks_hbm, out_hbm, idx_v, rows_v, gsem, ssem):
        wid = lax.axis_index("s") * nc + lax.axis_index("c")
        base = wid * b_per_w

        for j in range(n_chunks):
            pltpu.sync_copy(tasks_hbm.at[pl.ds(base + j * chunk, chunk)],
                            idx_v.at[j])
        gathers = [
            pltpu.async_copy(table_hbm.at[idx_v.at[j]],
                             rows_v.at[pl.ds(j * chunk, chunk)], gsem)
            for j in range(n_chunks)
        ]

        iota = lax.iota(jnp.int32, _L)
        perms = [iota ^ k for k in (1, 2, 4)]

        def compute_chunk(jc):
            @plsc.parallel_loop(jc * chunk, (jc + 1) * chunk, unroll=2)
            def row_body(r):
                for j in range(d // _L):
                    x = rows_v[r, pl.ds(j * _L, _L)]
                    sig = 1.0 / (1.0 + jnp.exp(-x))
                    t = sig
                    for pm in perms:
                        t = t + _lane_shuffle(t, pm)
                    rows_v[r, pl.ds(j * _L, _L)] = sig / (t + _EPS)

        scatters = []
        for j in range(n_chunks):
            gathers[j].wait()
            compute_chunk(j)
            scatters.append(
                pltpu.async_copy(rows_v.at[pl.ds(j * chunk, chunk)],
                                 out_hbm.at[pl.ds(base + j * chunk, chunk)],
                                 ssem))
        for s in scatters:
            s.wait()

    return sc_kernel


@jax.jit
def kernel(module_logits, tasks):
    n_tasks, d = module_logits.shape
    batch = tasks.shape[0]
    fn = _make_sc_kernel(n_tasks, d, batch)
    out = fn(module_logits, tasks.astype(jnp.int32))
    return out.reshape(batch, d // 8, 8)

# --- scband reference (transcript-rebuilt; emitter-appended) ---
"""Pipeline reference for scband-polytropon-80839874445844 (READ-ONLY COPY).

The authoritative reference and input builder live on the scoring server;
editing this copy changes nothing except your own understanding.
"""

import jax, jax.numpy as jnp
import numpy as np

EPS = 1e-12
N_TASKS = 100000
N_SPLITS = 16
N_SKILLS = 8
BATCH = 16384


def setup_inputs(seed: int = 0) -> dict:
    key = jax.random.key(seed)
    k1, k2 = jax.random.split(key)
    # module_logits initialized uniform(-0.001, 0.001) as in init_module_logits
    module_logits = jax.random.uniform(
        k1, (N_TASKS, N_SPLITS * N_SKILLS), dtype=jnp.float32,
        minval=-0.001, maxval=0.001)
    tasks = jax.random.randint(k2, (BATCH,), 0, N_TASKS, dtype=jnp.int64 if jax.config.jax_enable_x64 else jnp.int32)
    return {"module_logits": module_logits, "tasks": tasks}


def reference(module_logits, tasks):
    # Eval-mode path of Polytropon.select_modules:
    #   module_probs = sigmoid(module_logits[tasks])
    #   reshape to (-1, n_splits, n_skills) and normalize over skills
    gathered = jnp.take(module_logits, tasks, axis=0)  # [B, n_splits*n_skills]
    module_probs = jax.nn.sigmoid(gathered)
    module_probs = module_probs.reshape(-1, N_SPLITS, N_SKILLS)
    module_weights = module_probs / (jnp.sum(module_probs, axis=-1, keepdims=True) + EPS)
    return module_weights

if __name__ == "__main__":
    import jax
    _d = setup_inputs()
    print(jax.jit(kernel)(*tuple(_d.values())))

</pallas_src>

<mosaic_0001>
#map = affine_map<(d0, d1) -> (0, 0)>
#map1 = affine_map<(d0, d1) -> (0)>
module attributes {stable_mosaic.version = 14 : i64} {
  func.func @sc_kernel(%arg0: i32, %arg1: i32, %arg2: memref<100000x128xf32, #tpu.memory_space<hbm>>, %arg3: memref<16384xi32, #tpu.memory_space<hbm>>, %arg4: memref<16384x128xf32, #tpu.memory_space<hbm>>, %arg5: memref<4x128xi32, #tpu.memory_space<vmem>>, %arg6: memref<512x128xf32, #tpu.memory_space<vmem>>, %arg7: memref<!tpu.dma_semaphore, #tpu.memory_space<semaphore_mem>>, %arg8: memref<!tpu.dma_semaphore, #tpu.memory_space<semaphore_mem>>) attributes {dimension_semantics = [#tpu.dimension_semantics<core_parallel>, #tpu.dimension_semantics<subcore_parallel>], iteration_bounds = array<i64: 2, 16>, scalar_prefetch = 0 : i64, scratch_operands = 4 : i64, tpu.core_type = #tpu.core_type<sc_vector_subcore>, window_params = [{transform_indices = #map}, {transform_indices = #map1}, {transform_indices = #map}]} {
    %mul3A = arith.constant 2 : i32
    %mul3A_0 = arith.muli %arg1, %mul3A : i32
    %add3A = arith.addi %mul3A_0, %arg0 : i32
    %mul3A_1 = arith.constant 512 : i32
    %mul3A_2 = arith.muli %add3A, %mul3A_1 : i32
    %add3A_3 = arith.constant 0 : i32
    %add3A_4 = arith.addi %mul3A_2, %add3A_3 : i32
    %run_scoped3A = arith.constant 0 : i32
    "tpu.region"() ({
      %run_scoped3A_199 = tpu.sem_alloc : memref<!tpu.dma_semaphore, #tpu.memory_space<semaphore_mem>>
      %dma_start3A_200 = arith.constant 0 : i32
      %dma_start3A_201 = tpu.memref_slice %arg5[%run_scoped3A, %dma_start3A_200] : memref<4x128xi32, #tpu.memory_space<vmem>> -> memref<1x128xi32, #tpu.memory_space<vmem>>
      %dma_start3A_202 = tpu.memref_squeeze %dma_start3A_201 : memref<1x128xi32, #tpu.memory_space<vmem>> -> memref<128xi32, #tpu.memory_space<vmem>>
      %dma_start3A_203 = tpu.memref_slice %arg3[%add3A_4] : memref<16384xi32, #tpu.memory_space<hbm>> -> memref<128xi32, #tpu.memory_space<hbm>>
      %dma_start3A_204 = arith.constant 0 : i32
      %dma_start3A_205 = tpu.memref_slice %arg5[%run_scoped3A, %dma_start3A_204] : memref<4x128xi32, #tpu.memory_space<vmem>> -> memref<1x128xi32, #tpu.memory_space<vmem>>
      %dma_start3A_206 = tpu.memref_squeeze %dma_start3A_205 : memref<1x128xi32, #tpu.memory_space<vmem>> -> memref<128xi32, #tpu.memory_space<vmem>>
      %dma_start3A_207 = tpu.memref_slice %arg3[%add3A_4] : memref<16384xi32, #tpu.memory_space<hbm>> -> memref<128xi32, #tpu.memory_space<hbm>>
      tpu.enqueue_dma source(%dma_start3A_207 : memref<128xi32, #tpu.memory_space<hbm>>) target(%dma_start3A_206 : memref<128xi32, #tpu.memory_space<vmem>>) target_semaphore(%run_scoped3A_199 : memref<!tpu.dma_semaphore, #tpu.memory_space<semaphore_mem>>)
      %dma_wait3A_208 = arith.constant 0 : i32
      %dma_wait3A_209 = tpu.memref_slice %arg5[%run_scoped3A, %dma_wait3A_208] : memref<4x128xi32, #tpu.memory_space<vmem>> -> memref<1x128xi32, #tpu.memory_space<vmem>>
      %dma_wait3A_210 = tpu.memref_squeeze %dma_wait3A_209 : memref<1x128xi32, #tpu.memory_space<vmem>> -> memref<128xi32, #tpu.memory_space<vmem>>
      %dma_wait3A_211 = tpu.memref_slice %arg3[%add3A_4] : memref<16384xi32, #tpu.memory_space<hbm>> -> memref<128xi32, #tpu.memory_space<hbm>>
      %dma_wait3A_212 = arith.constant 0 : i32
      %dma_wait3A_213 = tpu.memref_slice %arg5[%run_scoped3A, %dma_wait3A_212] : memref<4x128xi32, #tpu.memory_space<vmem>> -> memref<1x128xi32, #tpu.memory_space<vmem>>
      %dma_wait3A_214 = tpu.memref_squeeze %dma_wait3A_213 : memref<1x128xi32, #tpu.memory_space<vmem>> -> memref<128xi32, #tpu.memory_space<vmem>>
      %dma_wait3A_215 = tpu.memref_slice %arg3[%add3A_4] : memref<16384xi32, #tpu.memory_space<hbm>> -> memref<128xi32, #tpu.memory_space<hbm>>
      tpu.wait_dma2 semaphore(%run_scoped3A_199 : memref<!tpu.dma_semaphore, #tpu.memory_space<semaphore_mem>>) src(%dma_wait3A_215 : memref<128xi32, #tpu.memory_space<hbm>>) dst(%dma_wait3A_214 : memref<128xi32, #tpu.memory_space<vmem>>)
      tpu.yield
    }) : () -> ()
    %add3A_5 = arith.constant 128 : i32
    %add3A_6 = arith.addi %mul3A_2, %add3A_5 : i32
    %run_scoped3A_7 = arith.constant 1 : i32
    "tpu.region"() ({
      %run_scoped3A_199 = tpu.sem_alloc : memref<!tpu.dma_semaphore, #tpu.memory_space<semaphore_mem>>
      %dma_start3A_200 = arith.constant 0 : i32
      %dma_start3A_201 = tpu.memref_slice %arg5[%run_scoped3A_7, %dma_start3A_200] : memref<4x128xi32, #tpu.memory_space<vmem>> -> memref<1x128xi32, #tpu.memory_space<vmem>>
      %dma_start3A_202 = tpu.memref_squeeze %dma_start3A_201 : memref<1x128xi32, #tpu.memory_space<vmem>> -> memref<128xi32, #tpu.memory_space<vmem>>
      %dma_start3A_203 = tpu.memref_slice %arg3[%add3A_6] : memref<16384xi32, #tpu.memory_space<hbm>> -> memref<128xi32, #tpu.memory_space<hbm>>
      %dma_start3A_204 = arith.constant 0 : i32
      %dma_start3A_205 = tpu.memref_slice %arg5[%run_scoped3A_7, %dma_start3A_204] : memref<4x128xi32, #tpu.memory_space<vmem>> -> memref<1x128xi32, #tpu.memory_space<vmem>>
      %dma_start3A_206 = tpu.memref_squeeze %dma_start3A_205 : memref<1x128xi32, #tpu.memory_space<vmem>> -> memref<128xi32, #tpu.memory_space<vmem>>
      %dma_start3A_207 = tpu.memref_slice %arg3[%add3A_6] : memref<16384xi32, #tpu.memory_space<hbm>> -> memref<128xi32, #tpu.memory_space<hbm>>
      tpu.enqueue_dma source(%dma_start3A_207 : memref<128xi32, #tpu.memory_space<hbm>>) target(%dma_start3A_206 : memref<128xi32, #tpu.memory_space<vmem>>) target_semaphore(%run_scoped3A_199 : memref<!tpu.dma_semaphore, #tpu.memory_space<semaphore_mem>>)
      %dma_wait3A_208 = arith.constant 0 : i32
      %dma_wait3A_209 = tpu.memref_slice %arg5[%run_scoped3A_7, %dma_wait3A_208] : memref<4x128xi32, #tpu.memory_space<vmem>> -> memref<1x128xi32, #tpu.memory_space<vmem>>
      %dma_wait3A_210 = tpu.memref_squeeze %dma_wait3A_209 : memref<1x128xi32, #tpu.memory_space<vmem>> -> memref<128xi32, #tpu.memory_space<vmem>>
      %dma_wait3A_211 = tpu.memref_slice %arg3[%add3A_6] : memref<16384xi32, #tpu.memory_space<hbm>> -> memref<128xi32, #tpu.memory_space<hbm>>
      %dma_wait3A_212 = arith.constant 0 : i32
      %dma_wait3A_213 = tpu.memref_slice %arg5[%run_scoped3A_7, %dma_wait3A_212] : memref<4x128xi32, #tpu.memory_space<vmem>> -> memref<1x128xi32, #tpu.memory_space<vmem>>
      %dma_wait3A_214 = tpu.memref_squeeze %dma_wait3A_213 : memref<1x128xi32, #tpu.memory_space<vmem>> -> memref<128xi32, #tpu.memory_space<vmem>>
      %dma_wait3A_215 = tpu.memref_slice %arg3[%add3A_6] : memref<16384xi32, #tpu.memory_space<hbm>> -> memref<128xi32, #tpu.memory_space<hbm>>
      tpu.wait_dma2 semaphore(%run_scoped3A_199 : memref<!tpu.dma_semaphore, #tpu.memory_space<semaphore_mem>>) src(%dma_wait3A_215 : memref<128xi32, #tpu.memory_space<hbm>>) dst(%dma_wait3A_214 : memref<128xi32, #tpu.memory_space<vmem>>)
      tpu.yield
    }) : () -> ()
    %add3A_8 = arith.constant 256 : i32
    %add3A_9 = arith.addi %mul3A_2, %add3A_8 : i32
    %run_scoped3A_10 = arith.constant 2 : i32
    "tpu.region"() ({
      %run_scoped3A_199 = tpu.sem_alloc : memref<!tpu.dma_semaphore, #tpu.memory_space<semaphore_mem>>
      %dma_start3A_200 = arith.constant 0 : i32
      %dma_start3A_201 = tpu.memref_slice %arg5[%run_scoped3A_10, %dma_start3A_200] : memref<4x128xi32, #tpu.memory_space<vmem>> -> memref<1x128xi32, #tpu.memory_space<vmem>>
      %dma_start3A_202 = tpu.memref_squeeze %dma_start3A_201 : memref<1x128xi32, #tpu.memory_space<vmem>> -> memref<128xi32, #tpu.memory_space<vmem>>
      %dma_start3A_203 = tpu.memref_slice %arg3[%add3A_9] : memref<16384xi32, #tpu.memory_space<hbm>> -> memref<128xi32, #tpu.memory_space<hbm>>
      %dma_start3A_204 = arith.constant 0 : i32
      %dma_start3A_205 = tpu.memref_slice %arg5[%run_scoped3A_10, %dma_start3A_204] : memref<4x128xi32, #tpu.memory_space<vmem>> -> memref<1x128xi32, #tpu.memory_space<vmem>>
      %dma_start3A_206 = tpu.memref_squeeze %dma_start3A_205 : memref<1x128xi32, #tpu.memory_space<vmem>> -> memref<128xi32, #tpu.memory_space<vmem>>
      %dma_start3A_207 = tpu.memref_slice %arg3[%add3A_9] : memref<16384xi32, #tpu.memory_space<hbm>> -> memref<128xi32, #tpu.memory_space<hbm>>
      tpu.enqueue_dma source(%dma_start3A_207 : memref<128xi32, #tpu.memory_space<hbm>>) target(%dma_start3A_206 : memref<128xi32, #tpu.memory_space<vmem>>) target_semaphore(%run_scoped3A_199 : memref<!tpu.dma_semaphore, #tpu.memory_space<semaphore_mem>>)
      %dma_wait3A_208 = arith.constant 0 : i32
      %dma_wait3A_209 = tpu.memref_slice %arg5[%run_scoped3A_10, %dma_wait3A_208] : memref<4x128xi32, #tpu.memory_space<vmem>> -> memref<1x128xi32, #tpu.memory_space<vmem>>
      %dma_wait3A_210 = tpu.memref_squeeze %dma_wait3A_209 : memref<1x128xi32, #tpu.memory_space<vmem>> -> memref<128xi32, #tpu.memory_space<vmem>>
      %dma_wait3A_211 = tpu.memref_slice %arg3[%add3A_9] : memref<16384xi32, #tpu.memory_space<hbm>> -> memref<128xi32, #tpu.memory_space<hbm>>
      %dma_wait3A_212 = arith.constant 0 : i32
      %dma_wait3A_213 = tpu.memref_slice %arg5[%run_scoped3A_10, %dma_wait3A_212] : memref<4x128xi32, #tpu.memory_space<vmem>> -> memref<1x128xi32, #tpu.memory_space<vmem>>
      %dma_wait3A_214 = tpu.memref_squeeze %dma_wait3A_213 : memref<1x128xi32, #tpu.memory_space<vmem>> -> memref<128xi32, #tpu.memory_space<vmem>>
      %dma_wait3A_215 = tpu.memref_slice %arg3[%add3A_9] : memref<16384xi32, #tpu.memory_space<hbm>> -> memref<128xi32, #tpu.memory_space<hbm>>
      tpu.wait_dma2 semaphore(%run_scoped3A_199 : memref<!tpu.dma_semaphore, #tpu.memory_space<semaphore_mem>>) src(%dma_wait3A_215 : memref<128xi32, #tpu.memory_space<hbm>>) dst(%dma_wait3A_214 : memref<128xi32, #tpu.memory_space<vmem>>)
      tpu.yield
    }) : () -> ()
    %add3A_11 = arith.constant 384 : i32
    %add3A_12 = arith.addi %mul3A_2, %add3A_11 : i32
    %run_scoped3A_13 = arith.constant 3 : i32
    "tpu.region"() ({
      %run_scoped3A_199 = tpu.sem_alloc : memref<!tpu.dma_semaphore, #tpu.memory_space<semaphore_mem>>
      %dma_start3A_200 = arith.constant 0 : i32
      %dma_start3A_201 = tpu.memref_slice %arg5[%run_scoped3A_13, %dma_start3A_200] : memref<4x128xi32, #tpu.memory_space<vmem>> -> memref<1x128xi32, #tpu.memory_space<vmem>>
      %dma_start3A_202 = tpu.memref_squeeze %dma_start3A_201 : memref<1x128xi32, #tpu.memory_space<vmem>> -> memref<128xi32, #tpu.memory_space<vmem>>
      %dma_start3A_203 = tpu.memref_slice %arg3[%add3A_12] : memref<16384xi32, #tpu.memory_space<hbm>> -> memref<128xi32, #tpu.memory_space<hbm>>
      %dma_start3A_204 = arith.constant 0 : i32
      %dma_start3A_205 = tpu.memref_slice %arg5[%run_scoped3A_13, %dma_start3A_204] : memref<4x128xi32, #tpu.memory_space<vmem>> -> memref<1x128xi32, #tpu.memory_space<vmem>>
      %dma_start3A_206 = tpu.memref_squeeze %dma_start3A_205 : memref<1x128xi32, #tpu.memory_space<vmem>> -> memref<128xi32, #tpu.memory_space<vmem>>
      %dma_start3A_207 = tpu.memref_slice %arg3[%add3A_12] : memref<16384xi32, #tpu.memory_space<hbm>> -> memref<128xi32, #tpu.memory_space<hbm>>
      tpu.enqueue_dma source(%dma_start3A_207 : memref<128xi32, #tpu.memory_space<hbm>>) target(%dma_start3A_206 : memref<128xi32, #tpu.memory_space<vmem>>) target_semaphore(%run_scoped3A_199 : memref<!tpu.dma_semaphore, #tpu.memory_space<semaphore_mem>>)
      %dma_wait3A_208 = arith.constant 0 : i32
      %dma_wait3A_209 = tpu.memref_slice %arg5[%run_scoped3A_13, %dma_wait3A_208] : memref<4x128xi32, #tpu.memory_space<vmem>> -> memref<1x128xi32, #tpu.memory_space<vmem>>
      %dma_wait3A_210 = tpu.memref_squeeze %dma_wait3A_209 : memref<1x128xi32, #tpu.memory_space<vmem>> -> memref<128xi32, #tpu.memory_space<vmem>>
      %dma_wait3A_211 = tpu.memref_slice %arg3[%add3A_12] : memref<16384xi32, #tpu.memory_space<hbm>> -> memref<128xi32, #tpu.memory_space<hbm>>
      %dma_wait3A_212 = arith.constant 0 : i32
      %dma_wait3A_213 = tpu.memref_slice %arg5[%run_scoped3A_13, %dma_wait3A_212] : memref<4x128xi32, #tpu.memory_space<vmem>> -> memref<1x128xi32, #tpu.memory_space<vmem>>
      %dma_wait3A_214 = tpu.memref_squeeze %dma_wait3A_213 : memref<1x128xi32, #tpu.memory_space<vmem>> -> memref<128xi32, #tpu.memory_space<vmem>>
      %dma_wait3A_215 = tpu.memref_slice %arg3[%add3A_12] : memref<16384xi32, #tpu.memory_space<hbm>> -> memref<128xi32, #tpu.memory_space<hbm>>
      tpu.wait_dma2 semaphore(%run_scoped3A_199 : memref<!tpu.dma_semaphore, #tpu.memory_space<semaphore_mem>>) src(%dma_wait3A_215 : memref<128xi32, #tpu.memory_space<hbm>>) dst(%dma_wait3A_214 : memref<128xi32, #tpu.memory_space<vmem>>)
      tpu.yield
    }) : () -> ()
    %dma_start3A = arith.constant 0 : i32
    %dma_start3A_14 = arith.constant 0 : i32
    %dma_start3A_15 = arith.constant 0 : i32
    %dma_start3A_16 = tpu.memref_slice %arg6[%dma_start3A_14, %dma_start3A_15] : memref<512x128xf32, #tpu.memory_space<vmem>> -> memref<128x128xf32, #tpu.memory_space<vmem>>
    %dma_start3A_17 = arith.constant 0 : i32
    %dma_start3A_18 = tpu.memref_slice %arg5[%dma_start3A, %dma_start3A_17] : memref<4x128xi32, #tpu.memory_space<vmem>> -> memref<1x128xi32, #tpu.memory_space<vmem>>
    %dma_start3A_19 = tpu.memref_squeeze %dma_start3A_18 : memref<1x128xi32, #tpu.memory_space<vmem>> -> memref<128xi32, #tpu.memory_space<vmem>>
    %dma_start3A_20 = arith.constant 0 : i32
    %dma_start3A_21 = arith.constant 0 : i32
    %dma_start3A_22 = tpu.memref_slice %arg2[%dma_start3A_20, %dma_start3A_21] : memref<100000x128xf32, #tpu.memory_space<hbm>> -> memref<100000x128xf32, #tpu.memory_space<hbm>>
    tpu.enqueue_indirect_dma source(%dma_start3A_22 : memref<100000x128xf32, #tpu.memory_space<hbm>>) target(%dma_start3A_16 : memref<128x128xf32, #tpu.memory_space<vmem>>) offsets(%dma_start3A_19 : memref<128xi32, #tpu.memory_space<vmem>>) semaphore(%arg7 : memref<!tpu.dma_semaphore, #tpu.memory_space<semaphore_mem>>)
    %dma_start3A_23 = arith.constant 1 : i32
    %dma_start3A_24 = arith.constant 128 : i32
    %dma_start3A_25 = arith.constant 0 : i32
    %dma_start3A_26 = tpu.memref_slice %arg6[%dma_start3A_24, %dma_start3A_25] : memref<512x128xf32, #tpu.memory_space<vmem>> -> memref<128x128xf32, #tpu.memory_space<vmem>>
    %dma_start3A_27 = arith.constant 0 : i32
    %dma_start3A_28 = tpu.memref_slice %arg5[%dma_start3A_23, %dma_start3A_27] : memref<4x128xi32, #tpu.memory_space<vmem>> -> memref<1x128xi32, #tpu.memory_space<vmem>>
    %dma_start3A_29 = tpu.memref_squeeze %dma_start3A_28 : memref<1x128xi32, #tpu.memory_space<vmem>> -> memref<128xi32, #tpu.memory_space<vmem>>
    %dma_start3A_30 = arith.constant 0 : i32
    %dma_start3A_31 = arith.constant 0 : i32
    %dma_start3A_32 = tpu.memref_slice %arg2[%dma_start3A_30, %dma_start3A_31] : memref<100000x128xf32, #tpu.memory_space<hbm>> -> memref<100000x128xf32, #tpu.memory_space<hbm>>
    tpu.enqueue_indirect_dma source(%dma_start3A_32 : memref<100000x128xf32, #tpu.memory_space<hbm>>) target(%dma_start3A_26 : memref<128x128xf32, #tpu.memory_space<vmem>>) offsets(%dma_start3A_29 : memref<128xi32, #tpu.memory_space<vmem>>) semaphore(%arg7 : memref<!tpu.dma_semaphore, #tpu.memory_space<semaphore_mem>>)
    %dma_start3A_33 = arith.constant 2 : i32
    %dma_start3A_34 = arith.constant 256 : i32
    %dma_start3A_35 = arith.constant 0 : i32
    %dma_start3A_36 = tpu.memref_slice %arg6[%dma_start3A_34, %dma_start3A_35] : memref<512x128xf32, #tpu.memory_space<vmem>> -> memref<128x128xf32, #tpu.memory_space<vmem>>
    %dma_start3A_37 = arith.constant 0 : i32
    %dma_start3A_38 = tpu.memref_slice %arg5[%dma_start3A_33, %dma_start3A_37] : memref<4x128xi32, #tpu.memory_space<vmem>> -> memref<1x128xi32, #tpu.memory_space<vmem>>
    %dma_start3A_39 = tpu.memref_squeeze %dma_start3A_38 : memref<1x128xi32, #tpu.memory_space<vmem>> -> memref<128xi32, #tpu.memory_space<vmem>>
    %dma_start3A_40 = arith.constant 0 : i32
    %dma_start3A_41 = arith.constant 0 : i32
    %dma_start3A_42 = tpu.memref_slice %arg2[%dma_start3A_40, %dma_start3A_41] : memref<100000x128xf32, #tpu.memory_space<hbm>> -> memref<100000x128xf32, #tpu.memory_space<hbm>>
    tpu.enqueue_indirect_dma source(%dma_start3A_42 : memref<100000x128xf32, #tpu.memory_space<hbm>>) target(%dma_start3A_36 : memref<128x128xf32, #tpu.memory_space<vmem>>) offsets(%dma_start3A_39 : memref<128xi32, #tpu.memory_space<vmem>>) semaphore(%arg7 : memref<!tpu.dma_semaphore, #tpu.memory_space<semaphore_mem>>)
    %dma_start3A_43 = arith.constant 3 : i32
    %dma_start3A_44 = arith.constant 384 : i32
    %dma_start3A_45 = arith.constant 0 : i32
    %dma_start3A_46 = tpu.memref_slice %arg6[%dma_start3A_44, %dma_start3A_45] : memref<512x128xf32, #tpu.memory_space<vmem>> -> memref<128x128xf32, #tpu.memory_space<vmem>>
    %dma_start3A_47 = arith.constant 0 : i32
    %dma_start3A_48 = tpu.memref_slice %arg5[%dma_start3A_43, %dma_start3A_47] : memref<4x128xi32, #tpu.memory_space<vmem>> -> memref<1x128xi32, #tpu.memory_space<vmem>>
    %dma_start3A_49 = tpu.memref_squeeze %dma_start3A_48 : memref<1x128xi32, #tpu.memory_space<vmem>> -> memref<128xi32, #tpu.memory_space<vmem>>
    %dma_start3A_50 = arith.constant 0 : i32
    %dma_start3A_51 = arith.constant 0 : i32
    %dma_start3A_52 = tpu.memref_slice %arg2[%dma_start3A_50, %dma_start3A_51] : memref<100000x128xf32, #tpu.memory_space<hbm>> -> memref<100000x128xf32, #tpu.memory_space<hbm>>
    tpu.enqueue_indirect_dma source(%dma_start3A_52 : memref<100000x128xf32, #tpu.memory_space<hbm>>) target(%dma_start3A_46 : memref<128x128xf32, #tpu.memory_space<vmem>>) offsets(%dma_start3A_49 : memref<128xi32, #tpu.memory_space<vmem>>) semaphore(%arg7 : memref<!tpu.dma_semaphore, #tpu.memory_space<semaphore_mem>>)
    %iota3A = tpu.iota {dimensions = array<i32: 0>} : vector<16xi32>
    %xor3A = arith.constant 1 : i32
    %xor3A_53 = vector.broadcast %xor3A : i32 to vector<16xi32>
    %xor3A_54 = arith.xori %iota3A, %xor3A_53 : vector<16xi32>
    %xor3A_55 = arith.constant 2 : i32
    %xor3A_56 = vector.broadcast %xor3A_55 : i32 to vector<16xi32>
    %xor3A_57 = arith.xori %iota3A, %xor3A_56 : vector<16xi32>
    %xor3A_58 = arith.constant 4 : i32
    %xor3A_59 = vector.broadcast %xor3A_58 : i32 to vector<16xi32>
    %xor3A_60 = arith.xori %iota3A, %xor3A_59 : vector<16xi32>
    %dma_wait3A = arith.constant 0 : i32
    %dma_wait3A_61 = arith.constant 0 : i32
    %dma_wait3A_62 = arith.constant 0 : i32
    %dma_wait3A_63 = tpu.memref_slice %arg6[%dma_wait3A_61, %dma_wait3A_62] : memref<512x128xf32, #tpu.memory_space<vmem>> -> memref<128x128xf32, #tpu.memory_space<vmem>>
    %dma_wait3A_64 = arith.constant 0 : i32
    %dma_wait3A_65 = tpu.memref_slice %arg5[%dma_wait3A, %dma_wait3A_64] : memref<4x128xi32, #tpu.memory_space<vmem>> -> memref<1x128xi32, #tpu.memory_space<vmem>>
    %dma_wait3A_66 = tpu.memref_squeeze %dma_wait3A_65 : memref<1x128xi32, #tpu.memory_space<vmem>> -> memref<128xi32, #tpu.memory_space<vmem>>
    %dma_wait3A_67 = arith.constant 0 : i32
    %dma_wait3A_68 = arith.constant 0 : i32
    %dma_wait3A_69 = tpu.memref_slice %arg2[%dma_wait3A_67, %dma_wait3A_68] : memref<100000x128xf32, #tpu.memory_space<hbm>> -> memref<100000x128xf32, #tpu.memory_space<hbm>>
    tpu.wait_indirect_dma semaphore(%arg7 : memref<!tpu.dma_semaphore, #tpu.memory_space<semaphore_mem>>) src(%dma_wait3A_69 : memref<100000x128xf32, #tpu.memory_space<hbm>>) dst(%dma_wait3A_63 : memref<128x128xf32, #tpu.memory_space<vmem>>)
    %parallel_loop3A = arith.constant 0 : i32
    %parallel_loop3A_70 = arith.constant 128 : i32
    %parallel_loop3A_71 = arith.constant 1 : i32
    scf.for %parallel_loop3A_199 = %parallel_loop3A to %parallel_loop3A_70 step %parallel_loop3A_71  : i32 {
      %parallel_loop3A_200 = arith.index_cast %parallel_loop3A_199 : i32 to index
      %parallel_loop3A_201 = arith.constant 0 : index
      %parallel_loop3A_202 = tpu.vector_load %arg6[%parallel_loop3A_200, %parallel_loop3A_201] {strides = array<i32>} : memref<512x128xf32, #tpu.memory_space<vmem>>, vector<1x16xf32>,
      %parallel_loop3A_203 = vector.shape_cast %parallel_loop3A_202 : vector<1x16xf32> to vector<16xf32>
      %parallel_loop3A_204 = arith.constant 0.000000e+00 : f32
      %parallel_loop3A_205 = vector.broadcast %parallel_loop3A_204 : f32 to vector<16xf32>
      %parallel_loop3A_206 = arith.subf %parallel_loop3A_205, %parallel_loop3A_203 : vector<16xf32>
      %parallel_loop3A_207 = math.exp %parallel_loop3A_206 : vector<16xf32>
      %parallel_loop3A_208 = arith.constant 1.000000e+00 : f32
      %parallel_loop3A_209 = vector.broadcast %parallel_loop3A_208 : f32 to vector<16xf32>
      %parallel_loop3A_210 = arith.addf %parallel_loop3A_209, %parallel_loop3A_207 : vector<16xf32>
      %parallel_loop3A_211 = arith.constant 1.000000e+00 : f32
      %parallel_loop3A_212 = vector.broadcast %parallel_loop3A_211 : f32 to vector<16xf32>
      %parallel_loop3A_213 = arith.divf %parallel_loop3A_212, %parallel_loop3A_210 : vector<16xf32>
      %parallel_loop3A_214 = vector.shape_cast %xor3A_54 : vector<16xi32> to vector<16x1xi32>
      %parallel_loop3A_215 = vector.shape_cast %parallel_loop3A_214 : vector<16x1xi32> to vector<16xi32>
      %parallel_loop3A_216 = tpu.dynamic_gather %parallel_loop3A_213[%parallel_loop3A_215] in [0] : vector<16xf32>, vector<16xi32> -> vector<16xf32>
      %parallel_loop3A_217 = arith.addf %parallel_loop3A_213, %parallel_loop3A_216 : vector<16xf32>
      %parallel_loop3A_218 = vector.shape_cast %xor3A_57 : vector<16xi32> to vector<16x1xi32>
      %parallel_loop3A_219 = vector.shape_cast %parallel_loop3A_218 : vector<16x1xi32> to vector<16xi32>
      %parallel_loop3A_220 = tpu.dynamic_gather %parallel_loop3A_217[%parallel_loop3A_219] in [0] : vector<16xf32>, vector<16xi32> -> vector<16xf32>
      %parallel_loop3A_221 = arith.addf %parallel_loop3A_217, %parallel_loop3A_220 : vector<16xf32>
      %parallel_loop3A_222 = vector.shape_cast %xor3A_60 : vector<16xi32> to vector<16x1xi32>
      %parallel_loop3A_223 = vector.shape_cast %parallel_loop3A_222 : vector<16x1xi32> to vector<16xi32>
      %parallel_loop3A_224 = tpu.dynamic_gather %parallel_loop3A_221[%parallel_loop3A_223] in [0] : vector<16xf32>, vector<16xi32> -> vector<16xf32>
      %parallel_loop3A_225 = arith.addf %parallel_loop3A_221, %parallel_loop3A_224 : vector<16xf32>
      %parallel_loop3A_226 = arith.constant 9.99999996E-13 : f32
      %parallel_loop3A_227 = vector.broadcast %parallel_loop3A_226 : f32 to vector<16xf32>
      %parallel_loop3A_228 = arith.addf %parallel_loop3A_225, %parallel_loop3A_227 : vector<16xf32>
      %parallel_loop3A_229 = arith.divf %parallel_loop3A_213, %parallel_loop3A_228 : vector<16xf32>
      %parallel_loop3A_230 = arith.index_cast %parallel_loop3A_199 : i32 to index
      %parallel_loop3A_231 = arith.constant 0 : index
      %parallel_loop3A_232 = tpu.vector_load %arg6[%parallel_loop3A_230, %parallel_loop3A_231] {strides = array<i32>} : memref<512x128xf32, #tpu.memory_space<vmem>>, vector<1x16xf32>,
      %parallel_loop3A_233 = vector.shape_cast %parallel_loop3A_232 : vector<1x16xf32> to vector<16xf32>
      %parallel_loop3A_234 = vector.shape_cast %parallel_loop3A_229 : vector<16xf32> to vector<1x16xf32>
      tpu.vector_store %arg6[%parallel_loop3A_230, %parallel_loop3A_231], %parallel_loop3A_234 {strides = array<i32>} : memref<512x128xf32, #tpu.memory_space<vmem>>, vector<1x16xf32>,
      %parallel_loop3A_235 = arith.index_cast %parallel_loop3A_199 : i32 to index
      %parallel_loop3A_236 = arith.constant 16 : index
      %parallel_loop3A_237 = tpu.vector_load %arg6[%parallel_loop3A_235, %parallel_loop3A_236] {strides = array<i32>} : memref<512x128xf32, #tpu.memory_space<vmem>>, vector<1x16xf32>,
      %parallel_loop3A_238 = vector.shape_cast %parallel_loop3A_237 : vector<1x16xf32> to vector<16xf32>
      %parallel_loop3A_239 = arith.constant 0.000000e+00 : f32
      %parallel_loop3A_240 = vector.broadcast %parallel_loop3A_239 : f32 to vector<16xf32>
      %parallel_loop3A_241 = arith.subf %parallel_loop3A_240, %parallel_loop3A_238 : vector<16xf32>
      %parallel_loop3A_242 = math.exp %parallel_loop3A_241 : vector<16xf32>
      %parallel_loop3A_243 = arith.constant 1.000000e+00 : f32
      %parallel_loop3A_244 = vector.broadcast %parallel_loop3A_243 : f32 to vector<16xf32>
      %parallel_loop3A_245 = arith.addf %parallel_loop3A_244, %parallel_loop3A_242 : vector<16xf32>
      %parallel_loop3A_246 = arith.constant 1.000000e+00 : f32
      %parallel_loop3A_247 = vector.broadcast %parallel_loop3A_246 : f32 to vector<16xf32>
      %parallel_loop3A_248 = arith.divf %parallel_loop3A_247, %parallel_loop3A_245 : vector<16xf32>
      %parallel_loop3A_249 = vector.shape_cast %xor3A_54 : vector<16xi32> to vector<16x1xi32>
      %parallel_loop3A_250 = vector.shape_cast %parallel_loop3A_249 : vector<16x1xi32> to vector<16xi32>
      %parallel_loop3A_251 = tpu.dynamic_gather %parallel_loop3A_248[%parallel_loop3A_250] in [0] : vector<16xf32>, vector<16xi32> -> vector<16xf32>
      %parallel_loop3A_252 = arith.addf %parallel_loop3A_248, %parallel_loop3A_251 : vector<16xf32>
      %parallel_loop3A_253 = vector.shape_cast %xor3A_57 : vector<16xi32> to vector<16x1xi32>
      %parallel_loop3A_254 = vector.shape_cast %parallel_loop3A_253 : vector<16x1xi32> to vector<16xi32>
      %parallel_loop3A_255 = tpu.dynamic_gather %parallel_loop3A_252[%parallel_loop3A_254] in [0] : vector<16xf32>, vector<16xi32> -> vector<16xf32>
      %parallel_loop3A_256 = arith.addf %parallel_loop3A_252, %parallel_loop3A_255 : vector<16xf32>
      %parallel_loop3A_257 = vector.shape_cast %xor3A_60 : vector<16xi32> to vector<16x1xi32>
      %parallel_loop3A_258 = vector.shape_cast %parallel_loop3A_257 : vector<16x1xi32> to vector<16xi32>
      %parallel_loop3A_259 = tpu.dynamic_gather %parallel_loop3A_256[%parallel_loop3A_258] in [0] : vector<16xf32>, vector<16xi32> -> vector<16xf32>
      %parallel_loop3A_260 = arith.addf %parallel_loop3A_256, %parallel_loop3A_259 : vector<16xf32>
      %parallel_loop3A_261 = arith.constant 9.99999996E-13 : f32
      %parallel_loop3A_262 = vector.broadcast %parallel_loop3A_261 : f32 to vector<16xf32>
      %parallel_loop3A_263 = arith.addf %parallel_loop3A_260, %parallel_loop3A_262 : vector<16xf32>
      %parallel_loop3A_264 = arith.divf %parallel_loop3A_248, %parallel_loop3A_263 : vector<16xf32>
      %parallel_loop3A_265 = arith.index_cast %parallel_loop3A_199 : i32 to index
      %parallel_loop3A_266 = arith.constant 16 : index
      %parallel_loop3A_267 = tpu.vector_load %arg6[%parallel_loop3A_265, %parallel_loop3A_266] {strides = array<i32>} : memref<512x128xf32, #tpu.memory_space<vmem>>, vector<1x16xf32>,
      %parallel_loop3A_268 = vector.shape_cast %parallel_loop3A_267 : vector<1x16xf32> to vector<16xf32>
      %parallel_loop3A_269 = vector.shape_cast %parallel_loop3A_264 : vector<16xf32> to vector<1x16xf32>
      tpu.vector_store %arg6[%parallel_loop3A_265, %parallel_loop3A_266], %parallel_loop3A_269 {strides = array<i32>} : memref<512x128xf32, #tpu.memory_space<vmem>>, vector<1x16xf32>,
      %parallel_loop3A_270 = arith.index_cast %parallel_loop3A_199 : i32 to index
      %parallel_loop3A_271 = arith.constant 32 : index
      %parallel_loop3A_272 = tpu.vector_load %arg6[%parallel_loop3A_270, %parallel_loop3A_271] {strides = array<i32>} : memref<512x128xf32, #tpu.memory_space<vmem>>, vector<1x16xf32>,
      %parallel_loop3A_273 = vector.shape_cast %parallel_loop3A_272 : vector<1x16xf32> to vector<16xf32>
      %parallel_loop3A_274 = arith.constant 0.000000e+00 : f32
      %parallel_loop3A_275 = vector.broadcast %parallel_loop3A_274 : f32 to vector<16xf32>
      %parallel_loop3A_276 = arith.subf %parallel_loop3A_275, %parallel_loop3A_273 : vector<16xf32>
      %parallel_loop3A_277 = math.exp %parallel_loop3A_276 : vector<16xf32>
      %parallel_loop3A_278 = arith.constant 1.000000e+00 : f32
      %parallel_loop3A_279 = vector.broadcast %parallel_loop3A_278 : f32 to vector<16xf32>
      %parallel_loop3A_280 = arith.addf %parallel_loop3A_279, %parallel_loop3A_277 : vector<16xf32>
      %parallel_loop3A_281 = arith.constant 1.000000e+00 : f32
      %parallel_loop3A_282 = vector.broadcast %parallel_loop3A_281 : f32 to vector<16xf32>
      %parallel_loop3A_283 = arith.divf %parallel_loop3A_282, %parallel_loop3A_280 : vector<16xf32>
      %parallel_loop3A_284 = vector.shape_cast %xor3A_54 : vector<16xi32> to vector<16x1xi32>
      %parallel_loop3A_285 = vector.shape_cast %parallel_loop3A_284 : vector<16x1xi32> to vector<16xi32>
      %parallel_loop3A_286 = tpu.dynamic_gather %parallel_loop3A_283[%parallel_loop3A_285] in [0] : vector<16xf32>, vector<16xi32> -> vector<16xf32>
      %parallel_loop3A_287 = arith.addf %parallel_loop3A_283, %parallel_loop3A_286 : vector<16xf32>
      %parallel_loop3A_288 = vector.shape_cast %xor3A_57 : vector<16xi32> to vector<16x1xi32>
      %parallel_loop3A_289 = vector.shape_cast %parallel_loop3A_288 : vector<16x1xi32> to vector<16xi32>
      %parallel_loop3A_290 = tpu.dynamic_gather %parallel_loop3A_287[%parallel_loop3A_289] in [0] : vector<16xf32>, vector<16xi32> -> vector<16xf32>
      %parallel_loop3A_291 = arith.addf %parallel_loop3A_287, %parallel_loop3A_290 : vector<16xf32>
      %parallel_loop3A_292 = vector.shape_cast %xor3A_60 : vector<16xi32> to vector<16x1xi32>
      %parallel_loop3A_293 = vector.shape_cast %parallel_loop3A_292 : vector<16x1xi32> to vector<16xi32>
      %parallel_loop3A_294 = tpu.dynamic_gather %parallel_loop3A_291[%parallel_loop3A_293] in [0] : vector<16xf32>, vector<16xi32> -> vector<16xf32>
      %parallel_loop3A_295 = arith.addf %parallel_loop3A_291, %parallel_loop3A_294 : vector<16xf32>
      %parallel_loop3A_296 = arith.constant 9.99999996E-13 : f32
      %parallel_loop3A_297 = vector.broadcast %parallel_loop3A_296 : f32 to vector<16xf32>
      %parallel_loop3A_298 = arith.addf %parallel_loop3A_295, %parallel_loop3A_297 : vector<16xf32>
      %parallel_loop3A_299 = arith.divf %parallel_loop3A_283, %parallel_loop3A_298 : vector<16xf32>
      %parallel_loop3A_300 = arith.index_cast %parallel_loop3A_199 : i32 to index
      %parallel_loop3A_301 = arith.constant 32 : index
      %parallel_loop3A_302 = tpu.vector_load %arg6[%parallel_loop3A_300, %parallel_loop3A_301] {strides = array<i32>} : memref<512x128xf32, #tpu.memory_space<vmem>>, vector<1x16xf32>,
      %parallel_loop3A_303 = vector.shape_cast %parallel_loop3A_302 : vector<1x16xf32> to vector<16xf32>
      %parallel_loop3A_304 = vector.shape_cast %parallel_loop3A_299 : vector<16xf32> to vector<1x16xf32>
      tpu.vector_store %arg6[%parallel_loop3A_300, %parallel_loop3A_301], %parallel_loop3A_304 {strides = array<i32>} : memref<512x128xf32, #tpu.memory_space<vmem>>, vector<1x16xf32>,
      %parallel_loop3A_305 = arith.index_cast %parallel_loop3A_199 : i32 to index
      %parallel_loop3A_306 = arith.constant 48 : index
      %parallel_loop3A_307 = tpu.vector_load %arg6[%parallel_loop3A_305, %parallel_loop3A_306] {strides = array<i32>} : memref<512x128xf32, #tpu.memory_space<vmem>>, vector<1x16xf32>,
      %parallel_loop3A_308 = vector.shape_cast %parallel_loop3A_307 : vector<1x16xf32> to vector<16xf32>
      %parallel_loop3A_309 = arith.constant 0.000000e+00 : f32
      %parallel_loop3A_310 = vector.broadcast %parallel_loop3A_309 : f32 to vector<16xf32>
      %parallel_loop3A_311 = arith.subf %parallel_loop3A_310, %parallel_loop3A_308 : vector<16xf32>
      %parallel_loop3A_312 = math.exp %parallel_loop3A_311 : vector<16xf32>
      %parallel_loop3A_313 = arith.constant 1.000000e+00 : f32
      %parallel_loop3A_314 = vector.broadcast %parallel_loop3A_313 : f32 to vector<16xf32>
      %parallel_loop3A_315 = arith.addf %parallel_loop3A_314, %parallel_loop3A_312 : vector<16xf32>
      %parallel_loop3A_316 = arith.constant 1.000000e+00 : f32
      %parallel_loop3A_317 = vector.broadcast %parallel_loop3A_316 : f32 to vector<16xf32>
      %parallel_loop3A_318 = arith.divf %parallel_loop3A_317, %parallel_loop3A_315 : vector<16xf32>
      %parallel_loop3A_319 = vector.shape_cast %xor3A_54 : vector<16xi32> to vector<16x1xi32>
      %parallel_loop3A_320 = vector.shape_cast %parallel_loop3A_319 : vector<16x1xi32> to vector<16xi32>
      %parallel_loop3A_321 = tpu.dynamic_gather %parallel_loop3A_318[%parallel_loop3A_320] in [0] : vector<16xf32>, vector<16xi32> -> vector<16xf32>
      %parallel_loop3A_322 = arith.addf %parallel_loop3A_318, %parallel_loop3A_321 : vector<16xf32>
      %parallel_loop3A_323 = vector.shape_cast %xor3A_57 : vector<16xi32> to vector<16x1xi32>
      %parallel_loop3A_324 = vector.shape_cast %parallel_loop3A_323 : vector<16x1xi32> to vector<16xi32>
      %parallel_loop3A_325 = tpu.dynamic_gather %parallel_loop3A_322[%parallel_loop3A_324] in [0] : vector<16xf32>, vector<16xi32> -> vector<16xf32>
      %parallel_loop3A_326 = arith.addf %parallel_loop3A_322, %parallel_loop3A_325 : vector<16xf32>
      %parallel_loop3A_327 = vector.shape_cast %xor3A_60 : vector<16xi32> to vector<16x1xi32>
      %parallel_loop3A_328 = vector.shape_cast %parallel_loop3A_327 : vector<16x1xi32> to vector<16xi32>
      %parallel_loop3A_329 = tpu.dynamic_gather %parallel_loop3A_326[%parallel_loop3A_328] in [0] : vector<16xf32>, vector<16xi32> -> vector<16xf32>
      %parallel_loop3A_330 = arith.addf %parallel_loop3A_326, %parallel_loop3A_329 : vector<16xf32>
      %parallel_loop3A_331 = arith.constant 9.99999996E-13 : f32
      %parallel_loop3A_332 = vector.broadcast %parallel_loop3A_331 : f32 to vector<16xf32>
      %parallel_loop3A_333 = arith.addf %parallel_loop3A_330, %parallel_loop3A_332 : vector<16xf32>
      %parallel_loop3A_334 = arith.divf %parallel_loop3A_318, %parallel_loop3A_333 : vector<16xf32>
      %parallel_loop3A_335 = arith.index_cast %parallel_loop3A_199 : i32 to index
      %parallel_loop3A_336 = arith.constant 48 : index
      %parallel_loop3A_337 = tpu.vector_load %arg6[%parallel_loop3A_335, %parallel_loop3A_336] {strides = array<i32>} : memref<512x128xf32, #tpu.memory_space<vmem>>, vector<1x16xf32>,
      %parallel_loop3A_338 = vector.shape_cast %parallel_loop3A_337 : vector<1x16xf32> to vector<16xf32>
      %parallel_loop3A_339 = vector.shape_cast %parallel_loop3A_334 : vector<16xf32> to vector<1x16xf32>
      tpu.vector_store %arg6[%parallel_loop3A_335, %parallel_loop3A_336], %parallel_loop3A_339 {strides = array<i32>} : memref<512x128xf32, #tpu.memory_space<vmem>>, vector<1x16xf32>,
      %parallel_loop3A_340 = arith.index_cast %parallel_loop3A_199 : i32 to index
      %parallel_loop3A_341 = arith.constant 64 : index
      %parallel_loop3A_342 = tpu.vector_load %arg6[%parallel_loop3A_340, %parallel_loop3A_341] {strides = array<i32>} : memref<512x128xf32, #tpu.memory_space<vmem>>, vector<1x16xf32>,
      %parallel_loop3A_343 = vector.shape_cast %parallel_loop3A_342 : vector<1x16xf32> to vector<16xf32>
      %parallel_loop3A_344 = arith.constant 0.000000e+00 : f32
      %parallel_loop3A_345 = vector.broadcast %parallel_loop3A_344 : f32 to vector<16xf32>
      %parallel_loop3A_346 = arith.subf %parallel_loop3A_345, %parallel_loop3A_343 : vector<16xf32>
      %parallel_loop3A_347 = math.exp %parallel_loop3A_346 : vector<16xf32>
      %parallel_loop3A_348 = arith.constant 1.000000e+00 : f32
      %parallel_loop3A_349 = vector.broadcast %parallel_loop3A_348 : f32 to vector<16xf32>
      %parallel_loop3A_350 = arith.addf %parallel_loop3A_349, %parallel_loop3A_347 : vector<16xf32>
      %parallel_loop3A_351 = arith.constant 1.000000e+00 : f32
      %parallel_loop3A_352 = vector.broadcast %parallel_loop3A_351 : f32 to vector<16xf32>
      %parallel_loop3A_353 = arith.divf %parallel_loop3A_352, %parallel_loop3A_350 : vector<16xf32>
      %parallel_loop3A_354 = vector.shape_cast %xor3A_54 : vector<16xi32> to vector<16x1xi32>
      %parallel_loop3A_355 = vector.shape_cast %parallel_loop3A_354 : vector<16x1xi32> to vector<16xi32>
      %parallel_loop3A_356 = tpu.dynamic_gather %parallel_loop3A_353[%parallel_loop3A_355] in [0] : vector<16xf32>, vector<16xi32> -> vector<16xf32>
      %parallel_loop3A_357 = arith.addf %parallel_loop3A_353, %parallel_loop3A_356 : vector<16xf32>
      %parallel_loop3A_358 = vector.shape_cast %xor3A_57 : vector<16xi32> to vector<16x1xi32>
      %parallel_loop3A_359 = vector.shape_cast %parallel_loop3A_358 : vector<16x1xi32> to vector<16xi32>
      %parallel_loop3A_360 = tpu.dynamic_gather %parallel_loop3A_357[%parallel_loop3A_359] in [0] : vector<16xf32>, vector<16xi32> -> vector<16xf32>
      %parallel_loop3A_361 = arith.addf %parallel_loop3A_357, %parallel_loop3A_360 : vector<16xf32>
      %parallel_loop3A_362 = vector.shape_cast %xor3A_60 : vector<16xi32> to vector<16x1xi32>
      %parallel_loop3A_363 = vector.shape_cast %parallel_loop3A_362 : vector<16x1xi32> to vector<16xi32>
      %parallel_loop3A_364 = tpu.dynamic_gather %parallel_loop3A_361[%parallel_loop3A_363] in [0] : vector<16xf32>, vector<16xi32> -> vector<16xf32>
      %parallel_loop3A_365 = arith.addf %parallel_loop3A_361, %parallel_loop3A_364 : vector<16xf32>
      %parallel_loop3A_366 = arith.constant 9.99999996E-13 : f32
      %parallel_loop3A_367 = vector.broadcast %parallel_loop3A_366 : f32 to vector<16xf32>
      %parallel_loop3A_368 = arith.addf %parallel_loop3A_365, %parallel_loop3A_367 : vector<16xf32>
      %parallel_loop3A_369 = arith.divf %parallel_loop3A_353, %parallel_loop3A_368 : vector<16xf32>
      %parallel_loop3A_370 = arith.index_cast %parallel_loop3A_199 : i32 to index
      %parallel_loop3A_371 = arith.constant 64 : index
      %parallel_loop3A_372 = tpu.vector_load %arg6[%parallel_loop3A_370, %parallel_loop3A_371] {strides = array<i32>} : memref<512x128xf32, #tpu.memory_space<vmem>>, vector<1x16xf32>,
      %parallel_loop3A_373 = vector.shape_cast %parallel_loop3A_372 : vector<1x16xf32> to vector<16xf32>
      %parallel_loop3A_374 = vector.shape_cast %parallel_loop3A_369 : vector<16xf32> to vector<1x16xf32>
      tpu.vector_store %arg6[%parallel_loop3A_370, %parallel_loop3A_371], %parallel_loop3A_374 {strides = array<i32>} : memref<512x128xf32, #tpu.memory_space<vmem>>, vector<1x16xf32>,
      %parallel_loop3A_375 = arith.index_cast %parallel_loop3A_199 : i32 to index
      %parallel_loop3A_376 = arith.constant 80 : index
      %parallel_loop3A_377 = tpu.vector_load %arg6[%parallel_loop3A_375, %parallel_loop3A_376] {strides = array<i32>} : memref<512x128xf32, #tpu.memory_space<vmem>>, vector<1x16xf32>,
      %parallel_loop3A_378 = vector.shape_cast %parallel_loop3A_377 : vector<1x16xf32> to vector<16xf32>
      %parallel_loop3A_379 = arith.constant 0.000000e+00 : f32
      %parallel_loop3A_380 = vector.broadcast %parallel_loop3A_379 : f32 to vector<16xf32>
      %parallel_loop3A_381 = arith.subf %parallel_loop3A_380, %parallel_loop3A_378 : vector<16xf32>
      %parallel_loop3A_382 = math.exp %parallel_loop3A_381 : vector<16xf32>
      %parallel_loop3A_383 = arith.constant 1.000000e+00 : f32
      %parallel_loop3A_384 = vector.broadcast %parallel_loop3A_383 : f32 to vector<16xf32>
      %parallel_loop3A_385 = arith.addf %parallel_loop3A_384, %parallel_loop3A_382 : vector<16xf32>
      %parallel_loop3A_386 = arith.constant 1.000000e+00 : f32
      %parallel_loop3A_387 = vector.broadcast %parallel_loop3A_386 : f32 to vector<16xf32>
      %parallel_loop3A_388 = arith.divf %parallel_loop3A_387, %parallel_loop3A_385 : vector<16xf32>
      %parallel_loop3A_389 = vector.shape_cast %xor3A_54 : vector<16xi32> to vector<16x1xi32>
      %parallel_loop3A_390 = vector.shape_cast %parallel_loop3A_389 : vector<16x1xi32> to vector<16xi32>
      %parallel_loop3A_391 = tpu.dynamic_gather %parallel_loop3A_388[%parallel_loop3A_390] in [0] : vector<16xf32>, vector<16xi32> -> vector<16xf32>
      %parallel_loop3A_392 = arith.addf %parallel_loop3A_388, %parallel_loop3A_391 : vector<16xf32>
      %parallel_loop3A_393 = vector.shape_cast %xor3A_57 : vector<16xi32> to vector<16x1xi32>
      %parallel_loop3A_394 = vector.shape_cast %parallel_loop3A_393 : vector<16x1xi32> to vector<16xi32>
      %parallel_loop3A_395 = tpu.dynamic_gather %parallel_loop3A_392[%parallel_loop3A_394] in [0] : vector<16xf32>, vector<16xi32> -> vector<16xf32>
      %parallel_loop3A_396 = arith.addf %parallel_loop3A_392, %parallel_loop3A_395 : vector<16xf32>
      %parallel_loop3A_397 = vector.shape_cast %xor3A_60 : vector<16xi32> to vector<16x1xi32>
      %parallel_loop3A_398 = vector.shape_cast %parallel_loop3A_397 : vector<16x1xi32> to vector<16xi32>
      %parallel_loop3A_399 = tpu.dynamic_gather %parallel_loop3A_396[%parallel_loop3A_398] in [0] : vector<16xf32>, vector<16xi32> -> vector<16xf32>
      %parallel_loop3A_400 = arith.addf %parallel_loop3A_396, %parallel_loop3A_399 : vector<16xf32>
      %parallel_loop3A_401 = arith.constant 9.99999996E-13 : f32
      %parallel_loop3A_402 = vector.broadcast %parallel_loop3A_401 : f32 to vector<16xf32>
      %parallel_loop3A_403 = arith.addf %parallel_loop3A_400, %parallel_loop3A_402 : vector<16xf32>
      %parallel_loop3A_404 = arith.divf %parallel_loop3A_388, %parallel_loop3A_403 : vector<16xf32>
      %parallel_loop3A_405 = arith.index_cast %parallel_loop3A_199 : i32 to index
      %parallel_loop3A_406 = arith.constant 80 : index
      %parallel_loop3A_407 = tpu.vector_load %arg6[%parallel_loop3A_405, %parallel_loop3A_406] {strides = array<i32>} : memref<512x128xf32, #tpu.memory_space<vmem>>, vector<1x16xf32>,
      %parallel_loop3A_408 = vector.shape_cast %parallel_loop3A_407 : vector<1x16xf32> to vector<16xf32>
      %parallel_loop3A_409 = vector.shape_cast %parallel_loop3A_404 : vector<16xf32> to vector<1x16xf32>
      tpu.vector_store %arg6[%parallel_loop3A_405, %parallel_loop3A_406], %parallel_loop3A_409 {strides = array<i32>} : memref<512x128xf32, #tpu.memory_space<vmem>>, vector<1x16xf32>,
      %parallel_loop3A_410 = arith.index_cast %parallel_loop3A_199 : i32 to index
      %parallel_loop3A_411 = arith.constant 96 : index
      %parallel_loop3A_412 = tpu.vector_load %arg6[%parallel_loop3A_410, %parallel_loop3A_411] {strides = array<i32>} : memref<512x128xf32, #tpu.memory_space<vmem>>, vector<1x16xf32>,
      %parallel_loop3A_413 = vector.shape_cast %parallel_loop3A_412 : vector<1x16xf32> to vector<16xf32>
      %parallel_loop3A_414 = arith.constant 0.000000e+00 : f32
      %parallel_loop3A_415 = vector.broadcast %parallel_loop3A_414 : f32 to vector<16xf32>
      %parallel_loop3A_416 = arith.subf %parallel_loop3A_415, %parallel_loop3A_413 : vector<16xf32>
      %parallel_loop3A_417 = math.exp %parallel_loop3A_416 : vector<16xf32>
      %parallel_loop3A_418 = arith.constant 1.000000e+00 : f32
      %parallel_loop3A_419 = vector.broadcast %parallel_loop3A_418 : f32 to vector<16xf32>
      %parallel_loop3A_420 = arith.addf %parallel_loop3A_419, %parallel_loop3A_417 : vector<16xf32>
      %parallel_loop3A_421 = arith.constant 1.000000e+00 : f32
      %parallel_loop3A_422 = vector.broadcast %parallel_loop3A_421 : f32 to vector<16xf32>
      %parallel_loop3A_423 = arith.divf %parallel_loop3A_422, %parallel_loop3A_420 : vector<16xf32>
      %parallel_loop3A_424 = vector.shape_cast %xor3A_54 : vector<16xi32> to vector<16x1xi32>
      %parallel_loop3A_425 = vector.shape_cast %parallel_loop3A_424 : vector<16x1xi32> to vector<16xi32>
      %parallel_loop3A_426 = tpu.dynamic_gather %parallel_loop3A_423[%parallel_loop3A_425] in [0] : vector<16xf32>, vector<16xi32> -> vector<16xf32>
      %parallel_loop3A_427 = arith.addf %parallel_loop3A_423, %parallel_loop3A_426 : vector<16xf32>
      %parallel_loop3A_428 = vector.shape_cast %xor3A_57 : vector<16xi32> to vector<16x1xi32>
      %parallel_loop3A_429 = vector.shape_cast %parallel_loop3A_428 : vector<16x1xi32> to vector<16xi32>
      %parallel_loop3A_430 = tpu.dynamic_gather %parallel_loop3A_427[%parallel_loop3A_429] in [0] : vector<16xf32>, vector<16xi32> -> vector<16xf32>
      %parallel_loop3A_431 = arith.addf %parallel_loop3A_427, %parallel_loop3A_430 : vector<16xf32>
      %parallel_loop3A_432 = vector.shape_cast %xor3A_60 : vector<16xi32> to vector<16x1xi32>
      %parallel_loop3A_433 = vector.shape_cast %parallel_loop3A_432 : vector<16x1xi32> to vector<16xi32>
      %parallel_loop3A_434 = tpu.dynamic_gather %parallel_loop3A_431[%parallel_loop3A_433] in [0] : vector<16xf32>, vector<16xi32> -> vector<16xf32>
      %parallel_loop3A_435 = arith.addf %parallel_loop3A_431, %parallel_loop3A_434 : vector<16xf32>
      %parallel_loop3A_436 = arith.constant 9.99999996E-13 : f32
      %parallel_loop3A_437 = vector.broadcast %parallel_loop3A_436 : f32 to vector<16xf32>
      %parallel_loop3A_438 = arith.addf %parallel_loop3A_435, %parallel_loop3A_437 : vector<16xf32>
      %parallel_loop3A_439 = arith.divf %parallel_loop3A_423, %parallel_loop3A_438 : vector<16xf32>
      %parallel_loop3A_440 = arith.index_cast %parallel_loop3A_199 : i32 to index
      %parallel_loop3A_441 = arith.constant 96 : index
      %parallel_loop3A_442 = tpu.vector_load %arg6[%parallel_loop3A_440, %parallel_loop3A_441] {strides = array<i32>} : memref<512x128xf32, #tpu.memory_space<vmem>>, vector<1x16xf32>,
      %parallel_loop3A_443 = vector.shape_cast %parallel_loop3A_442 : vector<1x16xf32> to vector<16xf32>
      %parallel_loop3A_444 = vector.shape_cast %parallel_loop3A_439 : vector<16xf32> to vector<1x16xf32>
      tpu.vector_store %arg6[%parallel_loop3A_440, %parallel_loop3A_441], %parallel_loop3A_444 {strides = array<i32>} : memref<512x128xf32, #tpu.memory_space<vmem>>, vector<1x16xf32>,
      %parallel_loop3A_445 = arith.index_cast %parallel_loop3A_199 : i32 to index
      %parallel_loop3A_446 = arith.constant 112 : index
      %parallel_loop3A_447 = tpu.vector_load %arg6[%parallel_loop3A_445, %parallel_loop3A_446] {strides = array<i32>} : memref<512x128xf32, #tpu.memory_space<vmem>>, vector<1x16xf32>,
      %parallel_loop3A_448 = vector.shape_cast %parallel_loop3A_447 : vector<1x16xf32> to vector<16xf32>
      %parallel_loop3A_449 = arith.constant 0.000000e+00 : f32
      %parallel_loop3A_450 = vector.broadcast %parallel_loop3A_449 : f32 to vector<16xf32>
      %parallel_loop3A_451 = arith.subf %parallel_loop3A_450, %parallel_loop3A_448 : vector<16xf32>
      %parallel_loop3A_452 = math.exp %parallel_loop3A_451 : vector<16xf32>
      %parallel_loop3A_453 = arith.constant 1.000000e+00 : f32
      %parallel_loop3A_454 = vector.broadcast %parallel_loop3A_453 : f32 to vector<16xf32>
      %parallel_loop3A_455 = arith.addf %parallel_loop3A_454, %parallel_loop3A_452 : vector<16xf32>
      %parallel_loop3A_456 = arith.constant 1.000000e+00 : f32
      %parallel_loop3A_457 = vector.broadcast %parallel_loop3A_456 : f32 to vector<16xf32>
      %parallel_loop3A_458 = arith.divf %parallel_loop3A_457, %parallel_loop3A_455 : vector<16xf32>
      %parallel_loop3A_459 = vector.shape_cast %xor3A_54 : vector<16xi32> to vector<16x1xi32>
      %parallel_loop3A_460 = vector.shape_cast %parallel_loop3A_459 : vector<16x1xi32> to vector<16xi32>
      %parallel_loop3A_461 = tpu.dynamic_gather %parallel_loop3A_458[%parallel_loop3A_460] in [0] : vector<16xf32>, vector<16xi32> -> vector<16xf32>
      %parallel_loop3A_462 = arith.addf %parallel_loop3A_458, %parallel_loop3A_461 : vector<16xf32>
      %parallel_loop3A_463 = vector.shape_cast %xor3A_57 : vector<16xi32> to vector<16x1xi32>
      %parallel_loop3A_464 = vector.shape_cast %parallel_loop3A_463 : vector<16x1xi32> to vector<16xi32>
      %parallel_loop3A_465 = tpu.dynamic_gather %parallel_loop3A_462[%parallel_loop3A_464] in [0] : vector<16xf32>, vector<16xi32> -> vector<16xf32>
      %parallel_loop3A_466 = arith.addf %parallel_loop3A_462, %parallel_loop3A_465 : vector<16xf32>
      %parallel_loop3A_467 = vector.shape_cast %xor3A_60 : vector<16xi32> to vector<16x1xi32>
      %parallel_loop3A_468 = vector.shape_cast %parallel_loop3A_467 : vector<16x1xi32> to vector<16xi32>
      %parallel_loop3A_469 = tpu.dynamic_gather %parallel_loop3A_466[%parallel_loop3A_468] in [0] : vector<16xf32>, vector<16xi32> -> vector<16xf32>
      %parallel_loop3A_470 = arith.addf %parallel_loop3A_466, %parallel_loop3A_469 : vector<16xf32>
      %parallel_loop3A_471 = arith.constant 9.99999996E-13 : f32
      %parallel_loop3A_472 = vector.broadcast %parallel_loop3A_471 : f32 to vector<16xf32>
      %parallel_loop3A_473 = arith.addf %parallel_loop3A_470, %parallel_loop3A_472 : vector<16xf32>
      %parallel_loop3A_474 = arith.divf %parallel_loop3A_458, %parallel_loop3A_473 : vector<16xf32>
      %parallel_loop3A_475 = arith.index_cast %parallel_loop3A_199 : i32 to index
      %parallel_loop3A_476 = arith.constant 112 : index
      %parallel_loop3A_477 = tpu.vector_load %arg6[%parallel_loop3A_475, %parallel_loop3A_476] {strides = array<i32>} : memref<512x128xf32, #tpu.memory_space<vmem>>, vector<1x16xf32>,
      %parallel_loop3A_478 = vector.shape_cast %parallel_loop3A_477 : vector<1x16xf32> to vector<16xf32>
      %parallel_loop3A_479 = vector.shape_cast %parallel_loop3A_474 : vector<16xf32> to vector<1x16xf32>
      tpu.vector_store %arg6[%parallel_loop3A_475, %parallel_loop3A_476], %parallel_loop3A_479 {strides = array<i32>} : memref<512x128xf32, #tpu.memory_space<vmem>>, vector<1x16xf32>,
    } {sc.loop_unroll_factor = 2 : i64, sc.parallel_access}
    %add3A_72 = arith.constant 0 : i32
    %add3A_73 = arith.addi %mul3A_2, %add3A_72 : i32
    %dma_start3A_74 = arith.constant 0 : i32
    %dma_start3A_75 = arith.constant 0 : i32
    %dma_start3A_76 = tpu.memref_slice %arg6[%dma_start3A_74, %dma_start3A_75] : memref<512x128xf32, #tpu.memory_space<vmem>> -> memref<128x128xf32, #tpu.memory_space<vmem>>
    %dma_start3A_77 = arith.constant 0 : i32
    %dma_start3A_78 = tpu.memref_slice %arg4[%add3A_73, %dma_start3A_77] : memref<16384x128xf32, #tpu.memory_space<hbm>> -> memref<128x128xf32, #tpu.memory_space<hbm>>
    %dma_start3A_79 = arith.constant 0 : i32
    %dma_start3A_80 = tpu.memref_slice %arg4[%add3A_73, %dma_start3A_79] : memref<16384x128xf32, #tpu.memory_space<hbm>> -> memref<128x128xf32, #tpu.memory_space<hbm>>
    %dma_start3A_81 = arith.constant 0 : i32
    %dma_start3A_82 = arith.constant 0 : i32
    %dma_start3A_83 = tpu.memref_slice %arg6[%dma_start3A_81, %dma_start3A_82] : memref<512x128xf32, #tpu.memory_space<vmem>> -> memref<128x128xf32, #tpu.memory_space<vmem>>
    tpu.enqueue_dma source(%dma_start3A_83 : memref<128x128xf32, #tpu.memory_space<vmem>>) target(%dma_start3A_80 : memref<128x128xf32, #tpu.memory_space<hbm>>) target_semaphore(%arg8 : memref<!tpu.dma_semaphore, #tpu.memory_space<semaphore_mem>>)
    %dma_wait3A_84 = arith.constant 1 : i32
    %dma_wait3A_85 = arith.constant 128 : i32
    %dma_wait3A_86 = arith.constant 0 : i32
    %dma_wait3A_87 = tpu.memref_slice %arg6[%dma_wait3A_85, %dma_wait3A_86] : memref<512x128xf32, #tpu.memory_space<vmem>> -> memref<128x128xf32, #tpu.memory_space<vmem>>
    %dma_wait3A_88 = arith.constant 0 : i32
    %dma_wait3A_89 = tpu.memref_slice %arg5[%dma_wait3A_84, %dma_wait3A_88] : memref<4x128xi32, #tpu.memory_space<vmem>> -> memref<1x128xi32, #tpu.memory_space<vmem>>
    %dma_wait3A_90 = tpu.memref_squeeze %dma_wait3A_89 : memref<1x128xi32, #tpu.memory_space<vmem>> -> memref<128xi32, #tpu.memory_space<vmem>>
    %dma_wait3A_91 = arith.constant 0 : i32
    %dma_wait3A_92 = arith.constant 0 : i32
    %dma_wait3A_93 = tpu.memref_slice %arg2[%dma_wait3A_91, %dma_wait3A_92] : memref<100000x128xf32, #tpu.memory_space<hbm>> -> memref<100000x128xf32, #tpu.memory_space<hbm>>
    tpu.wait_indirect_dma semaphore(%arg7 : memref<!tpu.dma_semaphore, #tpu.memory_space<semaphore_mem>>) src(%dma_wait3A_93 : memref<100000x128xf32, #tpu.memory_space<hbm>>) dst(%dma_wait3A_87 : memref<128x128xf32, #tpu.memory_space<vmem>>)
    %parallel_loop3A_94 = arith.constant 128 : i32
    %parallel_loop3A_95 = arith.constant 256 : i32
    %parallel_loop3A_96 = arith.constant 1 : i32
    scf.for %parallel_loop3A_199 = %parallel_loop3A_94 to %parallel_loop3A_95 step %parallel_loop3A_96  : i32 {
      %parallel_loop3A_200 = arith.index_cast %parallel_loop3A_199 : i32 to index
      %parallel_loop3A_201 = arith.constant 0 : index
      %parallel_loop3A_202 = tpu.vector_load %arg6[%parallel_loop3A_200, %parallel_loop3A_201] {strides = array<i32>} : memref<512x128xf32, #tpu.memory_space<vmem>>, vector<1x16xf32>,
      %parallel_loop3A_203 = vector.shape_cast %parallel_loop3A_202 : vector<1x16xf32> to vector<16xf32>
      %parallel_loop3A_204 = arith.constant 0.000000e+00 : f32
      %parallel_loop3A_205 = vector.broadcast %parallel_loop3A_204 : f32 to vector<16xf32>
      %parallel_loop3A_206 = arith.subf %parallel_loop3A_205, %parallel_loop3A_203 : vector<16xf32>
      %parallel_loop3A_207 = math.exp %parallel_loop3A_206 : vector<16xf32>
      %parallel_loop3A_208 = arith.constant 1.000000e+00 : f32
      %parallel_loop3A_209 = vector.broadcast %parallel_loop3A_208 : f32 to vector<16xf32>
      %parallel_loop3A_210 = arith.addf %parallel_loop3A_209, %parallel_loop3A_207 : vector<16xf32>
      %parallel_loop3A_211 = arith.constant 1.000000e+00 : f32
      %parallel_loop3A_212 = vector.broadcast %parallel_loop3A_211 : f32 to vector<16xf32>
      %parallel_loop3A_213 = arith.divf %parallel_loop3A_212, %parallel_loop3A_210 : vector<16xf32>
      %parallel_loop3A_214 = vector.shape_cast %xor3A_54 : vector<16xi32> to vector<16x1xi32>
      %parallel_loop3A_215 = vector.shape_cast %parallel_loop3A_214 : vector<16x1xi32> to vector<16xi32>
      %parallel_loop3A_216 = tpu.dynamic_gather %parallel_loop3A_213[%parallel_loop3A_215] in [0] : vector<16xf32>, vector<16xi32> -> vector<16xf32>
      %parallel_loop3A_217 = arith.addf %parallel_loop3A_213, %parallel_loop3A_216 : vector<16xf32>
      %parallel_loop3A_218 = vector.shape_cast %xor3A_57 : vector<16xi32> to vector<16x1xi32>
      %parallel_loop3A_219 = vector.shape_cast %parallel_loop3A_218 : vector<16x1xi32> to vector<16xi32>
      %parallel_loop3A_220 = tpu.dynamic_gather %parallel_loop3A_217[%parallel_loop3A_219] in [0] : vector<16xf32>, vector<16xi32> -> vector<16xf32>
      %parallel_loop3A_221 = arith.addf %parallel_loop3A_217, %parallel_loop3A_220 : vector<16xf32>
      %parallel_loop3A_222 = vector.shape_cast %xor3A_60 : vector<16xi32> to vector<16x1xi32>
      %parallel_loop3A_223 = vector.shape_cast %parallel_loop3A_222 : vector<16x1xi32> to vector<16xi32>
      %parallel_loop3A_224 = tpu.dynamic_gather %parallel_loop3A_221[%parallel_loop3A_223] in [0] : vector<16xf32>, vector<16xi32> -> vector<16xf32>
      %parallel_loop3A_225 = arith.addf %parallel_loop3A_221, %parallel_loop3A_224 : vector<16xf32>
      %parallel_loop3A_226 = arith.constant 9.99999996E-13 : f32
      %parallel_loop3A_227 = vector.broadcast %parallel_loop3A_226 : f32 to vector<16xf32>
      %parallel_loop3A_228 = arith.addf %parallel_loop3A_225, %parallel_loop3A_227 : vector<16xf32>
      %parallel_loop3A_229 = arith.divf %parallel_loop3A_213, %parallel_loop3A_228 : vector<16xf32>
      %parallel_loop3A_230 = arith.index_cast %parallel_loop3A_199 : i32 to index
      %parallel_loop3A_231 = arith.constant 0 : index
      %parallel_loop3A_232 = tpu.vector_load %arg6[%parallel_loop3A_230, %parallel_loop3A_231] {strides = array<i32>} : memref<512x128xf32, #tpu.memory_space<vmem>>, vector<1x16xf32>,
      %parallel_loop3A_233 = vector.shape_cast %parallel_loop3A_232 : vector<1x16xf32> to vector<16xf32>
      %parallel_loop3A_234 = vector.shape_cast %parallel_loop3A_229 : vector<16xf32> to vector<1x16xf32>
      tpu.vector_store %arg6[%parallel_loop3A_230, %parallel_loop3A_231], %parallel_loop3A_234 {strides = array<i32>} : memref<512x128xf32, #tpu.memory_space<vmem>>, vector<1x16xf32>,
      %parallel_loop3A_235 = arith.index_cast %parallel_loop3A_199 : i32 to index
      %parallel_loop3A_236 = arith.constant 16 : index
      %parallel_loop3A_237 = tpu.vector_load %arg6[%parallel_loop3A_235, %parallel_loop3A_236] {strides = array<i32>} : memref<512x128xf32, #tpu.memory_space<vmem>>, vector<1x16xf32>,
      %parallel_loop3A_238 = vector.shape_cast %parallel_loop3A_237 : vector<1x16xf32> to vector<16xf32>
      %parallel_loop3A_239 = arith.constant 0.000000e+00 : f32
      %parallel_loop3A_240 = vector.broadcast %parallel_loop3A_239 : f32 to vector<16xf32>
      %parallel_loop3A_241 = arith.subf %parallel_loop3A_240, %parallel_loop3A_238 : vector<16xf32>
      %parallel_loop3A_242 = math.exp %parallel_loop3A_241 : vector<16xf32>
      %parallel_loop3A_243 = arith.constant 1.000000e+00 : f32
      %parallel_loop3A_244 = vector.broadcast %parallel_loop3A_243 : f32 to vector<16xf32>
      %parallel_loop3A_245 = arith.addf %parallel_loop3A_244, %parallel_loop3A_242 : vector<16xf32>
      %parallel_loop3A_246 = arith.constant 1.000000e+00 : f32
      %parallel_loop3A_247 = vector.broadcast %parallel_loop3A_246 : f32 to vector<16xf32>
      %parallel_loop3A_248 = arith.divf %parallel_loop3A_247, %parallel_loop3A_245 : vector<16xf32>
      %parallel_loop3A_249 = vector.shape_cast %xor3A_54 : vector<16xi32> to vector<16x1xi32>
      %parallel_loop3A_250 = vector.shape_cast %parallel_loop3A_249 : vector<16x1xi32> to vector<16xi32>
      %parallel_loop3A_251 = tpu.dynamic_gather %parallel_loop3A_248[%parallel_loop3A_250] in [0] : vector<16xf32>, vector<16xi32> -> vector<16xf32>
      %parallel_loop3A_252 = arith.addf %parallel_loop3A_248, %parallel_loop3A_251 : vector<16xf32>
      %parallel_loop3A_253 = vector.shape_cast %xor3A_57 : vector<16xi32> to vector<16x1xi32>
      %parallel_loop3A_254 = vector.shape_cast %parallel_loop3A_253 : vector<16x1xi32> to vector<16xi32>
      %parallel_loop3A_255 = tpu.dynamic_gather %parallel_loop3A_252[%parallel_loop3A_254] in [0] : vector<16xf32>, vector<16xi32> -> vector<16xf32>
      %parallel_loop3A_256 = arith.addf %parallel_loop3A_252, %parallel_loop3A_255 : vector<16xf32>
      %parallel_loop3A_257 = vector.shape_cast %xor3A_60 : vector<16xi32> to vector<16x1xi32>
      %parallel_loop3A_258 = vector.shape_cast %parallel_loop3A_257 : vector<16x1xi32> to vector<16xi32>
      %parallel_loop3A_259 = tpu.dynamic_gather %parallel_loop3A_256[%parallel_loop3A_258] in [0] : vector<16xf32>, vector<16xi32> -> vector<16xf32>
      %parallel_loop3A_260 = arith.addf %parallel_loop3A_256, %parallel_loop3A_259 : vector<16xf32>
      %parallel_loop3A_261 = arith.constant 9.99999996E-13 : f32
      %parallel_loop3A_262 = vector.broadcast %parallel_loop3A_261 : f32 to vector<16xf32>
      %parallel_loop3A_263 = arith.addf %parallel_loop3A_260, %parallel_loop3A_262 : vector<16xf32>
      %parallel_loop3A_264 = arith.divf %parallel_loop3A_248, %parallel_loop3A_263 : vector<16xf32>
      %parallel_loop3A_265 = arith.index_cast %parallel_loop3A_199 : i32 to index
      %parallel_loop3A_266 = arith.constant 16 : index
      %parallel_loop3A_267 = tpu.vector_load %arg6[%parallel_loop3A_265, %parallel_loop3A_266] {strides = array<i32>} : memref<512x128xf32, #tpu.memory_space<vmem>>, vector<1x16xf32>,
      %parallel_loop3A_268 = vector.shape_cast %parallel_loop3A_267 : vector<1x16xf32> to vector<16xf32>
      %parallel_loop3A_269 = vector.shape_cast %parallel_loop3A_264 : vector<16xf32> to vector<1x16xf32>
      tpu.vector_store %arg6[%parallel_loop3A_265, %parallel_loop3A_266], %parallel_loop3A_269 {strides = array<i32>} : memref<512x128xf32, #tpu.memory_space<vmem>>, vector<1x16xf32>,
      %parallel_loop3A_270 = arith.index_cast %parallel_loop3A_199 : i32 to index
      %parallel_loop3A_271 = arith.constant 32 : index
      %parallel_loop3A_272 = tpu.vector_load %arg6[%parallel_loop3A_270, %parallel_loop3A_271] {strides = array<i32>} : memref<512x128xf32, #tpu.memory_space<vmem>>, vector<1x16xf32>,
      %parallel_loop3A_273 = vector.shape_cast %parallel_loop3A_272 : vector<1x16xf32> to vector<16xf32>
      %parallel_loop3A_274 = arith.constant 0.000000e+00 : f32
      %parallel_loop3A_275 = vector.broadcast %parallel_loop3A_274 : f32 to vector<16xf32>
      %parallel_loop3A_276 = arith.subf %parallel_loop3A_275, %parallel_loop3A_273 : vector<16xf32>
      %parallel_loop3A_277 = math.exp %parallel_loop3A_276 : vector<16xf32>
      %parallel_loop3A_278 = arith.constant 1.000000e+00 : f32
      %parallel_loop3A_279 = vector.broadcast %parallel_loop3A_278 : f32 to vector<16xf32>
      %parallel_loop3A_280 = arith.addf %parallel_loop3A_279, %parallel_loop3A_277 : vector<16xf32>
      %parallel_loop3A_281 = arith.constant 1.000000e+00 : f32
      %parallel_loop3A_282 = vector.broadcast %parallel_loop3A_281 : f32 to vector<16xf32>
      %parallel_loop3A_283 = arith.divf %parallel_loop3A_282, %parallel_loop3A_280 : vector<16xf32>
      %parallel_loop3A_284 = vector.shape_cast %xor3A_54 : vector<16xi32> to vector<16x1xi32>
      %parallel_loop3A_285 = vector.shape_cast %parallel_loop3A_284 : vector<16x1xi32> to vector<16xi32>
      %parallel_loop3A_286 = tpu.dynamic_gather %parallel_loop3A_283[%parallel_loop3A_285] in [0] : vector<16xf32>, vector<16xi32> -> vector<16xf32>
      %parallel_loop3A_287 = arith.addf %parallel_loop3A_283, %parallel_loop3A_286 : vector<16xf32>
      %parallel_loop3A_288 = vector.shape_cast %xor3A_57 : vector<16xi32> to vector<16x1xi32>
      %parallel_loop3A_289 = vector.shape_cast %parallel_loop3A_288 : vector<16x1xi32> to vector<16xi32>
      %parallel_loop3A_290 = tpu.dynamic_gather %parallel_loop3A_287[%parallel_loop3A_289] in [0] : vector<16xf32>, vector<16xi32> -> vector<16xf32>
      %parallel_loop3A_291 = arith.addf %parallel_loop3A_287, %parallel_loop3A_290 : vector<16xf32>
      %parallel_loop3A_292 = vector.shape_cast %xor3A_60 : vector<16xi32> to vector<16x1xi32>
      %parallel_loop3A_293 = vector.shape_cast %parallel_loop3A_292 : vector<16x1xi32> to vector<16xi32>
      %parallel_loop3A_294 = tpu.dynamic_gather %parallel_loop3A_291[%parallel_loop3A_293] in [0] : vector<16xf32>, vector<16xi32> -> vector<16xf32>
      %parallel_loop3A_295 = arith.addf %parallel_loop3A_291, %parallel_loop3A_294 : vector<16xf32>
      %parallel_loop3A_296 = arith.constant 9.99999996E-13 : f32
      %parallel_loop3A_297 = vector.broadcast %parallel_loop3A_296 : f32 to vector<16xf32>
      %parallel_loop3A_298 = arith.addf %parallel_loop3A_295, %parallel_loop3A_297 : vector<16xf32>
      %parallel_loop3A_299 = arith.divf %parallel_loop3A_283, %parallel_loop3A_298 : vector<16xf32>
      %parallel_loop3A_300 = arith.index_cast %parallel_loop3A_199 : i32 to index
      %parallel_loop3A_301 = arith.constant 32 : index
      %parallel_loop3A_302 = tpu.vector_load %arg6[%parallel_loop3A_300, %parallel_loop3A_301] {strides = array<i32>} : memref<512x128xf32, #tpu.memory_space<vmem>>, vector<1x16xf32>,
      %parallel_loop3A_303 = vector.shape_cast %parallel_loop3A_302 : vector<1x16xf32> to vector<16xf32>
      %parallel_loop3A_304 = vector.shape_cast %parallel_loop3A_299 : vector<16xf32> to vector<1x16xf32>
      tpu.vector_store %arg6[%parallel_loop3A_300, %parallel_loop3A_301], %parallel_loop3A_304 {strides = array<i32>} : memref<512x128xf32, #tpu.memory_space<vmem>>, vector<1x16xf32>,
      %parallel_loop3A_305 = arith.index_cast %parallel_loop3A_199 : i32 to index
      %parallel_loop3A_306 = arith.constant 48 : index
      %parallel_loop3A_307 = tpu.vector_load %arg6[%parallel_loop3A_305, %parallel_loop3A_306] {strides = array<i32>} : memref<512x128xf32, #tpu.memory_space<vmem>>, vector<1x16xf32>,
      %parallel_loop3A_308 = vector.shape_cast %parallel_loop3A_307 : vector<1x16xf32> to vector<16xf32>
      %parallel_loop3A_309 = arith.constant 0.000000e+00 : f32
      %parallel_loop3A_310 = vector.broadcast %parallel_loop3A_309 : f32 to vector<16xf32>
      %parallel_loop3A_311 = arith.subf %parallel_loop3A_310, %parallel_loop3A_308 : vector<16xf32>
      %parallel_loop3A_312 = math.exp %parallel_loop3A_311 : vector<16xf32>
      %parallel_loop3A_313 = arith.constant 1.000000e+00 : f32
      %parallel_loop3A_314 = vector.broadcast %parallel_loop3A_313 : f32 to vector<16xf32>
      %parallel_loop3A_315 = arith.addf %parallel_loop3A_314, %parallel_loop3A_312 : vector<16xf32>
      %parallel_loop3A_316 = arith.constant 1.000000e+00 : f32
      %parallel_loop3A_317 = vector.broadcast %parallel_loop3A_316 : f32 to vector<16xf32>
      %parallel_loop3A_318 = arith.divf %parallel_loop3A_317, %parallel_loop3A_315 : vector<16xf32>
      %parallel_loop3A_319 = vector.shape_cast %xor3A_54 : vector<16xi32> to vector<16x1xi32>
      %parallel_loop3A_320 = vector.shape_cast %parallel_loop3A_319 : vector<16x1xi32> to vector<16xi32>
      %parallel_loop3A_321 = tpu.dynamic_gather %parallel_loop3A_318[%parallel_loop3A_320] in [0] : vector<16xf32>, vector<16xi32> -> vector<16xf32>
      %parallel_loop3A_322 = arith.addf %parallel_loop3A_318, %parallel_loop3A_321 : vector<16xf32>
      %parallel_loop3A_323 = vector.shape_cast %xor3A_57 : vector<16xi32> to vector<16x1xi32>
      %parallel_loop3A_324 = vector.shape_cast %parallel_loop3A_323 : vector<16x1xi32> to vector<16xi32>
      %parallel_loop3A_325 = tpu.dynamic_gather %parallel_loop3A_322[%parallel_loop3A_324] in [0] : vector<16xf32>, vector<16xi32> -> vector<16xf32>
      %parallel_loop3A_326 = arith.addf %parallel_loop3A_322, %parallel_loop3A_325 : vector<16xf32>
      %parallel_loop3A_327 = vector.shape_cast %xor3A_60 : vector<16xi32> to vector<16x1xi32>
      %parallel_loop3A_328 = vector.shape_cast %parallel_loop3A_327 : vector<16x1xi32> to vector<16xi32>
      %parallel_loop3A_329 = tpu.dynamic_gather %parallel_loop3A_326[%parallel_loop3A_328] in [0] : vector<16xf32>, vector<16xi32> -> vector<16xf32>
      %parallel_loop3A_330 = arith.addf %parallel_loop3A_326, %parallel_loop3A_329 : vector<16xf32>
      %parallel_loop3A_331 = arith.constant 9.99999996E-13 : f32
      %parallel_loop3A_332 = vector.broadcast %parallel_loop3A_331 : f32 to vector<16xf32>
      %parallel_loop3A_333 = arith.addf %parallel_loop3A_330, %parallel_loop3A_332 : vector<16xf32>
      %parallel_loop3A_334 = arith.divf %parallel_loop3A_318, %parallel_loop3A_333 : vector<16xf32>
      %parallel_loop3A_335 = arith.index_cast %parallel_loop3A_199 : i32 to index
      %parallel_loop3A_336 = arith.constant 48 : index
      %parallel_loop3A_337 = tpu.vector_load %arg6[%parallel_loop3A_335, %parallel_loop3A_336] {strides = array<i32>} : memref<512x128xf32, #tpu.memory_space<vmem>>, vector<1x16xf32>,
      %parallel_loop3A_338 = vector.shape_cast %parallel_loop3A_337 : vector<1x16xf32> to vector<16xf32>
      %parallel_loop3A_339 = vector.shape_cast %parallel_loop3A_334 : vector<16xf32> to vector<1x16xf32>
      tpu.vector_store %arg6[%parallel_loop3A_335, %parallel_loop3A_336], %parallel_loop3A_339 {strides = array<i32>} : memref<512x128xf32, #tpu.memory_space<vmem>>, vector<1x16xf32>,
      %parallel_loop3A_340 = arith.index_cast %parallel_loop3A_199 : i32 to index
      %parallel_loop3A_341 = arith.constant 64 : index
      %parallel_loop3A_342 = tpu.vector_load %arg6[%parallel_loop3A_340, %parallel_loop3A_341] {strides = array<i32>} : memref<512x128xf32, #tpu.memory_space<vmem>>, vector<1x16xf32>,
      %parallel_loop3A_343 = vector.shape_cast %parallel_loop3A_342 : vector<1x16xf32> to vector<16xf32>
      %parallel_loop3A_344 = arith.constant 0.000000e+00 : f32
      %parallel_loop3A_345 = vector.broadcast %parallel_loop3A_344 : f32 to vector<16xf32>
      %parallel_loop3A_346 = arith.subf %parallel_loop3A_345, %parallel_loop3A_343 : vector<16xf32>
      %parallel_loop3A_347 = math.exp %parallel_loop3A_346 : vector<16xf32>
      %parallel_loop3A_348 = arith.constant 1.000000e+00 : f32
      %parallel_loop3A_349 = vector.broadcast %parallel_loop3A_348 : f32 to vector<16xf32>
      %parallel_loop3A_350 = arith.addf %parallel_loop3A_349, %parallel_loop3A_347 : vector<16xf32>
      %parallel_loop3A_351 = arith.constant 1.000000e+00 : f32
      %parallel_loop3A_352 = vector.broadcast %parallel_loop3A_351 : f32 to vector<16xf32>
      %parallel_loop3A_353 = arith.divf %parallel_loop3A_352, %parallel_loop3A_350 : vector<16xf32>
      %parallel_loop3A_354 = vector.shape_cast %xor3A_54 : vector<16xi32> to vector<16x1xi32>
      %parallel_loop3A_355 = vector.shape_cast %parallel_loop3A_354 : vector<16x1xi32> to vector<16xi32>
      %parallel_loop3A_356 = tpu.dynamic_gather %parallel_loop3A_353[%parallel_loop3A_355] in [0] : vector<16xf32>, vector<16xi32> -> vector<16xf32>
      %parallel_loop3A_357 = arith.addf %parallel_loop3A_353, %parallel_loop3A_356 : vector<16xf32>
      %parallel_loop3A_358 = vector.shape_cast %xor3A_57 : vector<16xi32> to vector<16x1xi32>
      %parallel_loop3A_359 = vector.shape_cast %parallel_loop3A_358 : vector<16x1xi32> to vector<16xi32>
      %parallel_loop3A_360 = tpu.dynamic_gather %parallel_loop3A_357[%parallel_loop3A_359] in [0] : vector<16xf32>, vector<16xi32> -> vector<16xf32>
      %parallel_loop3A_361 = arith.addf %parallel_loop3A_357, %parallel_loop3A_360 : vector<16xf32>
      %parallel_loop3A_362 = vector.shape_cast %xor3A_60 : vector<16xi32> to vector<16x1xi32>
      %parallel_loop3A_363 = vector.shape_cast %parallel_loop3A_362 : vector<16x1xi32> to vector<16xi32>
      %parallel_loop3A_364 = tpu.dynamic_gather %parallel_loop3A_361[%parallel_loop3A_363] in [0] : vector<16xf32>, vector<16xi32> -> vector<16xf32>
      %parallel_loop3A_365 = arith.addf %parallel_loop3A_361, %parallel_loop3A_364 : vector<16xf32>
      %parallel_loop3A_366 = arith.constant 9.99999996E-13 : f32
      %parallel_loop3A_367 = vector.broadcast %parallel_loop3A_366 : f32 to vector<16xf32>
      %parallel_loop3A_368 = arith.addf %parallel_loop3A_365, %parallel_loop3A_367 : vector<16xf32>
      %parallel_loop3A_369 = arith.divf %parallel_loop3A_353, %parallel_loop3A_368 : vector<16xf32>
      %parallel_loop3A_370 = arith.index_cast %parallel_loop3A_199 : i32 to index
      %parallel_loop3A_371 = arith.constant 64 : index
      %parallel_loop3A_372 = tpu.vector_load %arg6[%parallel_loop3A_370, %parallel_loop3A_371] {strides = array<i32>} : memref<512x128xf32, #tpu.memory_space<vmem>>, vector<1x16xf32>,
      %parallel_loop3A_373 = vector.shape_cast %parallel_loop3A_372 : vector<1x16xf32> to vector<16xf32>
      %parallel_loop3A_374 = vector.shape_cast %parallel_loop3A_369 : vector<16xf32> to vector<1x16xf32>
      tpu.vector_store %arg6[%parallel_loop3A_370, %parallel_loop3A_371], %parallel_loop3A_374 {strides = array<i32>} : memref<512x128xf32, #tpu.memory_space<vmem>>, vector<1x16xf32>,
      %parallel_loop3A_375 = arith.index_cast %parallel_loop3A_199 : i32 to index
      %parallel_loop3A_376 = arith.constant 80 : index
      %parallel_loop3A_377 = tpu.vector_load %arg6[%parallel_loop3A_375, %parallel_loop3A_376] {strides = array<i32>} : memref<512x128xf32, #tpu.memory_space<vmem>>, vector<1x16xf32>,
      %parallel_loop3A_378 = vector.shape_cast %parallel_loop3A_377 : vector<1x16xf32> to vector<16xf32>
      %parallel_loop3A_379 = arith.constant 0.000000e+00 : f32
      %parallel_loop3A_380 = vector.broadcast %parallel_loop3A_379 : f32 to vector<16xf32>
      %parallel_loop3A_381 = arith.subf %parallel_loop3A_380, %parallel_loop3A_378 : vector<16xf32>
      %parallel_loop3A_382 = math.exp %parallel_loop3A_381 : vector<16xf32>
      %parallel_loop3A_383 = arith.constant 1.000000e+00 : f32
      %parallel_loop3A_384 = vector.broadcast %parallel_loop3A_383 : f32 to vector<16xf32>
      %parallel_loop3A_385 = arith.addf %parallel_loop3A_384, %parallel_loop3A_382 : vector<16xf32>
      %parallel_loop3A_386 = arith.constant 1.000000e+00 : f32
      %parallel_loop3A_387 = vector.broadcast %parallel_loop3A_386 : f32 to vector<16xf32>
      %parallel_loop3A_388 = arith.divf %parallel_loop3A_387, %parallel_loop3A_385 : vector<16xf32>
      %parallel_loop3A_389 = vector.shape_cast %xor3A_54 : vector<16xi32> to vector<16x1xi32>
      %parallel_loop3A_390 = vector.shape_cast %parallel_loop3A_389 : vector<16x1xi32> to vector<16xi32>
      %parallel_loop3A_391 = tpu.dynamic_gather %parallel_loop3A_388[%parallel_loop3A_390] in [0] : vector<16xf32>, vector<16xi32> -> vector<16xf32>
      %parallel_loop3A_392 = arith.addf %parallel_loop3A_388, %parallel_loop3A_391 : vector<16xf32>
      %parallel_loop3A_393 = vector.shape_cast %xor3A_57 : vector<16xi32> to vector<16x1xi32>
      %parallel_loop3A_394 = vector.shape_cast %parallel_loop3A_393 : vector<16x1xi32> to vector<16xi32>
      %parallel_loop3A_395 = tpu.dynamic_gather %parallel_loop3A_392[%parallel_loop3A_394] in [0] : vector<16xf32>, vector<16xi32> -> vector<16xf32>
      %parallel_loop3A_396 = arith.addf %parallel_loop3A_392, %parallel_loop3A_395 : vector<16xf32>
      %parallel_loop3A_397 = vector.shape_cast %xor3A_60 : vector<16xi32> to vector<16x1xi32>
      %parallel_loop3A_398 = vector.shape_cast %parallel_loop3A_397 : vector<16x1xi32> to vector<16xi32>
      %parallel_loop3A_399 = tpu.dynamic_gather %parallel_loop3A_396[%parallel_loop3A_398] in [0] : vector<16xf32>, vector<16xi32> -> vector<16xf32>
      %parallel_loop3A_400 = arith.addf %parallel_loop3A_396, %parallel_loop3A_399 : vector<16xf32>
      %parallel_loop3A_401 = arith.constant 9.99999996E-13 : f32
      %parallel_loop3A_402 = vector.broadcast %parallel_loop3A_401 : f32 to vector<16xf32>
      %parallel_loop3A_403 = arith.addf %parallel_loop3A_400, %parallel_loop3A_402 : vector<16xf32>
      %parallel_loop3A_404 = arith.divf %parallel_loop3A_388, %parallel_loop3A_403 : vector<16xf32>
      %parallel_loop3A_405 = arith.index_cast %parallel_loop3A_199 : i32 to index
      %parallel_loop3A_406 = arith.constant 80 : index
      %parallel_loop3A_407 = tpu.vector_load %arg6[%parallel_loop3A_405, %parallel_loop3A_406] {strides = array<i32>} : memref<512x128xf32, #tpu.memory_space<vmem>>, vector<1x16xf32>,
      %parallel_loop3A_408 = vector.shape_cast %parallel_loop3A_407 : vector<1x16xf32> to vector<16xf32>
      %parallel_loop3A_409 = vector.shape_cast %parallel_loop3A_404 : vector<16xf32> to vector<1x16xf32>
      tpu.vector_store %arg6[%parallel_loop3A_405, %parallel_loop3A_406], %parallel_loop3A_409 {strides = array<i32>} : memref<512x128xf32, #tpu.memory_space<vmem>>, vector<1x16xf32>,
      %parallel_loop3A_410 = arith.index_cast %parallel_loop3A_199 : i32 to index
      %parallel_loop3A_411 = arith.constant 96 : index
      %parallel_loop3A_412 = tpu.vector_load %arg6[%parallel_loop3A_410, %parallel_loop3A_411] {strides = array<i32>} : memref<512x128xf32, #tpu.memory_space<vmem>>, vector<1x16xf32>,
      %parallel_loop3A_413 = vector.shape_cast %parallel_loop3A_412 : vector<1x16xf32> to vector<16xf32>
      %parallel_loop3A_414 = arith.constant 0.000000e+00 : f32
      %parallel_loop3A_415 = vector.broadcast %parallel_loop3A_414 : f32 to vector<16xf32>
      %parallel_loop3A_416 = arith.subf %parallel_loop3A_415, %parallel_loop3A_413 : vector<16xf32>
      %parallel_loop3A_417 = math.exp %parallel_loop3A_416 : vector<16xf32>
      %parallel_loop3A_418 = arith.constant 1.000000e+00 : f32
      %parallel_loop3A_419 = vector.broadcast %parallel_loop3A_418 : f32 to vector<16xf32>
      %parallel_loop3A_420 = arith.addf %parallel_loop3A_419, %parallel_loop3A_417 : vector<16xf32>
      %parallel_loop3A_421 = arith.constant 1.000000e+00 : f32
      %parallel_loop3A_422 = vector.broadcast %parallel_loop3A_421 : f32 to vector<16xf32>
      %parallel_loop3A_423 = arith.divf %parallel_loop3A_422, %parallel_loop3A_420 : vector<16xf32>
      %parallel_loop3A_424 = vector.shape_cast %xor3A_54 : vector<16xi32> to vector<16x1xi32>
      %parallel_loop3A_425 = vector.shape_cast %parallel_loop3A_424 : vector<16x1xi32> to vector<16xi32>
      %parallel_loop3A_426 = tpu.dynamic_gather %parallel_loop3A_423[%parallel_loop3A_425] in [0] : vector<16xf32>, vector<16xi32> -> vector<16xf32>
      %parallel_loop3A_427 = arith.addf %parallel_loop3A_423, %parallel_loop3A_426 : vector<16xf32>
      %parallel_loop3A_428 = vector.shape_cast %xor3A_57 : vector<16xi32> to vector<16x1xi32>
      %parallel_loop3A_429 = vector.shape_cast %parallel_loop3A_428 : vector<16x1xi32> to vector<16xi32>
      %parallel_loop3A_430 = tpu.dynamic_gather %parallel_loop3A_427[%parallel_loop3A_429] in [0] : vector<16xf32>, vector<16xi32> -> vector<16xf32>
      %parallel_loop3A_431 = arith.addf %parallel_loop3A_427, %parallel_loop3A_430 : vector<16xf32>
      %parallel_loop3A_432 = vector.shape_cast %xor3A_60 : vector<16xi32> to vector<16x1xi32>
      %parallel_loop3A_433 = vector.shape_cast %parallel_loop3A_432 : vector<16x1xi32> to vector<16xi32>
      %parallel_loop3A_434 = tpu.dynamic_gather %parallel_loop3A_431[%parallel_loop3A_433] in [0] : vector<16xf32>, vector<16xi32> -> vector<16xf32>
      %parallel_loop3A_435 = arith.addf %parallel_loop3A_431, %parallel_loop3A_434 : vector<16xf32>
      %parallel_loop3A_436 = arith.constant 9.99999996E-13 : f32
      %parallel_loop3A_437 = vector.broadcast %parallel_loop3A_436 : f32 to vector<16xf32>
      %parallel_loop3A_438 = arith.addf %parallel_loop3A_435, %parallel_loop3A_437 : vector<16xf32>
      %parallel_loop3A_439 = arith.divf %parallel_loop3A_423, %parallel_loop3A_438 : vector<16xf32>
      %parallel_loop3A_440 = arith.index_cast %parallel_loop3A_199 : i32 to index
      %parallel_loop3A_441 = arith.constant 96 : index
      %parallel_loop3A_442 = tpu.vector_load %arg6[%parallel_loop3A_440, %parallel_loop3A_441] {strides = array<i32>} : memref<512x128xf32, #tpu.memory_space<vmem>>, vector<1x16xf32>,
      %parallel_loop3A_443 = vector.shape_cast %parallel_loop3A_442 : vector<1x16xf32> to vector<16xf32>
      %parallel_loop3A_444 = vector.shape_cast %parallel_loop3A_439 : vector<16xf32> to vector<1x16xf32>
      tpu.vector_store %arg6[%parallel_loop3A_440, %parallel_loop3A_441], %parallel_loop3A_444 {strides = array<i32>} : memref<512x128xf32, #tpu.memory_space<vmem>>, vector<1x16xf32>,
      %parallel_loop3A_445 = arith.index_cast %parallel_loop3A_199 : i32 to index
      %parallel_loop3A_446 = arith.constant 112 : index
      %parallel_loop3A_447 = tpu.vector_load %arg6[%parallel_loop3A_445, %parallel_loop3A_446] {strides = array<i32>} : memref<512x128xf32, #tpu.memory_space<vmem>>, vector<1x16xf32>,
      %parallel_loop3A_448 = vector.shape_cast %parallel_loop3A_447 : vector<1x16xf32> to vector<16xf32>
      %parallel_loop3A_449 = arith.constant 0.000000e+00 : f32
      %parallel_loop3A_450 = vector.broadcast %parallel_loop3A_449 : f32 to vector<16xf32>
      %parallel_loop3A_451 = arith.subf %parallel_loop3A_450, %parallel_loop3A_448 : vector<16xf32>
      %parallel_loop3A_452 = math.exp %parallel_loop3A_451 : vector<16xf32>
      %parallel_loop3A_453 = arith.constant 1.000000e+00 : f32
      %parallel_loop3A_454 = vector.broadcast %parallel_loop3A_453 : f32 to vector<16xf32>
      %parallel_loop3A_455 = arith.addf %parallel_loop3A_454, %parallel_loop3A_452 : vector<16xf32>
      %parallel_loop3A_456 = arith.constant 1.000000e+00 : f32
      %parallel_loop3A_457 = vector.broadcast %parallel_loop3A_456 : f32 to vector<16xf32>
      %parallel_loop3A_458 = arith.divf %parallel_loop3A_457, %parallel_loop3A_455 : vector<16xf32>
      %parallel_loop3A_459 = vector.shape_cast %xor3A_54 : vector<16xi32> to vector<16x1xi32>
      %parallel_loop3A_460 = vector.shape_cast %parallel_loop3A_459 : vector<16x1xi32> to vector<16xi32>
      %parallel_loop3A_461 = tpu.dynamic_gather %parallel_loop3A_458[%parallel_loop3A_460] in [0] : vector<16xf32>, vector<16xi32> -> vector<16xf32>
      %parallel_loop3A_462 = arith.addf %parallel_loop3A_458, %parallel_loop3A_461 : vector<16xf32>
      %parallel_loop3A_463 = vector.shape_cast %xor3A_57 : vector<16xi32> to vector<16x1xi32>
      %parallel_loop3A_464 = vector.shape_cast %parallel_loop3A_463 : vector<16x1xi32> to vector<16xi32>
      %parallel_loop3A_465 = tpu.dynamic_gather %parallel_loop3A_462[%parallel_loop3A_464] in [0] : vector<16xf32>, vector<16xi32> -> vector<16xf32>
      %parallel_loop3A_466 = arith.addf %parallel_loop3A_462, %parallel_loop3A_465 : vector<16xf32>
      %parallel_loop3A_467 = vector.shape_cast %xor3A_60 : vector<16xi32> to vector<16x1xi32>
      %parallel_loop3A_468 = vector.shape_cast %parallel_loop3A_467 : vector<16x1xi32> to vector<16xi32>
      %parallel_loop3A_469 = tpu.dynamic_gather %parallel_loop3A_466[%parallel_loop3A_468] in [0] : vector<16xf32>, vector<16xi32> -> vector<16xf32>
      %parallel_loop3A_470 = arith.addf %parallel_loop3A_466, %parallel_loop3A_469 : vector<16xf32>
      %parallel_loop3A_471 = arith.constant 9.99999996E-13 : f32
      %parallel_loop3A_472 = vector.broadcast %parallel_loop3A_471 : f32 to vector<16xf32>
      %parallel_loop3A_473 = arith.addf %parallel_loop3A_470, %parallel_loop3A_472 : vector<16xf32>
      %parallel_loop3A_474 = arith.divf %parallel_loop3A_458, %parallel_loop3A_473 : vector<16xf32>
      %parallel_loop3A_475 = arith.index_cast %parallel_loop3A_199 : i32 to index
      %parallel_loop3A_476 = arith.constant 112 : index
      %parallel_loop3A_477 = tpu.vector_load %arg6[%parallel_loop3A_475, %parallel_loop3A_476] {strides = array<i32>} : memref<512x128xf32, #tpu.memory_space<vmem>>, vector<1x16xf32>,
      %parallel_loop3A_478 = vector.shape_cast %parallel_loop3A_477 : vector<1x16xf32> to vector<16xf32>
      %parallel_loop3A_479 = vector.shape_cast %parallel_loop3A_474 : vector<16xf32> to vector<1x16xf32>
      tpu.vector_store %arg6[%parallel_loop3A_475, %parallel_loop3A_476], %parallel_loop3A_479 {strides = array<i32>} : memref<512x128xf32, #tpu.memory_space<vmem>>, vector<1x16xf32>,
    } {sc.loop_unroll_factor = 2 : i64, sc.parallel_access}
    %add3A_97 = arith.constant 128 : i32
    %add3A_98 = arith.addi %mul3A_2, %add3A_97 : i32
    %dma_start3A_99 = arith.constant 128 : i32
    %dma_start3A_100 = arith.constant 0 : i32
    %dma_start3A_101 = tpu.memref_slice %arg6[%dma_start3A_99, %dma_start3A_100] : memref<512x128xf32, #tpu.memory_space<vmem>> -> memref<128x128xf32, #tpu.memory_space<vmem>>
    %dma_start3A_102 = arith.constant 0 : i32
    %dma_start3A_103 = tpu.memref_slice %arg4[%add3A_98, %dma_start3A_102] : memref<16384x128xf32, #tpu.memory_space<hbm>> -> memref<128x128xf32, #tpu.memory_space<hbm>>
    %dma_start3A_104 = arith.constant 0 : i32
    %dma_start3A_105 = tpu.memref_slice %arg4[%add3A_98, %dma_start3A_104] : memref<16384x128xf32, #tpu.memory_space<hbm>> -> memref<128x128xf32, #tpu.memory_space<hbm>>
    %dma_start3A_106 = arith.constant 128 : i32
    %dma_start3A_107 = arith.constant 0 : i32
    %dma_start3A_108 = tpu.memref_slice %arg6[%dma_start3A_106, %dma_start3A_107] : memref<512x128xf32, #tpu.memory_space<vmem>> -> memref<128x128xf32, #tpu.memory_space<vmem>>
    tpu.enqueue_dma source(%dma_start3A_108 : memref<128x128xf32, #tpu.memory_space<vmem>>) target(%dma_start3A_105 : memref<128x128xf32, #tpu.memory_space<hbm>>) target_semaphore(%arg8 : memref<!tpu.dma_semaphore, #tpu.memory_space<semaphore_mem>>)
    %dma_wait3A_109 = arith.constant 2 : i32
    %dma_wait3A_110 = arith.constant 256 : i32
    %dma_wait3A_111 = arith.constant 0 : i32
    %dma_wait3A_112 = tpu.memref_slice %arg6[%dma_wait3A_110, %dma_wait3A_111] : memref<512x128xf32, #tpu.memory_space<vmem>> -> memref<128x128xf32, #tpu.memory_space<vmem>>
    %dma_wait3A_113 = arith.constant 0 : i32
    %dma_wait3A_114 = tpu.memref_slice %arg5[%dma_wait3A_109, %dma_wait3A_113] : memref<4x128xi32, #tpu.memory_space<vmem>> -> memref<1x128xi32, #tpu.memory_space<vmem>>
    %dma_wait3A_115 = tpu.memref_squeeze %dma_wait3A_114 : memref<1x128xi32, #tpu.memory_space<vmem>> -> memref<128xi32, #tpu.memory_space<vmem>>
    %dma_wait3A_116 = arith.constant 0 : i32
    %dma_wait3A_117 = arith.constant 0 : i32
    %dma_wait3A_118 = tpu.memref_slice %arg2[%dma_wait3A_116, %dma_wait3A_117] : memref<100000x128xf32, #tpu.memory_space<hbm>> -> memref<100000x128xf32, #tpu.memory_space<hbm>>
    tpu.wait_indirect_dma semaphore(%arg7 : memref<!tpu.dma_semaphore, #tpu.memory_space<semaphore_mem>>) src(%dma_wait3A_118 : memref<100000x128xf32, #tpu.memory_space<hbm>>) dst(%dma_wait3A_112 : memref<128x128xf32, #tpu.memory_space<vmem>>)
    %parallel_loop3A_119 = arith.constant 256 : i32
    %parallel_loop3A_120 = arith.constant 384 : i32
    %parallel_loop3A_121 = arith.constant 1 : i32
    scf.for %parallel_loop3A_199 = %parallel_loop3A_119 to %parallel_loop3A_120 step %parallel_loop3A_121  : i32 {
      %parallel_loop3A_200 = arith.index_cast %parallel_loop3A_199 : i32 to index
      %parallel_loop3A_201 = arith.constant 0 : index
      %parallel_loop3A_202 = tpu.vector_load %arg6[%parallel_loop3A_200, %parallel_loop3A_201] {strides = array<i32>} : memref<512x128xf32, #tpu.memory_space<vmem>>, vector<1x16xf32>,
      %parallel_loop3A_203 = vector.shape_cast %parallel_loop3A_202 : vector<1x16xf32> to vector<16xf32>
      %parallel_loop3A_204 = arith.constant 0.000000e+00 : f32
      %parallel_loop3A_205 = vector.broadcast %parallel_loop3A_204 : f32 to vector<16xf32>
      %parallel_loop3A_206 = arith.subf %parallel_loop3A_205, %parallel_loop3A_203 : vector<16xf32>
      %parallel_loop3A_207 = math.exp %parallel_loop3A_206 : vector<16xf32>
      %parallel_loop3A_208 = arith.constant 1.000000e+00 : f32
      %parallel_loop3A_209 = vector.broadcast %parallel_loop3A_208 : f32 to vector<16xf32>
      %parallel_loop3A_210 = arith.addf %parallel_loop3A_209, %parallel_loop3A_207 : vector<16xf32>
      %parallel_loop3A_211 = arith.constant 1.000000e+00 : f32
      %parallel_loop3A_212 = vector.broadcast %parallel_loop3A_211 : f32 to vector<16xf32>
      %parallel_loop3A_213 = arith.divf %parallel_loop3A_212, %parallel_loop3A_210 : vector<16xf32>
      %parallel_loop3A_214 = vector.shape_cast %xor3A_54 : vector<16xi32> to vector<16x1xi32>
      %parallel_loop3A_215 = vector.shape_cast %parallel_loop3A_214 : vector<16x1xi32> to vector<16xi32>
      %parallel_loop3A_216 = tpu.dynamic_gather %parallel_loop3A_213[%parallel_loop3A_215] in [0] : vector<16xf32>, vector<16xi32> -> vector<16xf32>
      %parallel_loop3A_217 = arith.addf %parallel_loop3A_213, %parallel_loop3A_216 : vector<16xf32>
      %parallel_loop3A_218 = vector.shape_cast %xor3A_57 : vector<16xi32> to vector<16x1xi32>
      %parallel_loop3A_219 = vector.shape_cast %parallel_loop3A_218 : vector<16x1xi32> to vector<16xi32>
      %parallel_loop3A_220 = tpu.dynamic_gather %parallel_loop3A_217[%parallel_loop3A_219] in [0] : vector<16xf32>, vector<16xi32> -> vector<16xf32>
      %parallel_loop3A_221 = arith.addf %parallel_loop3A_217, %parallel_loop3A_220 : vector<16xf32>
      %parallel_loop3A_222 = vector.shape_cast %xor3A_60 : vector<16xi32> to vector<16x1xi32>
      %parallel_loop3A_223 = vector.shape_cast %parallel_loop3A_222 : vector<16x1xi32> to vector<16xi32>
      %parallel_loop3A_224 = tpu.dynamic_gather %parallel_loop3A_221[%parallel_loop3A_223] in [0] : vector<16xf32>, vector<16xi32> -> vector<16xf32>
      %parallel_loop3A_225 = arith.addf %parallel_loop3A_221, %parallel_loop3A_224 : vector<16xf32>
      %parallel_loop3A_226 = arith.constant 9.99999996E-13 : f32
      %parallel_loop3A_227 = vector.broadcast %parallel_loop3A_226 : f32 to vector<16xf32>
      %parallel_loop3A_228 = arith.addf %parallel_loop3A_225, %parallel_loop3A_227 : vector<16xf32>
      %parallel_loop3A_229 = arith.divf %parallel_loop3A_213, %parallel_loop3A_228 : vector<16xf32>
      %parallel_loop3A_230 = arith.index_cast %parallel_loop3A_199 : i32 to index
      %parallel_loop3A_231 = arith.constant 0 : index
      %parallel_loop3A_232 = tpu.vector_load %arg6[%parallel_loop3A_230, %parallel_loop3A_231] {strides = array<i32>} : memref<512x128xf32, #tpu.memory_space<vmem>>, vector<1x16xf32>,
      %parallel_loop3A_233 = vector.shape_cast %parallel_loop3A_232 : vector<1x16xf32> to vector<16xf32>
      %parallel_loop3A_234 = vector.shape_cast %parallel_loop3A_229 : vector<16xf32> to vector<1x16xf32>
      tpu.vector_store %arg6[%parallel_loop3A_230, %parallel_loop3A_231], %parallel_loop3A_234 {strides = array<i32>} : memref<512x128xf32, #tpu.memory_space<vmem>>, vector<1x16xf32>,
      %parallel_loop3A_235 = arith.index_cast %parallel_loop3A_199 : i32 to index
      %parallel_loop3A_236 = arith.constant 16 : index
      %parallel_loop3A_237 = tpu.vector_load %arg6[%parallel_loop3A_235, %parallel_loop3A_236] {strides = array<i32>} : memref<512x128xf32, #tpu.memory_space<vmem>>, vector<1x16xf32>,
      %parallel_loop3A_238 = vector.shape_cast %parallel_loop3A_237 : vector<1x16xf32> to vector<16xf32>
      %parallel_loop3A_239 = arith.constant 0.000000e+00 : f32
      %parallel_loop3A_240 = vector.broadcast %parallel_loop3A_239 : f32 to vector<16xf32>
      %parallel_loop3A_241 = arith.subf %parallel_loop3A_240, %parallel_loop3A_238 : vector<16xf32>
      %parallel_loop3A_242 = math.exp %parallel_loop3A_241 : vector<16xf32>
      %parallel_loop3A_243 = arith.constant 1.000000e+00 : f32
      %parallel_loop3A_244 = vector.broadcast %parallel_loop3A_243 : f32 to vector<16xf32>
      %parallel_loop3A_245 = arith.addf %parallel_loop3A_244, %parallel_loop3A_242 : vector<16xf32>
      %parallel_loop3A_246 = arith.constant 1.000000e+00 : f32
      %parallel_loop3A_247 = vector.broadcast %parallel_loop3A_246 : f32 to vector<16xf32>
      %parallel_loop3A_248 = arith.divf %parallel_loop3A_247, %parallel_loop3A_245 : vector<16xf32>
      %parallel_loop3A_249 = vector.shape_cast %xor3A_54 : vector<16xi32> to vector<16x1xi32>
      %parallel_loop3A_250 = vector.shape_cast %parallel_loop3A_249 : vector<16x1xi32> to vector<16xi32>
      %parallel_loop3A_251 = tpu.dynamic_gather %parallel_loop3A_248[%parallel_loop3A_250] in [0] : vector<16xf32>, vector<16xi32> -> vector<16xf32>
      %parallel_loop3A_252 = arith.addf %parallel_loop3A_248, %parallel_loop3A_251 : vector<16xf32>
      %parallel_loop3A_253 = vector.shape_cast %xor3A_57 : vector<16xi32> to vector<16x1xi32>
      %parallel_loop3A_254 = vector.shape_cast %parallel_loop3A_253 : vector<16x1xi32> to vector<16xi32>
      %parallel_loop3A_255 = tpu.dynamic_gather %parallel_loop3A_252[%parallel_loop3A_254] in [0] : vector<16xf32>, vector<16xi32> -> vector<16xf32>
      %parallel_loop3A_256 = arith.addf %parallel_loop3A_252, %parallel_loop3A_255 : vector<16xf32>
      %parallel_loop3A_257 = vector.shape_cast %xor3A_60 : vector<16xi32> to vector<16x1xi32>
      %parallel_loop3A_258 = vector.shape_cast %parallel_loop3A_257 : vector<16x1xi32> to vector<16xi32>
      %parallel_loop3A_259 = tpu.dynamic_gather %parallel_loop3A_256[%parallel_loop3A_258] in [0] : vector<16xf32>, vector<16xi32> -> vector<16xf32>
      %parallel_loop3A_260 = arith.addf %parallel_loop3A_256, %parallel_loop3A_259 : vector<16xf32>
      %parallel_loop3A_261 = arith.constant 9.99999996E-13 : f32
      %parallel_loop3A_262 = vector.broadcast %parallel_loop3A_261 : f32 to vector<16xf32>
      %parallel_loop3A_263 = arith.addf %parallel_loop3A_260, %parallel_loop3A_262 : vector<16xf32>
      %parallel_loop3A_264 = arith.divf %parallel_loop3A_248, %parallel_loop3A_263 : vector<16xf32>
      %parallel_loop3A_265 = arith.index_cast %parallel_loop3A_199 : i32 to index
      %parallel_loop3A_266 = arith.constant 16 : index
      %parallel_loop3A_267 = tpu.vector_load %arg6[%parallel_loop3A_265, %parallel_loop3A_266] {strides = array<i32>} : memref<512x128xf32, #tpu.memory_space<vmem>>, vector<1x16xf32>,
      %parallel_loop3A_268 = vector.shape_cast %parallel_loop3A_267 : vector<1x16xf32> to vector<16xf32>
      %parallel_loop3A_269 = vector.shape_cast %parallel_loop3A_264 : vector<16xf32> to vector<1x16xf32>
      tpu.vector_store %arg6[%parallel_loop3A_265, %parallel_loop3A_266], %parallel_loop3A_269 {strides = array<i32>} : memref<512x128xf32, #tpu.memory_space<vmem>>, vector<1x16xf32>,
      %parallel_loop3A_270 = arith.index_cast %parallel_loop3A_199 : i32 to index
      %parallel_loop3A_271 = arith.constant 32 : index
      %parallel_loop3A_272 = tpu.vector_load %arg6[%parallel_loop3A_270, %parallel_loop3A_271] {strides = array<i32>} : memref<512x128xf32, #tpu.memory_space<vmem>>, vector<1x16xf32>,
      %parallel_loop3A_273 = vector.shape_cast %parallel_loop3A_272 : vector<1x16xf32> to vector<16xf32>
      %parallel_loop3A_274 = arith.constant 0.000000e+00 : f32
      %parallel_loop3A_275 = vector.broadcast %parallel_loop3A_274 : f32 to vector<16xf32>
      %parallel_loop3A_276 = arith.subf %parallel_loop3A_275, %parallel_loop3A_273 : vector<16xf32>
      %parallel_loop3A_277 = math.exp %parallel_loop3A_276 : vector<16xf32>
      %parallel_loop3A_278 = arith.constant 1.000000e+00 : f32
      %parallel_loop3A_279 = vector.broadcast %parallel_loop3A_278 : f32 to vector<16xf32>
      %parallel_loop3A_280 = arith.addf %parallel_loop3A_279, %parallel_loop3A_277 : vector<16xf32>
      %parallel_loop3A_281 = arith.constant 1.000000e+00 : f32
      %parallel_loop3A_282 = vector.broadcast %parallel_loop3A_281 : f32 to vector<16xf32>
      %parallel_loop3A_283 = arith.divf %parallel_loop3A_282, %parallel_loop3A_280 : vector<16xf32>
      %parallel_loop3A_284 = vector.shape_cast %xor3A_54 : vector<16xi32> to vector<16x1xi32>
      %parallel_loop3A_285 = vector.shape_cast %parallel_loop3A_284 : vector<16x1xi32> to vector<16xi32>
      %parallel_loop3A_286 = tpu.dynamic_gather %parallel_loop3A_283[%parallel_loop3A_285] in [0] : vector<16xf32>, vector<16xi32> -> vector<16xf32>
      %parallel_loop3A_287 = arith.addf %parallel_loop3A_283, %parallel_loop3A_286 : vector<16xf32>
      %parallel_loop3A_288 = vector.shape_cast %xor3A_57 : vector<16xi32> to vector<16x1xi32>
      %parallel_loop3A_289 = vector.shape_cast %parallel_loop3A_288 : vector<16x1xi32> to vector<16xi32>
      %parallel_loop3A_290 = tpu.dynamic_gather %parallel_loop3A_287[%parallel_loop3A_289] in [0] : vector<16xf32>, vector<16xi32> -> vector<16xf32>
      %parallel_loop3A_291 = arith.addf %parallel_loop3A_287, %parallel_loop3A_290 : vector<16xf32>
      %parallel_loop3A_292 = vector.shape_cast %xor3A_60 : vector<16xi32> to vector<16x1xi32>
      %parallel_loop3A_293 = vector.shape_cast %parallel_loop3A_292 : vector<16x1xi32> to vector<16xi32>
      %parallel_loop3A_294 = tpu.dynamic_gather %parallel_loop3A_291[%parallel_loop3A_293] in [0] : vector<16xf32>, vector<16xi32> -> vector<16xf32>
      %parallel_loop3A_295 = arith.addf %parallel_loop3A_291, %parallel_loop3A_294 : vector<16xf32>
      %parallel_loop3A_296 = arith.constant 9.99999996E-13 : f32
      %parallel_loop3A_297 = vector.broadcast %parallel_loop3A_296 : f32 to vector<16xf32>
      %parallel_loop3A_298 = arith.addf %parallel_loop3A_295, %parallel_loop3A_297 : vector<16xf32>
      %parallel_loop3A_299 = arith.divf %parallel_loop3A_283, %parallel_loop3A_298 : vector<16xf32>
      %parallel_loop3A_300 = arith.index_cast %parallel_loop3A_199 : i32 to index
      %parallel_loop3A_301 = arith.constant 32 : index
      %parallel_loop3A_302 = tpu.vector_load %arg6[%parallel_loop3A_300, %parallel_loop3A_301] {strides = array<i32>} : memref<512x128xf32, #tpu.memory_space<vmem>>, vector<1x16xf32>,
      %parallel_loop3A_303 = vector.shape_cast %parallel_loop3A_302 : vector<1x16xf32> to vector<16xf32>
      %parallel_loop3A_304 = vector.shape_cast %parallel_loop3A_299 : vector<16xf32> to vector<1x16xf32>
      tpu.vector_store %arg6[%parallel_loop3A_300, %parallel_loop3A_301], %parallel_loop3A_304 {strides = array<i32>} : memref<512x128xf32, #tpu.memory_space<vmem>>, vector<1x16xf32>,
      %parallel_loop3A_305 = arith.index_cast %parallel_loop3A_199 : i32 to index
      %parallel_loop3A_306 = arith.constant 48 : index
      %parallel_loop3A_307 = tpu.vector_load %arg6[%parallel_loop3A_305, %parallel_loop3A_306] {strides = array<i32>} : memref<512x128xf32, #tpu.memory_space<vmem>>, vector<1x16xf32>,
      %parallel_loop3A_308 = vector.shape_cast %parallel_loop3A_307 : vector<1x16xf32> to vector<16xf32>
      %parallel_loop3A_309 = arith.constant 0.000000e+00 : f32
      %parallel_loop3A_310 = vector.broadcast %parallel_loop3A_309 : f32 to vector<16xf32>
      %parallel_loop3A_311 = arith.subf %parallel_loop3A_310, %parallel_loop3A_308 : vector<16xf32>
      %parallel_loop3A_312 = math.exp %parallel_loop3A_311 : vector<16xf32>
      %parallel_loop3A_313 = arith.constant 1.000000e+00 : f32
      %parallel_loop3A_314 = vector.broadcast %parallel_loop3A_313 : f32 to vector<16xf32>
      %parallel_loop3A_315 = arith.addf %parallel_loop3A_314, %parallel_loop3A_312 : vector<16xf32>
      %parallel_loop3A_316 = arith.constant 1.000000e+00 : f32
      %parallel_loop3A_317 = vector.broadcast %parallel_loop3A_316 : f32 to vector<16xf32>
      %parallel_loop3A_318 = arith.divf %parallel_loop3A_317, %parallel_loop3A_315 : vector<16xf32>
      %parallel_loop3A_319 = vector.shape_cast %xor3A_54 : vector<16xi32> to vector<16x1xi32>
      %parallel_loop3A_320 = vector.shape_cast %parallel_loop3A_319 : vector<16x1xi32> to vector<16xi32>
      %parallel_loop3A_321 = tpu.dynamic_gather %parallel_loop3A_318[%parallel_loop3A_320] in [0] : vector<16xf32>, vector<16xi32> -> vector<16xf32>
      %parallel_loop3A_322 = arith.addf %parallel_loop3A_318, %parallel_loop3A_321 : vector<16xf32>
      %parallel_loop3A_323 = vector.shape_cast %xor3A_57 : vector<16xi32> to vector<16x1xi32>
      %parallel_loop3A_324 = vector.shape_cast %parallel_loop3A_323 : vector<16x1xi32> to vector<16xi32>
      %parallel_loop3A_325 = tpu.dynamic_gather %parallel_loop3A_322[%parallel_loop3A_324] in [0] : vector<16xf32>, vector<16xi32> -> vector<16xf32>
      %parallel_loop3A_326 = arith.addf %parallel_loop3A_322, %parallel_loop3A_325 : vector<16xf32>
      %parallel_loop3A_327 = vector.shape_cast %xor3A_60 : vector<16xi32> to vector<16x1xi32>
      %parallel_loop3A_328 = vector.shape_cast %parallel_loop3A_327 : vector<16x1xi32> to vector<16xi32>
      %parallel_loop3A_329 = tpu.dynamic_gather %parallel_loop3A_326[%parallel_loop3A_328] in [0] : vector<16xf32>, vector<16xi32> -> vector<16xf32>
      %parallel_loop3A_330 = arith.addf %parallel_loop3A_326, %parallel_loop3A_329 : vector<16xf32>
      %parallel_loop3A_331 = arith.constant 9.99999996E-13 : f32
      %parallel_loop3A_332 = vector.broadcast %parallel_loop3A_331 : f32 to vector<16xf32>
      %parallel_loop3A_333 = arith.addf %parallel_loop3A_330, %parallel_loop3A_332 : vector<16xf32>
      %parallel_loop3A_334 = arith.divf %parallel_loop3A_318, %parallel_loop3A_333 : vector<16xf32>
      %parallel_loop3A_335 = arith.index_cast %parallel_loop3A_199 : i32 to index
      %parallel_loop3A_336 = arith.constant 48 : index
      %parallel_loop3A_337 = tpu.vector_load %arg6[%parallel_loop3A_335, %parallel_loop3A_336] {strides = array<i32>} : memref<512x128xf32, #tpu.memory_space<vmem>>, vector<1x16xf32>,
      %parallel_loop3A_338 = vector.shape_cast %parallel_loop3A_337 : vector<1x16xf32> to vector<16xf32>
      %parallel_loop3A_339 = vector.shape_cast %parallel_loop3A_334 : vector<16xf32> to vector<1x16xf32>
      tpu.vector_store %arg6[%parallel_loop3A_335, %parallel_loop3A_336], %parallel_loop3A_339 {strides = array<i32>} : memref<512x128xf32, #tpu.memory_space<vmem>>, vector<1x16xf32>,
      %parallel_loop3A_340 = arith.index_cast %parallel_loop3A_199 : i32 to index
      %parallel_loop3A_341 = arith.constant 64 : index
      %parallel_loop3A_342 = tpu.vector_load %arg6[%parallel_loop3A_340, %parallel_loop3A_341] {strides = array<i32>} : memref<512x128xf32, #tpu.memory_space<vmem>>, vector<1x16xf32>,
      %parallel_loop3A_343 = vector.shape_cast %parallel_loop3A_342 : vector<1x16xf32> to vector<16xf32>
      %parallel_loop3A_344 = arith.constant 0.000000e+00 : f32
      %parallel_loop3A_345 = vector.broadcast %parallel_loop3A_344 : f32 to vector<16xf32>
      %parallel_loop3A_346 = arith.subf %parallel_loop3A_345, %parallel_loop3A_343 : vector<16xf32>
      %parallel_loop3A_347 = math.exp %parallel_loop3A_346 : vector<16xf32>
      %parallel_loop3A_348 = arith.constant 1.000000e+00 : f32
      %parallel_loop3A_349 = vector.broadcast %parallel_loop3A_348 : f32 to vector<16xf32>
      %parallel_loop3A_350 = arith.addf %parallel_loop3A_349, %parallel_loop3A_347 : vector<16xf32>
      %parallel_loop3A_351 = arith.constant 1.000000e+00 : f32
      %parallel_loop3A_352 = vector.broadcast %parallel_loop3A_351 : f32 to vector<16xf32>
      %parallel_loop3A_353 = arith.divf %parallel_loop3A_352, %parallel_loop3A_350 : vector<16xf32>
      %parallel_loop3A_354 = vector.shape_cast %xor3A_54 : vector<16xi32> to vector<16x1xi32>
      %parallel_loop3A_355 = vector.shape_cast %parallel_loop3A_354 : vector<16x1xi32> to vector<16xi32>
      %parallel_loop3A_356 = tpu.dynamic_gather %parallel_loop3A_353[%parallel_loop3A_355] in [0] : vector<16xf32>, vector<16xi32> -> vector<16xf32>
      %parallel_loop3A_357 = arith.addf %parallel_loop3A_353, %parallel_loop3A_356 : vector<16xf32>
      %parallel_loop3A_358 = vector.shape_cast %xor3A_57 : vector<16xi32> to vector<16x1xi32>
      %parallel_loop3A_359 = vector.shape_cast %parallel_loop3A_358 : vector<16x1xi32> to vector<16xi32>
      %parallel_loop3A_360 = tpu.dynamic_gather %parallel_loop3A_357[%parallel_loop3A_359] in [0] : vector<16xf32>, vector<16xi32> -> vector<16xf32>
      %parallel_loop3A_361 = arith.addf %parallel_loop3A_357, %parallel_loop3A_360 : vector<16xf32>
      %parallel_loop3A_362 = vector.shape_cast %xor3A_60 : vector<16xi32> to vector<16x1xi32>
      %parallel_loop3A_363 = vector.shape_cast %parallel_loop3A_362 : vector<16x1xi32> to vector<16xi32>
      %parallel_loop3A_364 = tpu.dynamic_gather %parallel_loop3A_361[%parallel_loop3A_363] in [0] : vector<16xf32>, vector<16xi32> -> vector<16xf32>
      %parallel_loop3A_365 = arith.addf %parallel_loop3A_361, %parallel_loop3A_364 : vector<16xf32>
      %parallel_loop3A_366 = arith.constant 9.99999996E-13 : f32
      %parallel_loop3A_367 = vector.broadcast %parallel_loop3A_366 : f32 to vector<16xf32>
      %parallel_loop3A_368 = arith.addf %parallel_loop3A_365, %parallel_loop3A_367 : vector<16xf32>
      %parallel_loop3A_369 = arith.divf %parallel_loop3A_353, %parallel_loop3A_368 : vector<16xf32>
      %parallel_loop3A_370 = arith.index_cast %parallel_loop3A_199 : i32 to index
      %parallel_loop3A_371 = arith.constant 64 : index
      %parallel_loop3A_372 = tpu.vector_load %arg6[%parallel_loop3A_370, %parallel_loop3A_371] {strides = array<i32>} : memref<512x128xf32, #tpu.memory_space<vmem>>, vector<1x16xf32>,
      %parallel_loop3A_373 = vector.shape_cast %parallel_loop3A_372 : vector<1x16xf32> to vector<16xf32>
      %parallel_loop3A_374 = vector.shape_cast %parallel_loop3A_369 : vector<16xf32> to vector<1x16xf32>
      tpu.vector_store %arg6[%parallel_loop3A_370, %parallel_loop3A_371], %parallel_loop3A_374 {strides = array<i32>} : memref<512x128xf32, #tpu.memory_space<vmem>>, vector<1x16xf32>,
      %parallel_loop3A_375 = arith.index_cast %parallel_loop3A_199 : i32 to index
      %parallel_loop3A_376 = arith.constant 80 : index
      %parallel_loop3A_377 = tpu.vector_load %arg6[%parallel_loop3A_375, %parallel_loop3A_376] {strides = array<i32>} : memref<512x128xf32, #tpu.memory_space<vmem>>, vector<1x16xf32>,
      %parallel_loop3A_378 = vector.shape_cast %parallel_loop3A_377 : vector<1x16xf32> to vector<16xf32>
      %parallel_loop3A_379 = arith.constant 0.000000e+00 : f32
      %parallel_loop3A_380 = vector.broadcast %parallel_loop3A_379 : f32 to vector<16xf32>
      %parallel_loop3A_381 = arith.subf %parallel_loop3A_380, %parallel_loop3A_378 : vector<16xf32>
      %parallel_loop3A_382 = math.exp %parallel_loop3A_381 : vector<16xf32>
      %parallel_loop3A_383 = arith.constant 1.000000e+00 : f32
      %parallel_loop3A_384 = vector.broadcast %parallel_loop3A_383 : f32 to vector<16xf32>
      %parallel_loop3A_385 = arith.addf %parallel_loop3A_384, %parallel_loop3A_382 : vector<16xf32>
      %parallel_loop3A_386 = arith.constant 1.000000e+00 : f32
      %parallel_loop3A_387 = vector.broadcast %parallel_loop3A_386 : f32 to vector<16xf32>
      %parallel_loop3A_388 = arith.divf %parallel_loop3A_387, %parallel_loop3A_385 : vector<16xf32>
      %parallel_loop3A_389 = vector.shape_cast %xor3A_54 : vector<16xi32> to vector<16x1xi32>
      %parallel_loop3A_390 = vector.shape_cast %parallel_loop3A_389 : vector<16x1xi32> to vector<16xi32>
      %parallel_loop3A_391 = tpu.dynamic_gather %parallel_loop3A_388[%parallel_loop3A_390] in [0] : vector<16xf32>, vector<16xi32> -> vector<16xf32>
      %parallel_loop3A_392 = arith.addf %parallel_loop3A_388, %parallel_loop3A_391 : vector<16xf32>
      %parallel_loop3A_393 = vector.shape_cast %xor3A_57 : vector<16xi32> to vector<16x1xi32>
      %parallel_loop3A_394 = vector.shape_cast %parallel_loop3A_393 : vector<16x1xi32> to vector<16xi32>
      %parallel_loop3A_395 = tpu.dynamic_gather %parallel_loop3A_392[%parallel_loop3A_394] in [0] : vector<16xf32>, vector<16xi32> -> vector<16xf32>
      %parallel_loop3A_396 = arith.addf %parallel_loop3A_392, %parallel_loop3A_395 : vector<16xf32>
      %parallel_loop3A_397 = vector.shape_cast %xor3A_60 : vector<16xi32> to vector<16x1xi32>
      %parallel_loop3A_398 = vector.shape_cast %parallel_loop3A_397 : vector<16x1xi32> to vector<16xi32>
      %parallel_loop3A_399 = tpu.dynamic_gather %parallel_loop3A_396[%parallel_loop3A_398] in [0] : vector<16xf32>, vector<16xi32> -> vector<16xf32>
      %parallel_loop3A_400 = arith.addf %parallel_loop3A_396, %parallel_loop3A_399 : vector<16xf32>
      %parallel_loop3A_401 = arith.constant 9.99999996E-13 : f32
      %parallel_loop3A_402 = vector.broadcast %parallel_loop3A_401 : f32 to vector<16xf32>
      %parallel_loop3A_403 = arith.addf %parallel_loop3A_400, %parallel_loop3A_402 : vector<16xf32>
      %parallel_loop3A_404 = arith.divf %parallel_loop3A_388, %parallel_loop3A_403 : vector<16xf32>
      %parallel_loop3A_405 = arith.index_cast %parallel_loop3A_199 : i32 to index
      %parallel_loop3A_406 = arith.constant 80 : index
      %parallel_loop3A_407 = tpu.vector_load %arg6[%parallel_loop3A_405, %parallel_loop3A_406] {strides = array<i32>} : memref<512x128xf32, #tpu.memory_space<vmem>>, vector<1x16xf32>,
      %parallel_loop3A_408 = vector.shape_cast %parallel_loop3A_407 : vector<1x16xf32> to vector<16xf32>
      %parallel_loop3A_409 = vector.shape_cast %parallel_loop3A_404 : vector<16xf32> to vector<1x16xf32>
      tpu.vector_store %arg6[%parallel_loop3A_405, %parallel_loop3A_406], %parallel_loop3A_409 {strides = array<i32>} : memref<512x128xf32, #tpu.memory_space<vmem>>, vector<1x16xf32>,
      %parallel_loop3A_410 = arith.index_cast %parallel_loop3A_199 : i32 to index
      %parallel_loop3A_411 = arith.constant 96 : index
      %parallel_loop3A_412 = tpu.vector_load %arg6[%parallel_loop3A_410, %parallel_loop3A_411] {strides = array<i32>} : memref<512x128xf32, #tpu.memory_space<vmem>>, vector<1x16xf32>,
      %parallel_loop3A_413 = vector.shape_cast %parallel_loop3A_412 : vector<1x16xf32> to vector<16xf32>
      %parallel_loop3A_414 = arith.constant 0.000000e+00 : f32
      %parallel_loop3A_415 = vector.broadcast %parallel_loop3A_414 : f32 to vector<16xf32>
      %parallel_loop3A_416 = arith.subf %parallel_loop3A_415, %parallel_loop3A_413 : vector<16xf32>
      %parallel_loop3A_417 = math.exp %parallel_loop3A_416 : vector<16xf32>
      %parallel_loop3A_418 = arith.constant 1.000000e+00 : f32
      %parallel_loop3A_419 = vector.broadcast %parallel_loop3A_418 : f32 to vector<16xf32>
      %parallel_loop3A_420 = arith.addf %parallel_loop3A_419, %parallel_loop3A_417 : vector<16xf32>
      %parallel_loop3A_421 = arith.constant 1.000000e+00 : f32
      %parallel_loop3A_422 = vector.broadcast %parallel_loop3A_421 : f32 to vector<16xf32>
      %parallel_loop3A_423 = arith.divf %parallel_loop3A_422, %parallel_loop3A_420 : vector<16xf32>
      %parallel_loop3A_424 = vector.shape_cast %xor3A_54 : vector<16xi32> to vector<16x1xi32>
      %parallel_loop3A_425 = vector.shape_cast %parallel_loop3A_424 : vector<16x1xi32> to vector<16xi32>
      %parallel_loop3A_426 = tpu.dynamic_gather %parallel_loop3A_423[%parallel_loop3A_425] in [0] : vector<16xf32>, vector<16xi32> -> vector<16xf32>
      %parallel_loop3A_427 = arith.addf %parallel_loop3A_423, %parallel_loop3A_426 : vector<16xf32>
      %parallel_loop3A_428 = vector.shape_cast %xor3A_57 : vector<16xi32> to vector<16x1xi32>
      %parallel_loop3A_429 = vector.shape_cast %parallel_loop3A_428 : vector<16x1xi32> to vector<16xi32>
      %parallel_loop3A_430 = tpu.dynamic_gather %parallel_loop3A_427[%parallel_loop3A_429] in [0] : vector<16xf32>, vector<16xi32> -> vector<16xf32>
      %parallel_loop3A_431 = arith.addf %parallel_loop3A_427, %parallel_loop3A_430 : vector<16xf32>
      %parallel_loop3A_432 = vector.shape_cast %xor3A_60 : vector<16xi32> to vector<16x1xi32>
      %parallel_loop3A_433 = vector.shape_cast %parallel_loop3A_432 : vector<16x1xi32> to vector<16xi32>
      %parallel_loop3A_434 = tpu.dynamic_gather %parallel_loop3A_431[%parallel_loop3A_433] in [0] : vector<16xf32>, vector<16xi32> -> vector<16xf32>
      %parallel_loop3A_435 = arith.addf %parallel_loop3A_431, %parallel_loop3A_434 : vector<16xf32>
      %parallel_loop3A_436 = arith.constant 9.99999996E-13 : f32
      %parallel_loop3A_437 = vector.broadcast %parallel_loop3A_436 : f32 to vector<16xf32>
      %parallel_loop3A_438 = arith.addf %parallel_loop3A_435, %parallel_loop3A_437 : vector<16xf32>
      %parallel_loop3A_439 = arith.divf %parallel_loop3A_423, %parallel_loop3A_438 : vector<16xf32>
      %parallel_loop3A_440 = arith.index_cast %parallel_loop3A_199 : i32 to index
      %parallel_loop3A_441 = arith.constant 96 : index
      %parallel_loop3A_442 = tpu.vector_load %arg6[%parallel_loop3A_440, %parallel_loop3A_441] {strides = array<i32>} : memref<512x128xf32, #tpu.memory_space<vmem>>, vector<1x16xf32>,
      %parallel_loop3A_443 = vector.shape_cast %parallel_loop3A_442 : vector<1x16xf32> to vector<16xf32>
      %parallel_loop3A_444 = vector.shape_cast %parallel_loop3A_439 : vector<16xf32> to vector<1x16xf32>
      tpu.vector_store %arg6[%parallel_loop3A_440, %parallel_loop3A_441], %parallel_loop3A_444 {strides = array<i32>} : memref<512x128xf32, #tpu.memory_space<vmem>>, vector<1x16xf32>,
      %parallel_loop3A_445 = arith.index_cast %parallel_loop3A_199 : i32 to index
      %parallel_loop3A_446 = arith.constant 112 : index
      %parallel_loop3A_447 = tpu.vector_load %arg6[%parallel_loop3A_445, %parallel_loop3A_446] {strides = array<i32>} : memref<512x128xf32, #tpu.memory_space<vmem>>, vector<1x16xf32>,
      %parallel_loop3A_448 = vector.shape_cast %parallel_loop3A_447 : vector<1x16xf32> to vector<16xf32>
      %parallel_loop3A_449 = arith.constant 0.000000e+00 : f32
      %parallel_loop3A_450 = vector.broadcast %parallel_loop3A_449 : f32 to vector<16xf32>
      %parallel_loop3A_451 = arith.subf %parallel_loop3A_450, %parallel_loop3A_448 : vector<16xf32>
      %parallel_loop3A_452 = math.exp %parallel_loop3A_451 : vector<16xf32>
      %parallel_loop3A_453 = arith.constant 1.000000e+00 : f32
      %parallel_loop3A_454 = vector.broadcast %parallel_loop3A_453 : f32 to vector<16xf32>
      %parallel_loop3A_455 = arith.addf %parallel_loop3A_454, %parallel_loop3A_452 : vector<16xf32>
      %parallel_loop3A_456 = arith.constant 1.000000e+00 : f32
      %parallel_loop3A_457 = vector.broadcast %parallel_loop3A_456 : f32 to vector<16xf32>
      %parallel_loop3A_458 = arith.divf %parallel_loop3A_457, %parallel_loop3A_455 : vector<16xf32>
      %parallel_loop3A_459 = vector.shape_cast %xor3A_54 : vector<16xi32> to vector<16x1xi32>
      %parallel_loop3A_460 = vector.shape_cast %parallel_loop3A_459 : vector<16x1xi32> to vector<16xi32>
      %parallel_loop3A_461 = tpu.dynamic_gather %parallel_loop3A_458[%parallel_loop3A_460] in [0] : vector<16xf32>, vector<16xi32> -> vector<16xf32>
      %parallel_loop3A_462 = arith.addf %parallel_loop3A_458, %parallel_loop3A_461 : vector<16xf32>
      %parallel_loop3A_463 = vector.shape_cast %xor3A_57 : vector<16xi32> to vector<16x1xi32>
      %parallel_loop3A_464 = vector.shape_cast %parallel_loop3A_463 : vector<16x1xi32> to vector<16xi32>
      %parallel_loop3A_465 = tpu.dynamic_gather %parallel_loop3A_462[%parallel_loop3A_464] in [0] : vector<16xf32>, vector<16xi32> -> vector<16xf32>
      %parallel_loop3A_466 = arith.addf %parallel_loop3A_462, %parallel_loop3A_465 : vector<16xf32>
      %parallel_loop3A_467 = vector.shape_cast %xor3A_60 : vector<16xi32> to vector<16x1xi32>
      %parallel_loop3A_468 = vector.shape_cast %parallel_loop3A_467 : vector<16x1xi32> to vector<16xi32>
      %parallel_loop3A_469 = tpu.dynamic_gather %parallel_loop3A_466[%parallel_loop3A_468] in [0] : vector<16xf32>, vector<16xi32> -> vector<16xf32>
      %parallel_loop3A_470 = arith.addf %parallel_loop3A_466, %parallel_loop3A_469 : vector<16xf32>
      %parallel_loop3A_471 = arith.constant 9.99999996E-13 : f32
      %parallel_loop3A_472 = vector.broadcast %parallel_loop3A_471 : f32 to vector<16xf32>
      %parallel_loop3A_473 = arith.addf %parallel_loop3A_470, %parallel_loop3A_472 : vector<16xf32>
      %parallel_loop3A_474 = arith.divf %parallel_loop3A_458, %parallel_loop3A_473 : vector<16xf32>
      %parallel_loop3A_475 = arith.index_cast %parallel_loop3A_199 : i32 to index
      %parallel_loop3A_476 = arith.constant 112 : index
      %parallel_loop3A_477 = tpu.vector_load %arg6[%parallel_loop3A_475, %parallel_loop3A_476] {strides = array<i32>} : memref<512x128xf32, #tpu.memory_space<vmem>>, vector<1x16xf32>,
      %parallel_loop3A_478 = vector.shape_cast %parallel_loop3A_477 : vector<1x16xf32> to vector<16xf32>
      %parallel_loop3A_479 = vector.shape_cast %parallel_loop3A_474 : vector<16xf32> to vector<1x16xf32>
      tpu.vector_store %arg6[%parallel_loop3A_475, %parallel_loop3A_476], %parallel_loop3A_479 {strides = array<i32>} : memref<512x128xf32, #tpu.memory_space<vmem>>, vector<1x16xf32>,
    } {sc.loop_unroll_factor = 2 : i64, sc.parallel_access}
    %add3A_122 = arith.constant 256 : i32
    %add3A_123 = arith.addi %mul3A_2, %add3A_122 : i32
    %dma_start3A_124 = arith.constant 256 : i32
    %dma_start3A_125 = arith.constant 0 : i32
    %dma_start3A_126 = tpu.memref_slice %arg6[%dma_start3A_124, %dma_start3A_125] : memref<512x128xf32, #tpu.memory_space<vmem>> -> memref<128x128xf32, #tpu.memory_space<vmem>>
    %dma_start3A_127 = arith.constant 0 : i32
    %dma_start3A_128 = tpu.memref_slice %arg4[%add3A_123, %dma_start3A_127] : memref<16384x128xf32, #tpu.memory_space<hbm>> -> memref<128x128xf32, #tpu.memory_space<hbm>>
    %dma_start3A_129 = arith.constant 0 : i32
    %dma_start3A_130 = tpu.memref_slice %arg4[%add3A_123, %dma_start3A_129] : memref<16384x128xf32, #tpu.memory_space<hbm>> -> memref<128x128xf32, #tpu.memory_space<hbm>>
    %dma_start3A_131 = arith.constant 256 : i32
    %dma_start3A_132 = arith.constant 0 : i32
    %dma_start3A_133 = tpu.memref_slice %arg6[%dma_start3A_131, %dma_start3A_132] : memref<512x128xf32, #tpu.memory_space<vmem>> -> memref<128x128xf32, #tpu.memory_space<vmem>>
    tpu.enqueue_dma source(%dma_start3A_133 : memref<128x128xf32, #tpu.memory_space<vmem>>) target(%dma_start3A_130 : memref<128x128xf32, #tpu.memory_space<hbm>>) target_semaphore(%arg8 : memref<!tpu.dma_semaphore, #tpu.memory_space<semaphore_mem>>)
    %dma_wait3A_134 = arith.constant 3 : i32
    %dma_wait3A_135 = arith.constant 384 : i32
    %dma_wait3A_136 = arith.constant 0 : i32
    %dma_wait3A_137 = tpu.memref_slice %arg6[%dma_wait3A_135, %dma_wait3A_136] : memref<512x128xf32, #tpu.memory_space<vmem>> -> memref<128x128xf32, #tpu.memory_space<vmem>>
    %dma_wait3A_138 = arith.constant 0 : i32
    %dma_wait3A_139 = tpu.memref_slice %arg5[%dma_wait3A_134, %dma_wait3A_138] : memref<4x128xi32, #tpu.memory_space<vmem>> -> memref<1x128xi32, #tpu.memory_space<vmem>>
    %dma_wait3A_140 = tpu.memref_squeeze %dma_wait3A_139 : memref<1x128xi32, #tpu.memory_space<vmem>> -> memref<128xi32, #tpu.memory_space<vmem>>
    %dma_wait3A_141 = arith.constant 0 : i32
    %dma_wait3A_142 = arith.constant 0 : i32
    %dma_wait3A_143 = tpu.memref_slice %arg2[%dma_wait3A_141, %dma_wait3A_142] : memref<100000x128xf32, #tpu.memory_space<hbm>> -> memref<100000x128xf32, #tpu.memory_space<hbm>>
    tpu.wait_indirect_dma semaphore(%arg7 : memref<!tpu.dma_semaphore, #tpu.memory_space<semaphore_mem>>) src(%dma_wait3A_143 : memref<100000x128xf32, #tpu.memory_space<hbm>>) dst(%dma_wait3A_137 : memref<128x128xf32, #tpu.memory_space<vmem>>)
    %parallel_loop3A_144 = arith.constant 384 : i32
    %parallel_loop3A_145 = arith.constant 512 : i32
    %parallel_loop3A_146 = arith.constant 1 : i32
    scf.for %parallel_loop3A_199 = %parallel_loop3A_144 to %parallel_loop3A_145 step %parallel_loop3A_146  : i32 {
      %parallel_loop3A_200 = arith.index_cast %parallel_loop3A_199 : i32 to index
      %parallel_loop3A_201 = arith.constant 0 : index
      %parallel_loop3A_202 = tpu.vector_load %arg6[%parallel_loop3A_200, %parallel_loop3A_201] {strides = array<i32>} : memref<512x128xf32, #tpu.memory_space<vmem>>, vector<1x16xf32>,
      %parallel_loop3A_203 = vector.shape_cast %parallel_loop3A_202 : vector<1x16xf32> to vector<16xf32>
      %parallel_loop3A_204 = arith.constant 0.000000e+00 : f32
      %parallel_loop3A_205 = vector.broadcast %parallel_loop3A_204 : f32 to vector<16xf32>
      %parallel_loop3A_206 = arith.subf %parallel_loop3A_205, %parallel_loop3A_203 : vector<16xf32>
      %parallel_loop3A_207 = math.exp %parallel_loop3A_206 : vector<16xf32>
      %parallel_loop3A_208 = arith.constant 1.000000e+00 : f32
      %parallel_loop3A_209 = vector.broadcast %parallel_loop3A_208 : f32 to vector<16xf32>
      %parallel_loop3A_210 = arith.addf %parallel_loop3A_209, %parallel_loop3A_207 : vector<16xf32>
      %parallel_loop3A_211 = arith.constant 1.000000e+00 : f32
      %parallel_loop3A_212 = vector.broadcast %parallel_loop3A_211 : f32 to vector<16xf32>
      %parallel_loop3A_213 = arith.divf %parallel_loop3A_212, %parallel_loop3A_210 : vector<16xf32>
      %parallel_loop3A_214 = vector.shape_cast %xor3A_54 : vector<16xi32> to vector<16x1xi32>
      %parallel_loop3A_215 = vector.shape_cast %parallel_loop3A_214 : vector<16x1xi32> to vector<16xi32>
      %parallel_loop3A_216 = tpu.dynamic_gather %parallel_loop3A_213[%parallel_loop3A_215] in [0] : vector<16xf32>, vector<16xi32> -> vector<16xf32>
      %parallel_loop3A_217 = arith.addf %parallel_loop3A_213, %parallel_loop3A_216 : vector<16xf32>
      %parallel_loop3A_218 = vector.shape_cast %xor3A_57 : vector<16xi32> to vector<16x1xi32>
      %parallel_loop3A_219 = vector.shape_cast %parallel_loop3A_218 : vector<16x1xi32> to vector<16xi32>
      %parallel_loop3A_220 = tpu.dynamic_gather %parallel_loop3A_217[%parallel_loop3A_219] in [0] : vector<16xf32>, vector<16xi32> -> vector<16xf32>
      %parallel_loop3A_221 = arith.addf %parallel_loop3A_217, %parallel_loop3A_220 : vector<16xf32>
      %parallel_loop3A_222 = vector.shape_cast %xor3A_60 : vector<16xi32> to vector<16x1xi32>
      %parallel_loop3A_223 = vector.shape_cast %parallel_loop3A_222 : vector<16x1xi32> to vector<16xi32>
      %parallel_loop3A_224 = tpu.dynamic_gather %parallel_loop3A_221[%parallel_loop3A_223] in [0] : vector<16xf32>, vector<16xi32> -> vector<16xf32>
      %parallel_loop3A_225 = arith.addf %parallel_loop3A_221, %parallel_loop3A_224 : vector<16xf32>
      %parallel_loop3A_226 = arith.constant 9.99999996E-13 : f32
      %parallel_loop3A_227 = vector.broadcast %parallel_loop3A_226 : f32 to vector<16xf32>
      %parallel_loop3A_228 = arith.addf %parallel_loop3A_225, %parallel_loop3A_227 : vector<16xf32>
      %parallel_loop3A_229 = arith.divf %parallel_loop3A_213, %parallel_loop3A_228 : vector<16xf32>
      %parallel_loop3A_230 = arith.index_cast %parallel_loop3A_199 : i32 to index
      %parallel_loop3A_231 = arith.constant 0 : index
      %parallel_loop3A_232 = tpu.vector_load %arg6[%parallel_loop3A_230, %parallel_loop3A_231] {strides = array<i32>} : memref<512x128xf32, #tpu.memory_space<vmem>>, vector<1x16xf32>,
      %parallel_loop3A_233 = vector.shape_cast %parallel_loop3A_232 : vector<1x16xf32> to vector<16xf32>
      %parallel_loop3A_234 = vector.shape_cast %parallel_loop3A_229 : vector<16xf32> to vector<1x16xf32>
      tpu.vector_store %arg6[%parallel_loop3A_230, %parallel_loop3A_231], %parallel_loop3A_234 {strides = array<i32>} : memref<512x128xf32, #tpu.memory_space<vmem>>, vector<1x16xf32>,
      %parallel_loop3A_235 = arith.index_cast %parallel_loop3A_199 : i32 to index
      %parallel_loop3A_236 = arith.constant 16 : index
      %parallel_loop3A_237 = tpu.vector_load %arg6[%parallel_loop3A_235, %parallel_loop3A_236] {strides = array<i32>} : memref<512x128xf32, #tpu.memory_space<vmem>>, vector<1x16xf32>,
      %parallel_loop3A_238 = vector.shape_cast %parallel_loop3A_237 : vector<1x16xf32> to vector<16xf32>
      %parallel_loop3A_239 = arith.constant 0.000000e+00 : f32
      %parallel_loop3A_240 = vector.broadcast %parallel_loop3A_239 : f32 to vector<16xf32>
      %parallel_loop3A_241 = arith.subf %parallel_loop3A_240, %parallel_loop3A_238 : vector<16xf32>
      %parallel_loop3A_242 = math.exp %parallel_loop3A_241 : vector<16xf32>
      %parallel_loop3A_243 = arith.constant 1.000000e+00 : f32
      %parallel_loop3A_244 = vector.broadcast %parallel_loop3A_243 : f32 to vector<16xf32>
      %parallel_loop3A_245 = arith.addf %parallel_loop3A_244, %parallel_loop3A_242 : vector<16xf32>
      %parallel_loop3A_246 = arith.constant 1.000000e+00 : f32
      %parallel_loop3A_247 = vector.broadcast %parallel_loop3A_246 : f32 to vector<16xf32>
      %parallel_loop3A_248 = arith.divf %parallel_loop3A_247, %parallel_loop3A_245 : vector<16xf32>
      %parallel_loop3A_249 = vector.shape_cast %xor3A_54 : vector<16xi32> to vector<16x1xi32>
      %parallel_loop3A_250 = vector.shape_cast %parallel_loop3A_249 : vector<16x1xi32> to vector<16xi32>
      %parallel_loop3A_251 = tpu.dynamic_gather %parallel_loop3A_248[%parallel_loop3A_250] in [0] : vector<16xf32>, vector<16xi32> -> vector<16xf32>
      %parallel_loop3A_252 = arith.addf %parallel_loop3A_248, %parallel_loop3A_251 : vector<16xf32>
      %parallel_loop3A_253 = vector.shape_cast %xor3A_57 : vector<16xi32> to vector<16x1xi32>
      %parallel_loop3A_254 = vector.shape_cast %parallel_loop3A_253 : vector<16x1xi32> to vector<16xi32>
      %parallel_loop3A_255 = tpu.dynamic_gather %parallel_loop3A_252[%parallel_loop3A_254] in [0] : vector<16xf32>, vector<16xi32> -> vector<16xf32>
      %parallel_loop3A_256 = arith.addf %parallel_loop3A_252, %parallel_loop3A_255 : vector<16xf32>
      %parallel_loop3A_257 = vector.shape_cast %xor3A_60 : vector<16xi32> to vector<16x1xi32>
      %parallel_loop3A_258 = vector.shape_cast %parallel_loop3A_257 : vector<16x1xi32> to vector<16xi32>
      %parallel_loop3A_259 = tpu.dynamic_gather %parallel_loop3A_256[%parallel_loop3A_258] in [0] : vector<16xf32>, vector<16xi32> -> vector<16xf32>
      %parallel_loop3A_260 = arith.addf %parallel_loop3A_256, %parallel_loop3A_259 : vector<16xf32>
      %parallel_loop3A_261 = arith.constant 9.99999996E-13 : f32
      %parallel_loop3A_262 = vector.broadcast %parallel_loop3A_261 : f32 to vector<16xf32>
      %parallel_loop3A_263 = arith.addf %parallel_loop3A_260, %parallel_loop3A_262 : vector<16xf32>
      %parallel_loop3A_264 = arith.divf %parallel_loop3A_248, %parallel_loop3A_263 : vector<16xf32>
      %parallel_loop3A_265 = arith.index_cast %parallel_loop3A_199 : i32 to index
      %parallel_loop3A_266 = arith.constant 16 : index
      %parallel_loop3A_267 = tpu.vector_load %arg6[%parallel_loop3A_265, %parallel_loop3A_266] {strides = array<i32>} : memref<512x128xf32, #tpu.memory_space<vmem>>, vector<1x16xf32>,
      %parallel_loop3A_268 = vector.shape_cast %parallel_loop3A_267 : vector<1x16xf32> to vector<16xf32>
      %parallel_loop3A_269 = vector.shape_cast %parallel_loop3A_264 : vector<16xf32> to vector<1x16xf32>
      tpu.vector_store %arg6[%parallel_loop3A_265, %parallel_loop3A_266], %parallel_loop3A_269 {strides = array<i32>} : memref<512x128xf32, #tpu.memory_space<vmem>>, vector<1x16xf32>,
      %parallel_loop3A_270 = arith.index_cast %parallel_loop3A_199 : i32 to index
      %parallel_loop3A_271 = arith.constant 32 : index
      %parallel_loop3A_272 = tpu.vector_load %arg6[%parallel_loop3A_270, %parallel_loop3A_271] {strides = array<i32>} : memref<512x128xf32, #tpu.memory_space<vmem>>, vector<1x16xf32>,
      %parallel_loop3A_273 = vector.shape_cast %parallel_loop3A_272 : vector<1x16xf32> to vector<16xf32>
      %parallel_loop3A_274 = arith.constant 0.000000e+00 : f32
      %parallel_loop3A_275 = vector.broadcast %parallel_loop3A_274 : f32 to vector<16xf32>
      %parallel_loop3A_276 = arith.subf %parallel_loop3A_275, %parallel_loop3A_273 : vector<16xf32>
      %parallel_loop3A_277 = math.exp %parallel_loop3A_276 : vector<16xf32>
      %parallel_loop3A_278 = arith.constant 1.000000e+00 : f32
      %parallel_loop3A_279 = vector.broadcast %parallel_loop3A_278 : f32 to vector<16xf32>
      %parallel_loop3A_280 = arith.addf %parallel_loop3A_279, %parallel_loop3A_277 : vector<16xf32>
      %parallel_loop3A_281 = arith.constant 1.000000e+00 : f32
      %parallel_loop3A_282 = vector.broadcast %parallel_loop3A_281 : f32 to vector<16xf32>
      %parallel_loop3A_283 = arith.divf %parallel_loop3A_282, %parallel_loop3A_280 : vector<16xf32>
      %parallel_loop3A_284 = vector.shape_cast %xor3A_54 : vector<16xi32> to vector<16x1xi32>
      %parallel_loop3A_285 = vector.shape_cast %parallel_loop3A_284 : vector<16x1xi32> to vector<16xi32>
      %parallel_loop3A_286 = tpu.dynamic_gather %parallel_loop3A_283[%parallel_loop3A_285] in [0] : vector<16xf32>, vector<16xi32> -> vector<16xf32>
      %parallel_loop3A_287 = arith.addf %parallel_loop3A_283, %parallel_loop3A_286 : vector<16xf32>
      %parallel_loop3A_288 = vector.shape_cast %xor3A_57 : vector<16xi32> to vector<16x1xi32>
      %parallel_loop3A_289 = vector.shape_cast %parallel_loop3A_288 : vector<16x1xi32> to vector<16xi32>
      %parallel_loop3A_290 = tpu.dynamic_gather %parallel_loop3A_287[%parallel_loop3A_289] in [0] : vector<16xf32>, vector<16xi32> -> vector<16xf32>
      %parallel_loop3A_291 = arith.addf %parallel_loop3A_287, %parallel_loop3A_290 : vector<16xf32>
      %parallel_loop3A_292 = vector.shape_cast %xor3A_60 : vector<16xi32> to vector<16x1xi32>
      %parallel_loop3A_293 = vector.shape_cast %parallel_loop3A_292 : vector<16x1xi32> to vector<16xi32>
      %parallel_loop3A_294 = tpu.dynamic_gather %parallel_loop3A_291[%parallel_loop3A_293] in [0] : vector<16xf32>, vector<16xi32> -> vector<16xf32>
      %parallel_loop3A_295 = arith.addf %parallel_loop3A_291, %parallel_loop3A_294 : vector<16xf32>
      %parallel_loop3A_296 = arith.constant 9.99999996E-13 : f32
      %parallel_loop3A_297 = vector.broadcast %parallel_loop3A_296 : f32 to vector<16xf32>
      %parallel_loop3A_298 = arith.addf %parallel_loop3A_295, %parallel_loop3A_297 : vector<16xf32>
      %parallel_loop3A_299 = arith.divf %parallel_loop3A_283, %parallel_loop3A_298 : vector<16xf32>
      %parallel_loop3A_300 = arith.index_cast %parallel_loop3A_199 : i32 to index
      %parallel_loop3A_301 = arith.constant 32 : index
      %parallel_loop3A_302 = tpu.vector_load %arg6[%parallel_loop3A_300, %parallel_loop3A_301] {strides = array<i32>} : memref<512x128xf32, #tpu.memory_space<vmem>>, vector<1x16xf32>,
      %parallel_loop3A_303 = vector.shape_cast %parallel_loop3A_302 : vector<1x16xf32> to vector<16xf32>
      %parallel_loop3A_304 = vector.shape_cast %parallel_loop3A_299 : vector<16xf32> to vector<1x16xf32>
      tpu.vector_store %arg6[%parallel_loop3A_300, %parallel_loop3A_301], %parallel_loop3A_304 {strides = array<i32>} : memref<512x128xf32, #tpu.memory_space<vmem>>, vector<1x16xf32>,
      %parallel_loop3A_305 = arith.index_cast %parallel_loop3A_199 : i32 to index
      %parallel_loop3A_306 = arith.constant 48 : index
      %parallel_loop3A_307 = tpu.vector_load %arg6[%parallel_loop3A_305, %parallel_loop3A_306] {strides = array<i32>} : memref<512x128xf32, #tpu.memory_space<vmem>>, vector<1x16xf32>,
      %parallel_loop3A_308 = vector.shape_cast %parallel_loop3A_307 : vector<1x16xf32> to vector<16xf32>
      %parallel_loop3A_309 = arith.constant 0.000000e+00 : f32
      %parallel_loop3A_310 = vector.broadcast %parallel_loop3A_309 : f32 to vector<16xf32>
      %parallel_loop3A_311 = arith.subf %parallel_loop3A_310, %parallel_loop3A_308 : vector<16xf32>
      %parallel_loop3A_312 = math.exp %parallel_loop3A_311 : vector<16xf32>
      %parallel_loop3A_313 = arith.constant 1.000000e+00 : f32
      %parallel_loop3A_314 = vector.broadcast %parallel_loop3A_313 : f32 to vector<16xf32>
      %parallel_loop3A_315 = arith.addf %parallel_loop3A_314, %parallel_loop3A_312 : vector<16xf32>
      %parallel_loop3A_316 = arith.constant 1.000000e+00 : f32
      %parallel_loop3A_317 = vector.broadcast %parallel_loop3A_316 : f32 to vector<16xf32>
      %parallel_loop3A_318 = arith.divf %parallel_loop3A_317, %parallel_loop3A_315 : vector<16xf32>
      %parallel_loop3A_319 = vector.shape_cast %xor3A_54 : vector<16xi32> to vector<16x1xi32>
      %parallel_loop3A_320 = vector.shape_cast %parallel_loop3A_319 : vector<16x1xi32> to vector<16xi32>
      %parallel_loop3A_321 = tpu.dynamic_gather %parallel_loop3A_318[%parallel_loop3A_320] in [0] : vector<16xf32>, vector<16xi32> -> vector<16xf32>
      %parallel_loop3A_322 = arith.addf %parallel_loop3A_318, %parallel_loop3A_321 : vector<16xf32>
      %parallel_loop3A_323 = vector.shape_cast %xor3A_57 : vector<16xi32> to vector<16x1xi32>
      %parallel_loop3A_324 = vector.shape_cast %parallel_loop3A_323 : vector<16x1xi32> to vector<16xi32>
      %parallel_loop3A_325 = tpu.dynamic_gather %parallel_loop3A_322[%parallel_loop3A_324] in [0] : vector<16xf32>, vector<16xi32> -> vector<16xf32>
      %parallel_loop3A_326 = arith.addf %parallel_loop3A_322, %parallel_loop3A_325 : vector<16xf32>
      %parallel_loop3A_327 = vector.shape_cast %xor3A_60 : vector<16xi32> to vector<16x1xi32>
      %parallel_loop3A_328 = vector.shape_cast %parallel_loop3A_327 : vector<16x1xi32> to vector<16xi32>
      %parallel_loop3A_329 = tpu.dynamic_gather %parallel_loop3A_326[%parallel_loop3A_328] in [0] : vector<16xf32>, vector<16xi32> -> vector<16xf32>
      %parallel_loop3A_330 = arith.addf %parallel_loop3A_326, %parallel_loop3A_329 : vector<16xf32>
      %parallel_loop3A_331 = arith.constant 9.99999996E-13 : f32
      %parallel_loop3A_332 = vector.broadcast %parallel_loop3A_331 : f32 to vector<16xf32>
      %parallel_loop3A_333 = arith.addf %parallel_loop3A_330, %parallel_loop3A_332 : vector<16xf32>
      %parallel_loop3A_334 = arith.divf %parallel_loop3A_318, %parallel_loop3A_333 : vector<16xf32>
      %parallel_loop3A_335 = arith.index_cast %parallel_loop3A_199 : i32 to index
      %parallel_loop3A_336 = arith.constant 48 : index
      %parallel_loop3A_337 = tpu.vector_load %arg6[%parallel_loop3A_335, %parallel_loop3A_336] {strides = array<i32>} : memref<512x128xf32, #tpu.memory_space<vmem>>, vector<1x16xf32>,
      %parallel_loop3A_338 = vector.shape_cast %parallel_loop3A_337 : vector<1x16xf32> to vector<16xf32>
      %parallel_loop3A_339 = vector.shape_cast %parallel_loop3A_334 : vector<16xf32> to vector<1x16xf32>
      tpu.vector_store %arg6[%parallel_loop3A_335, %parallel_loop3A_336], %parallel_loop3A_339 {strides = array<i32>} : memref<512x128xf32, #tpu.memory_space<vmem>>, vector<1x16xf32>,
      %parallel_loop3A_340 = arith.index_cast %parallel_loop3A_199 : i32 to index
      %parallel_loop3A_341 = arith.constant 64 : index
      %parallel_loop3A_342 = tpu.vector_load %arg6[%parallel_loop3A_340, %parallel_loop3A_341] {strides = array<i32>} : memref<512x128xf32, #tpu.memory_space<vmem>>, vector<1x16xf32>,
      %parallel_loop3A_343 = vector.shape_cast %parallel_loop3A_342 : vector<1x16xf32> to vector<16xf32>
      %parallel_loop3A_344 = arith.constant 0.000000e+00 : f32
      %parallel_loop3A_345 = vector.broadcast %parallel_loop3A_344 : f32 to vector<16xf32>
      %parallel_loop3A_346 = arith.subf %parallel_loop3A_345, %parallel_loop3A_343 : vector<16xf32>
      %parallel_loop3A_347 = math.exp %parallel_loop3A_346 : vector<16xf32>
      %parallel_loop3A_348 = arith.constant 1.000000e+00 : f32
      %parallel_loop3A_349 = vector.broadcast %parallel_loop3A_348 : f32 to vector<16xf32>
      %parallel_loop3A_350 = arith.addf %parallel_loop3A_349, %parallel_loop3A_347 : vector<16xf32>
      %parallel_loop3A_351 = arith.constant 1.000000e+00 : f32
      %parallel_loop3A_352 = vector.broadcast %parallel_loop3A_351 : f32 to vector<16xf32>
      %parallel_loop3A_353 = arith.divf %parallel_loop3A_352, %parallel_loop3A_350 : vector<16xf32>
      %parallel_loop3A_354 = vector.shape_cast %xor3A_54 : vector<16xi32> to vector<16x1xi32>
      %parallel_loop3A_355 = vector.shape_cast %parallel_loop3A_354 : vector<16x1xi32> to vector<16xi32>
      %parallel_loop3A_356 = tpu.dynamic_gather %parallel_loop3A_353[%parallel_loop3A_355] in [0] : vector<16xf32>, vector<16xi32> -> vector<16xf32>
      %parallel_loop3A_357 = arith.addf %parallel_loop3A_353, %parallel_loop3A_356 : vector<16xf32>
      %parallel_loop3A_358 = vector.shape_cast %xor3A_57 : vector<16xi32> to vector<16x1xi32>
      %parallel_loop3A_359 = vector.shape_cast %parallel_loop3A_358 : vector<16x1xi32> to vector<16xi32>
      %parallel_loop3A_360 = tpu.dynamic_gather %parallel_loop3A_357[%parallel_loop3A_359] in [0] : vector<16xf32>, vector<16xi32> -> vector<16xf32>
      %parallel_loop3A_361 = arith.addf %parallel_loop3A_357, %parallel_loop3A_360 : vector<16xf32>
      %parallel_loop3A_362 = vector.shape_cast %xor3A_60 : vector<16xi32> to vector<16x1xi32>
      %parallel_loop3A_363 = vector.shape_cast %parallel_loop3A_362 : vector<16x1xi32> to vector<16xi32>
      %parallel_loop3A_364 = tpu.dynamic_gather %parallel_loop3A_361[%parallel_loop3A_363] in [0] : vector<16xf32>, vector<16xi32> -> vector<16xf32>
      %parallel_loop3A_365 = arith.addf %parallel_loop3A_361, %parallel_loop3A_364 : vector<16xf32>
      %parallel_loop3A_366 = arith.constant 9.99999996E-13 : f32
      %parallel_loop3A_367 = vector.broadcast %parallel_loop3A_366 : f32 to vector<16xf32>
      %parallel_loop3A_368 = arith.addf %parallel_loop3A_365, %parallel_loop3A_367 : vector<16xf32>
      %parallel_loop3A_369 = arith.divf %parallel_loop3A_353, %parallel_loop3A_368 : vector<16xf32>
      %parallel_loop3A_370 = arith.index_cast %parallel_loop3A_199 : i32 to index
      %parallel_loop3A_371 = arith.constant 64 : index
      %parallel_loop3A_372 = tpu.vector_load %arg6[%parallel_loop3A_370, %parallel_loop3A_371] {strides = array<i32>} : memref<512x128xf32, #tpu.memory_space<vmem>>, vector<1x16xf32>,
      %parallel_loop3A_373 = vector.shape_cast %parallel_loop3A_372 : vector<1x16xf32> to vector<16xf32>
      %parallel_loop3A_374 = vector.shape_cast %parallel_loop3A_369 : vector<16xf32> to vector<1x16xf32>
      tpu.vector_store %arg6[%parallel_loop3A_370, %parallel_loop3A_371], %parallel_loop3A_374 {strides = array<i32>} : memref<512x128xf32, #tpu.memory_space<vmem>>, vector<1x16xf32>,
      %parallel_loop3A_375 = arith.index_cast %parallel_loop3A_199 : i32 to index
      %parallel_loop3A_376 = arith.constant 80 : index
      %parallel_loop3A_377 = tpu.vector_load %arg6[%parallel_loop3A_375, %parallel_loop3A_376] {strides = array<i32>} : memref<512x128xf32, #tpu.memory_space<vmem>>, vector<1x16xf32>,
      %parallel_loop3A_378 = vector.shape_cast %parallel_loop3A_377 : vector<1x16xf32> to vector<16xf32>
      %parallel_loop3A_379 = arith.constant 0.000000e+00 : f32
      %parallel_loop3A_380 = vector.broadcast %parallel_loop3A_379 : f32 to vector<16xf32>
      %parallel_loop3A_381 = arith.subf %parallel_loop3A_380, %parallel_loop3A_378 : vector<16xf32>
      %parallel_loop3A_382 = math.exp %parallel_loop3A_381 : vector<16xf32>
      %parallel_loop3A_383 = arith.constant 1.000000e+00 : f32
      %parallel_loop3A_384 = vector.broadcast %parallel_loop3A_383 : f32 to vector<16xf32>
      %parallel_loop3A_385 = arith.addf %parallel_loop3A_384, %parallel_loop3A_382 : vector<16xf32>
      %parallel_loop3A_386 = arith.constant 1.000000e+00 : f32
      %parallel_loop3A_387 = vector.broadcast %parallel_loop3A_386 : f32 to vector<16xf32>
      %parallel_loop3A_388 = arith.divf %parallel_loop3A_387, %parallel_loop3A_385 : vector<16xf32>
      %parallel_loop3A_389 = vector.shape_cast %xor3A_54 : vector<16xi32> to vector<16x1xi32>
      %parallel_loop3A_390 = vector.shape_cast %parallel_loop3A_389 : vector<16x1xi32> to vector<16xi32>
      %parallel_loop3A_391 = tpu.dynamic_gather %parallel_loop3A_388[%parallel_loop3A_390] in [0] : vector<16xf32>, vector<16xi32> -> vector<16xf32>
      %parallel_loop3A_392 = arith.addf %parallel_loop3A_388, %parallel_loop3A_391 : vector<16xf32>
      %parallel_loop3A_393 = vector.shape_cast %xor3A_57 : vector<16xi32> to vector<16x1xi32>
      %parallel_loop3A_394 = vector.shape_cast %parallel_loop3A_393 : vector<16x1xi32> to vector<16xi32>
      %parallel_loop3A_395 = tpu.dynamic_gather %parallel_loop3A_392[%parallel_loop3A_394] in [0] : vector<16xf32>, vector<16xi32> -> vector<16xf32>
      %parallel_loop3A_396 = arith.addf %parallel_loop3A_392, %parallel_loop3A_395 : vector<16xf32>
      %parallel_loop3A_397 = vector.shape_cast %xor3A_60 : vector<16xi32> to vector<16x1xi32>
      %parallel_loop3A_398 = vector.shape_cast %parallel_loop3A_397 : vector<16x1xi32> to vector<16xi32>
      %parallel_loop3A_399 = tpu.dynamic_gather %parallel_loop3A_396[%parallel_loop3A_398] in [0] : vector<16xf32>, vector<16xi32> -> vector<16xf32>
      %parallel_loop3A_400 = arith.addf %parallel_loop3A_396, %parallel_loop3A_399 : vector<16xf32>
      %parallel_loop3A_401 = arith.constant 9.99999996E-13 : f32
      %parallel_loop3A_402 = vector.broadcast %parallel_loop3A_401 : f32 to vector<16xf32>
      %parallel_loop3A_403 = arith.addf %parallel_loop3A_400, %parallel_loop3A_402 : vector<16xf32>
      %parallel_loop3A_404 = arith.divf %parallel_loop3A_388, %parallel_loop3A_403 : vector<16xf32>
      %parallel_loop3A_405 = arith.index_cast %parallel_loop3A_199 : i32 to index
      %parallel_loop3A_406 = arith.constant 80 : index
      %parallel_loop3A_407 = tpu.vector_load %arg6[%parallel_loop3A_405, %parallel_loop3A_406] {strides = array<i32>} : memref<512x128xf32, #tpu.memory_space<vmem>>, vector<1x16xf32>,
      %parallel_loop3A_408 = vector.shape_cast %parallel_loop3A_407 : vector<1x16xf32> to vector<16xf32>
      %parallel_loop3A_409 = vector.shape_cast %parallel_loop3A_404 : vector<16xf32> to vector<1x16xf32>
      tpu.vector_store %arg6[%parallel_loop3A_405, %parallel_loop3A_406], %parallel_loop3A_409 {strides = array<i32>} : memref<512x128xf32, #tpu.memory_space<vmem>>, vector<1x16xf32>,
      %parallel_loop3A_410 = arith.index_cast %parallel_loop3A_199 : i32 to index
      %parallel_loop3A_411 = arith.constant 96 : index
      %parallel_loop3A_412 = tpu.vector_load %arg6[%parallel_loop3A_410, %parallel_loop3A_411] {strides = array<i32>} : memref<512x128xf32, #tpu.memory_space<vmem>>, vector<1x16xf32>,
      %parallel_loop3A_413 = vector.shape_cast %parallel_loop3A_412 : vector<1x16xf32> to vector<16xf32>
      %parallel_loop3A_414 = arith.constant 0.000000e+00 : f32
      %parallel_loop3A_415 = vector.broadcast %parallel_loop3A_414 : f32 to vector<16xf32>
      %parallel_loop3A_416 = arith.subf %parallel_loop3A_415, %parallel_loop3A_413 : vector<16xf32>
      %parallel_loop3A_417 = math.exp %parallel_loop3A_416 : vector<16xf32>
      %parallel_loop3A_418 = arith.constant 1.000000e+00 : f32
      %parallel_loop3A_419 = vector.broadcast %parallel_loop3A_418 : f32 to vector<16xf32>
      %parallel_loop3A_420 = arith.addf %parallel_loop3A_419, %parallel_loop3A_417 : vector<16xf32>
      %parallel_loop3A_421 = arith.constant 1.000000e+00 : f32
      %parallel_loop3A_422 = vector.broadcast %parallel_loop3A_421 : f32 to vector<16xf32>
      %parallel_loop3A_423 = arith.divf %parallel_loop3A_422, %parallel_loop3A_420 : vector<16xf32>
      %parallel_loop3A_424 = vector.shape_cast %xor3A_54 : vector<16xi32> to vector<16x1xi32>
      %parallel_loop3A_425 = vector.shape_cast %parallel_loop3A_424 : vector<16x1xi32> to vector<16xi32>
      %parallel_loop3A_426 = tpu.dynamic_gather %parallel_loop3A_423[%parallel_loop3A_425] in [0] : vector<16xf32>, vector<16xi32> -> vector<16xf32>
      %parallel_loop3A_427 = arith.addf %parallel_loop3A_423, %parallel_loop3A_426 : vector<16xf32>
      %parallel_loop3A_428 = vector.shape_cast %xor3A_57 : vector<16xi32> to vector<16x1xi32>
      %parallel_loop3A_429 = vector.shape_cast %parallel_loop3A_428 : vector<16x1xi32> to vector<16xi32>
      %parallel_loop3A_430 = tpu.dynamic_gather %parallel_loop3A_427[%parallel_loop3A_429] in [0] : vector<16xf32>, vector<16xi32> -> vector<16xf32>
      %parallel_loop3A_431 = arith.addf %parallel_loop3A_427, %parallel_loop3A_430 : vector<16xf32>
      %parallel_loop3A_432 = vector.shape_cast %xor3A_60 : vector<16xi32> to vector<16x1xi32>
      %parallel_loop3A_433 = vector.shape_cast %parallel_loop3A_432 : vector<16x1xi32> to vector<16xi32>
      %parallel_loop3A_434 = tpu.dynamic_gather %parallel_loop3A_431[%parallel_loop3A_433] in [0] : vector<16xf32>, vector<16xi32> -> vector<16xf32>
      %parallel_loop3A_435 = arith.addf %parallel_loop3A_431, %parallel_loop3A_434 : vector<16xf32>
      %parallel_loop3A_436 = arith.constant 9.99999996E-13 : f32
      %parallel_loop3A_437 = vector.broadcast %parallel_loop3A_436 : f32 to vector<16xf32>
      %parallel_loop3A_438 = arith.addf %parallel_loop3A_435, %parallel_loop3A_437 : vector<16xf32>
      %parallel_loop3A_439 = arith.divf %parallel_loop3A_423, %parallel_loop3A_438 : vector<16xf32>
      %parallel_loop3A_440 = arith.index_cast %parallel_loop3A_199 : i32 to index
      %parallel_loop3A_441 = arith.constant 96 : index
      %parallel_loop3A_442 = tpu.vector_load %arg6[%parallel_loop3A_440, %parallel_loop3A_441] {strides = array<i32>} : memref<512x128xf32, #tpu.memory_space<vmem>>, vector<1x16xf32>,
      %parallel_loop3A_443 = vector.shape_cast %parallel_loop3A_442 : vector<1x16xf32> to vector<16xf32>
      %parallel_loop3A_444 = vector.shape_cast %parallel_loop3A_439 : vector<16xf32> to vector<1x16xf32>
      tpu.vector_store %arg6[%parallel_loop3A_440, %parallel_loop3A_441], %parallel_loop3A_444 {strides = array<i32>} : memref<512x128xf32, #tpu.memory_space<vmem>>, vector<1x16xf32>,
      %parallel_loop3A_445 = arith.index_cast %parallel_loop3A_199 : i32 to index
      %parallel_loop3A_446 = arith.constant 112 : index
      %parallel_loop3A_447 = tpu.vector_load %arg6[%parallel_loop3A_445, %parallel_loop3A_446] {strides = array<i32>} : memref<512x128xf32, #tpu.memory_space<vmem>>, vector<1x16xf32>,
      %parallel_loop3A_448 = vector.shape_cast %parallel_loop3A_447 : vector<1x16xf32> to vector<16xf32>
      %parallel_loop3A_449 = arith.constant 0.000000e+00 : f32
      %parallel_loop3A_450 = vector.broadcast %parallel_loop3A_449 : f32 to vector<16xf32>
      %parallel_loop3A_451 = arith.subf %parallel_loop3A_450, %parallel_loop3A_448 : vector<16xf32>
      %parallel_loop3A_452 = math.exp %parallel_loop3A_451 : vector<16xf32>
      %parallel_loop3A_453 = arith.constant 1.000000e+00 : f32
      %parallel_loop3A_454 = vector.broadcast %parallel_loop3A_453 : f32 to vector<16xf32>
      %parallel_loop3A_455 = arith.addf %parallel_loop3A_454, %parallel_loop3A_452 : vector<16xf32>
      %parallel_loop3A_456 = arith.constant 1.000000e+00 : f32
      %parallel_loop3A_457 = vector.broadcast %parallel_loop3A_456 : f32 to vector<16xf32>
      %parallel_loop3A_458 = arith.divf %parallel_loop3A_457, %parallel_loop3A_455 : vector<16xf32>
      %parallel_loop3A_459 = vector.shape_cast %xor3A_54 : vector<16xi32> to vector<16x1xi32>
      %parallel_loop3A_460 = vector.shape_cast %parallel_loop3A_459 : vector<16x1xi32> to vector<16xi32>
      %parallel_loop3A_461 = tpu.dynamic_gather %parallel_loop3A_458[%parallel_loop3A_460] in [0] : vector<16xf32>, vector<16xi32> -> vector<16xf32>
      %parallel_loop3A_462 = arith.addf %parallel_loop3A_458, %parallel_loop3A_461 : vector<16xf32>
      %parallel_loop3A_463 = vector.shape_cast %xor3A_57 : vector<16xi32> to vector<16x1xi32>
      %parallel_loop3A_464 = vector.shape_cast %parallel_loop3A_463 : vector<16x1xi32> to vector<16xi32>
      %parallel_loop3A_465 = tpu.dynamic_gather %parallel_loop3A_462[%parallel_loop3A_464] in [0] : vector<16xf32>, vector<16xi32> -> vector<16xf32>
      %parallel_loop3A_466 = arith.addf %parallel_loop3A_462, %parallel_loop3A_465 : vector<16xf32>
      %parallel_loop3A_467 = vector.shape_cast %xor3A_60 : vector<16xi32> to vector<16x1xi32>
      %parallel_loop3A_468 = vector.shape_cast %parallel_loop3A_467 : vector<16x1xi32> to vector<16xi32>
      %parallel_loop3A_469 = tpu.dynamic_gather %parallel_loop3A_466[%parallel_loop3A_468] in [0] : vector<16xf32>, vector<16xi32> -> vector<16xf32>
      %parallel_loop3A_470 = arith.addf %parallel_loop3A_466, %parallel_loop3A_469 : vector<16xf32>
      %parallel_loop3A_471 = arith.constant 9.99999996E-13 : f32
      %parallel_loop3A_472 = vector.broadcast %parallel_loop3A_471 : f32 to vector<16xf32>
      %parallel_loop3A_473 = arith.addf %parallel_loop3A_470, %parallel_loop3A_472 : vector<16xf32>
      %parallel_loop3A_474 = arith.divf %parallel_loop3A_458, %parallel_loop3A_473 : vector<16xf32>
      %parallel_loop3A_475 = arith.index_cast %parallel_loop3A_199 : i32 to index
      %parallel_loop3A_476 = arith.constant 112 : index
      %parallel_loop3A_477 = tpu.vector_load %arg6[%parallel_loop3A_475, %parallel_loop3A_476] {strides = array<i32>} : memref<512x128xf32, #tpu.memory_space<vmem>>, vector<1x16xf32>,
      %parallel_loop3A_478 = vector.shape_cast %parallel_loop3A_477 : vector<1x16xf32> to vector<16xf32>
      %parallel_loop3A_479 = vector.shape_cast %parallel_loop3A_474 : vector<16xf32> to vector<1x16xf32>
      tpu.vector_store %arg6[%parallel_loop3A_475, %parallel_loop3A_476], %parallel_loop3A_479 {strides = array<i32>} : memref<512x128xf32, #tpu.memory_space<vmem>>, vector<1x16xf32>,
    } {sc.loop_unroll_factor = 2 : i64, sc.parallel_access}
    %add3A_147 = arith.constant 384 : i32
    %add3A_148 = arith.addi %mul3A_2, %add3A_147 : i32
    %dma_start3A_149 = arith.constant 384 : i32
    %dma_start3A_150 = arith.constant 0 : i32
    %dma_start3A_151 = tpu.memref_slice %arg6[%dma_start3A_149, %dma_start3A_150] : memref<512x128xf32, #tpu.memory_space<vmem>> -> memref<128x128xf32, #tpu.memory_space<vmem>>
    %dma_start3A_152 = arith.constant 0 : i32
    %dma_start3A_153 = tpu.memref_slice %arg4[%add3A_148, %dma_start3A_152] : memref<16384x128xf32, #tpu.memory_space<hbm>> -> memref<128x128xf32, #tpu.memory_space<hbm>>
    %dma_start3A_154 = arith.constant 0 : i32
    %dma_start3A_155 = tpu.memref_slice %arg4[%add3A_148, %dma_start3A_154] : memref<16384x128xf32, #tpu.memory_space<hbm>> -> memref<128x128xf32, #tpu.memory_space<hbm>>
    %dma_start3A_156 = arith.constant 384 : i32
    %dma_start3A_157 = arith.constant 0 : i32
    %dma_start3A_158 = tpu.memref_slice %arg6[%dma_start3A_156, %dma_start3A_157] : memref<512x128xf32, #tpu.memory_space<vmem>> -> memref<128x128xf32, #tpu.memory_space<vmem>>
    tpu.enqueue_dma source(%dma_start3A_158 : memref<128x128xf32, #tpu.memory_space<vmem>>) target(%dma_start3A_155 : memref<128x128xf32, #tpu.memory_space<hbm>>) target_semaphore(%arg8 : memref<!tpu.dma_semaphore, #tpu.memory_space<semaphore_mem>>)
    %dma_wait3A_159 = arith.constant 0 : i32
    %dma_wait3A_160 = arith.constant 0 : i32
    %dma_wait3A_161 = tpu.memref_slice %arg6[%dma_wait3A_159, %dma_wait3A_160] : memref<512x128xf32, #tpu.memory_space<vmem>> -> memref<128x128xf32, #tpu.memory_space<vmem>>
    %dma_wait3A_162 = arith.constant 0 : i32
    %dma_wait3A_163 = tpu.memref_slice %arg4[%add3A_73, %dma_wait3A_162] : memref<16384x128xf32, #tpu.memory_space<hbm>> -> memref<128x128xf32, #tpu.memory_space<hbm>>
    %dma_wait3A_164 = arith.constant 0 : i32
    %dma_wait3A_165 = tpu.memref_slice %arg4[%add3A_73, %dma_wait3A_164] : memref<16384x128xf32, #tpu.memory_space<hbm>> -> memref<128x128xf32, #tpu.memory_space<hbm>>
    %dma_wait3A_166 = arith.constant 0 : i32
    %dma_wait3A_167 = arith.constant 0 : i32
    %dma_wait3A_168 = tpu.memref_slice %arg6[%dma_wait3A_166, %dma_wait3A_167] : memref<512x128xf32, #tpu.memory_space<vmem>> -> memref<128x128xf32, #tpu.memory_space<vmem>>
    tpu.wait_dma2 semaphore(%arg8 : memref<!tpu.dma_semaphore, #tpu.memory_space<semaphore_mem>>) src(%dma_wait3A_168 : memref<128x128xf32, #tpu.memory_space<vmem>>) dst(%dma_wait3A_165 : memref<128x128xf32, #tpu.memory_space<hbm>>)
    %dma_wait3A_169 = arith.constant 128 : i32
    %dma_wait3A_170 = arith.constant 0 : i32
    %dma_wait3A_171 = tpu.memref_slice %arg6[%dma_wait3A_169, %dma_wait3A_170] : memref<512x128xf32, #tpu.memory_space<vmem>> -> memref<128x128xf32, #tpu.memory_space<vmem>>
    %dma_wait3A_172 = arith.constant 0 : i32
    %dma_wait3A_173 = tpu.memref_slice %arg4[%add3A_98, %dma_wait3A_172] : memref<16384x128xf32, #tpu.memory_space<hbm>> -> memref<128x128xf32, #tpu.memory_space<hbm>>
    %dma_wait3A_174 = arith.constant 0 : i32
    %dma_wait3A_175 = tpu.memref_slice %arg4[%add3A_98, %dma_wait3A_174] : memref<16384x128xf32, #tpu.memory_space<hbm>> -> memref<128x128xf32, #tpu.memory_space<hbm>>
    %dma_wait3A_176 = arith.constant 128 : i32
    %dma_wait3A_177 = arith.constant 0 : i32
    %dma_wait3A_178 = tpu.memref_slice %arg6[%dma_wait3A_176, %dma_wait3A_177] : memref<512x128xf32, #tpu.memory_space<vmem>> -> memref<128x128xf32, #tpu.memory_space<vmem>>
    tpu.wait_dma2 semaphore(%arg8 : memref<!tpu.dma_semaphore, #tpu.memory_space<semaphore_mem>>) src(%dma_wait3A_178 : memref<128x128xf32, #tpu.memory_space<vmem>>) dst(%dma_wait3A_175 : memref<128x128xf32, #tpu.memory_space<hbm>>)
    %dma_wait3A_179 = arith.constant 256 : i32
    %dma_wait3A_180 = arith.constant 0 : i32
    %dma_wait3A_181 = tpu.memref_slice %arg6[%dma_wait3A_179, %dma_wait3A_180] : memref<512x128xf32, #tpu.memory_space<vmem>> -> memref<128x128xf32, #tpu.memory_space<vmem>>
    %dma_wait3A_182 = arith.constant 0 : i32
    %dma_wait3A_183 = tpu.memref_slice %arg4[%add3A_123, %dma_wait3A_182] : memref<16384x128xf32, #tpu.memory_space<hbm>> -> memref<128x128xf32, #tpu.memory_space<hbm>>
    %dma_wait3A_184 = arith.constant 0 : i32
    %dma_wait3A_185 = tpu.memref_slice %arg4[%add3A_123, %dma_wait3A_184] : memref<16384x128xf32, #tpu.memory_space<hbm>> -> memref<128x128xf32, #tpu.memory_space<hbm>>
    %dma_wait3A_186 = arith.constant 256 : i32
    %dma_wait3A_187 = arith.constant 0 : i32
    %dma_wait3A_188 = tpu.memref_slice %arg6[%dma_wait3A_186, %dma_wait3A_187] : memref<512x128xf32, #tpu.memory_space<vmem>> -> memref<128x128xf32, #tpu.memory_space<vmem>>
    tpu.wait_dma2 semaphore(%arg8 : memref<!tpu.dma_semaphore, #tpu.memory_space<semaphore_mem>>) src(%dma_wait3A_188 : memref<128x128xf32, #tpu.memory_space<vmem>>) dst(%dma_wait3A_185 : memref<128x128xf32, #tpu.memory_space<hbm>>)
    %dma_wait3A_189 = arith.constant 384 : i32
    %dma_wait3A_190 = arith.constant 0 : i32
    %dma_wait3A_191 = tpu.memref_slice %arg6[%dma_wait3A_189, %dma_wait3A_190] : memref<512x128xf32, #tpu.memory_space<vmem>> -> memref<128x128xf32, #tpu.memory_space<vmem>>
    %dma_wait3A_192 = arith.constant 0 : i32
    %dma_wait3A_193 = tpu.memref_slice %arg4[%add3A_148, %dma_wait3A_192] : memref<16384x128xf32, #tpu.memory_space<hbm>> -> memref<128x128xf32, #tpu.memory_space<hbm>>
    %dma_wait3A_194 = arith.constant 0 : i32
    %dma_wait3A_195 = tpu.memref_slice %arg4[%add3A_148, %dma_wait3A_194] : memref<16384x128xf32, #tpu.memory_space<hbm>> -> memref<128x128xf32, #tpu.memory_space<hbm>>
    %dma_wait3A_196 = arith.constant 384 : i32
    %dma_wait3A_197 = arith.constant 0 : i32
    %dma_wait3A_198 = tpu.memref_slice %arg6[%dma_wait3A_196, %dma_wait3A_197] : memref<512x128xf32, #tpu.memory_space<vmem>> -> memref<128x128xf32, #tpu.memory_space<vmem>>
    tpu.wait_dma2 semaphore(%arg8 : memref<!tpu.dma_semaphore, #tpu.memory_space<semaphore_mem>>) src(%dma_wait3A_198 : memref<128x128xf32, #tpu.memory_space<vmem>>) dst(%dma_wait3A_195 : memref<128x128xf32, #tpu.memory_space<hbm>>)
    return
  }
}

</mosaic_0001>

<sc_bundles>
// kernel: kernel.3.cloned.1.call-start
scs
__scs_entry_jumppad:
0x0: {  	(pc) =	sbr.rel $0x88, $3  }
0x1: {  	(tag) =	ssettag $0x0;
	lr =	simm.s32 $0x1  }
0x2: {  	[smem:$0x3F9F] =	sst lr;
	_ =	strace $0xD0000000  }
0x3: {  	_ = 	snop  }
0x4: {  	_ = 	snop  }
0x5: {  	_ = 	snop  }
0x6: {  	_ = 	snop  }
0x7: {  	_ = 	snop  }
__scs_overlays_trampoline_lowered:
0x8: {  	[smem:$0x3FAE] =	sst s0  }
0x9: {  	[smem:$0x3FAF] =	sst s1  }
0xa: {  	[smem:$0x3FB0] =	sst s2  }
0xb: {  	[smem:$0x3FB1] =	sst s3  }
0xc: {  	[smem:$0x3FB2] =	sst s4  }
0xd: {  	[smem:$0x3FB3] =	sst s5  }
0xe: {  	[smem:$0x3FB4] =	sst s6  }
0xf: {  	[smem:$0x3FB5] =	sst s7  }
0x10: {  	[smem:$0x3FB6] =	sst s8  }
0x11: {  	[smem:$0x3FB7] =	sst s9;
	s0 =	simm.s32 @!p0 $0x0  }
0x12: {  	s1 =	sld [smem:$0x3F9D];
	s0 =	simm.s32 @p0 $0x1  }
0x13: {  	[smem:$0x3FB8] =	sst s0;
	s0 =	simm.s32 @!p1 $0x0  }
0x14: {  	s2 =	sld [smem:$0x3F9C];
	s0 =	simm.s32 @p1 $0x1  }
0x15: {  	[smem:$0x3FB9] =	sst s0;
	s0 =	simm.s32 @!p2 $0x0  }
0x16: {  	s3 =	sld [smem:$0x3FDB];
	s0 =	simm.s32 @p2 $0x1  }
0x17: {  	s4 =	simm.s32 $0x1BF5;
	[smem:$0x3FBB] =	sst s0  }
0x18: {  	s0 =	sld [smem:$0x3F9E];
	_ =	swait.ge [sflag:s4], $0x0  }
0x19: {  	s7 =	sld [smem:$0x3F9F]  }
0x1a: {  	s8 =	sadd.s32 $0xFFFFE003, lr  }
0x1b: {  	s9 =	sadd.s32 $0xFFFFFEF7, lr;
	s5 =	simm.s32 $0xFFFFFFFF;
	p2 =	slt.u32 s8, $0xFFFFF086  }
0x1c: {  	p1 =	slt.u32 s9, $0xF7A;
	s5 =	simm.s32 @!p2 $0x0  }
0x1d: {  	s5 =	simm.s32 @p1 $0x1;
	p0 =	seq.s32 s7, s2  }
0x1e: {  	s7 =	smul.u32 @!p0 $0xF7A, s2;
	p2 =	seq.s32 @!p0 s5, $0x0  }
0x1f: {  	s9 =	smul.u32 $0xF7A, s1;
	s8 =	simm.s32 @!p0 $0x1BF5;
	p2 =	por !p2, p0  }
0x20: {  	[sflag:s8] =	ssyncset.s32 @!p0 $0xFFFFF086;
	s6 =	sadd.s32 @!p0 s3, s7;
	s7 =	simm.s32 @!p0 $0x108  }
0x21: {  	s3 =	sadd.s32 s3, s9;
	s6 =	sadd.s32 @!p0 $0x88, s6;
	s7 =	simm.s32 @p2 $0x1082  }
0x22: {  	[simem:s7], [sflag:s8] =	dma.local @!p0 [hbm:s6], $0xF7A  }
0x23: {  	s9 =	sor.u32 $0xD0000000, s2;
	s6 =	simm.s32 $0x108;
	_ =	swait.ge @!p0 [sflag:s8], $0x0  }
0x24: {  	s3 =	sadd.s32 $0x88, s3;
	s6 =	simm.s32 @!p1 $0x1082;
	[sflag:s4] =	ssyncset.s32 $0xFFFFF086  }
0x25: {  	[simem:s6], [sflag:s4] =	dma.local [hbm:s3], $0xF7A  }
0x26: {  	[smem:$0x3F9F] =	sst s1;
	(tag) =	ssettag s2;
	_ =	strace s9  }
0x27: {  	s1 =	sld [smem:$0x3FAF]  }
0x28: {  	s2 =	sld [smem:$0x3FB0]  }
0x29: {  	s4 =	sld [smem:$0x3FB2]  }
0x2a: {  	p0 =	seq.s32 s5, $0x0;
	s5 =	sld [smem:$0x3FB3]  }
0x2b: {  	s6 =	sld [smem:$0x3FB4]  }
0x2c: {  	s7 =	sld [smem:$0x3FB5]  }
0x2d: {  	s3 =	simm.s32 $0x108;
	s8 =	sld [smem:$0x3FB6]  }
0x2e: {  	s3 =	simm.s32 @!p0 $0x1082;
	s9 =	sld [smem:$0x3FB7]  }
0x2f: {  	lr =	sadd.s32 s0, s3;
	s0 =	sld [smem:$0x3FAE]  }
0x30: {  	s3 =	sld [smem:$0x3FB1]  }
0x31: {  	[smem:$0x3FBA] =	sst s10  }
0x32: {  	s10 =	sld [smem:$0x3FB8];
	_ =	sdelay $0x3  }
0x33: {  	p0 =	seq.s32 s10, $0x1;
	s10 =	sld [smem:$0x3FBA];
	_ =	sdelay $0x3  }
0x34: {  	[smem:$0x3FBA] =	sst s10  }
0x35: {  	s10 =	sld [smem:$0x3FB9];
	_ =	sdelay $0x3  }
0x36: {  	p1 =	seq.s32 s10, $0x1;
	s10 =	sld [smem:$0x3FBA];
	_ =	sdelay $0x3  }
0x37: {  	[smem:$0x3FBA] =	sst s10  }
0x38: {  	s10 =	sld [smem:$0x3FBB]  }
0x39: {  	_ = 	snop;
	(pc) =	sbr.ind lr, $3  }
0x3a: {  	_ = 	snop  }
0x3b: {  	_ = 	snop  }
0x3c: {  	p2 =	seq.s32 s10, $0x1;
	s10 =	sld [smem:$0x3FBA]  }
0x3d: {  	_ =	shalt  }
0x3e: {  	_ =	shalt  }
0x3f: {  	_ =	shalt  }
0x40: {  	_ =	shalt  }
0x41: {  	_ =	shalt  }
0x42: {  	_ =	shalt  }
0x43: {  	_ =	shalt  }
0x44: {  	_ =	shalt  }
0x45: {  	_ =	shalt  }
0x46: {  	_ =	shalt  }
0x47: {  	_ =	shalt  }
0x48: {  	_ =	shalt  }
0x49: {  	_ =	shalt  }
0x4a: {  	_ =	shalt  }
0x4b: {  	_ =	shalt  }
0x4c: {  	_ =	shalt  }
0x4d: {  	_ =	shalt  }
0x4e: {  	_ =	shalt  }
0x4f: {  	_ =	shalt  }
0x50: {  	_ =	shalt  }
0x51: {  	_ =	shalt  }
0x52: {  	_ =	shalt  }
0x53: {  	_ =	shalt  }
0x54: {  	_ =	shalt  }
0x55: {  	_ =	shalt  }
0x56: {  	_ =	shalt  }
0x57: {  	_ =	shalt  }
0x58: {  	_ =	shalt  }
0x59: {  	_ =	shalt  }
0x5a: {  	_ =	shalt  }
0x5b: {  	_ =	shalt  }
0x5c: {  	_ =	shalt  }
0x5d: {  	_ =	shalt  }
0x5e: {  	_ =	shalt  }
0x5f: {  	_ =	shalt  }
0x60: {  	_ =	shalt  }
0x61: {  	_ =	shalt  }
0x62: {  	_ =	shalt  }
0x63: {  	_ =	shalt  }
0x64: {  	_ =	shalt  }
0x65: {  	_ =	shalt  }
0x66: {  	_ =	shalt  }
0x67: {  	_ =	shalt  }
0x68: {  	_ =	shalt  }
0x69: {  	_ =	shalt  }
0x6a: {  	_ =	shalt  }
0x6b: {  	_ =	shalt  }
0x6c: {  	_ =	shalt  }
0x6d: {  	_ =	shalt  }
0x6e: {  	_ =	shalt  }
0x6f: {  	_ =	shalt  }
0x70: {  	_ =	shalt  }
0x71: {  	_ =	shalt  }
0x72: {  	_ =	shalt  }
0x73: {  	_ =	shalt  }
0x74: {  	_ =	shalt  }
0x75: {  	_ =	shalt  }
0x76: {  	_ =	shalt  }
0x77: {  	_ =	shalt  }
0x78: {  	_ =	shalt  }
0x79: {  	_ =	shalt  }
0x7a: {  	_ =	shalt  }
0x7b: {  	_ =	shalt  }
0x7c: {  	_ =	shalt  }
0x7d: {  	_ =	shalt  }
0x7e: {  	_ =	shalt  }
0x7f: {  	_ =	shalt  }
0x80: {  	_ =	shalt  }
0x81: {  	_ =	shalt  }
0x82: {  	_ =	shalt  }
0x83: {  	_ =	shalt  }
0x84: {  	_ =	shalt  }
0x85: {  	_ =	shalt  }
0x86: {  	_ =	shalt  }
0x87: {  	_ =	shalt  }
.Lfunc_end0:
.L_simem_size_0:
called_computation_lowered:
.L_overlay_start_0:
0x88: {  	s2 =	sld [smem:$0x3FD9]  }
0x89: {  	s3 =	sld [smem:$0x3FFE];
	_ =	sdelay $0x1  }
0x8a: {  	s1 =	srdreg.scid  }
0x8b: {  	s0 =	sand.u32 $0x1, s1  }
0x8c: {  	s17 =	sshll.u32 s0, $0xA;
	s2 =	sadd.s32 s3, s2  }
0x8d: {  	s2 =	sadd.s32 s2, s17  }
0x8e: {  	[smem:$0x3FC6] =	sst s2  }
0x8f: {  	_ = 	snop  }
0x90: {  	s2 =	sld [smem:$0x3FC9]  }
0x91: {  	s18 =	sld [smem:$0x3FC8];
	(tm) =	ssettm $0x1  }
0x92: {  	s4 =	sld [smem:$0x3FFB];
	_ =	sdelay $0x3  }
0x93: {  	_ =	strace s4  }
0x94: {  	s4 =	sld [smem:$0x3FFC];
	_ =	sdelay $0x3  }
0x95: {  	_ =	strace s4  }
0x96: {  	s4 =	sld [smem:$0x3FFD];
	_ =	sdelay $0x3  }
0x97: {  	_ =	strace s4  }
0x98: {  	_ =	strace $0x8FFFFFFF  }
0x99: {  	s19 =	sld [smem:$0x3FDB];
	_ =	sdelay $0x1  }
0x9a: {  	s5 =	simm.s32 $_scs_section_size  }
0x9b: {  	s6 =	simm.s32 $_size__tile_overlayer_lowered;
	s7 =	simm.s32 $_tile_overlayer_lowered  }
0x9c: {  	s22 =	simm.s32 $0x1BFF;
	s21 =	sshll.u32 s7, $0x1;
	s4 =	sadd.s32 s5, s19  }
0x9d: {  	s8 =	simm.s32 $0x0;
	s20 =	sshll.u32 s6, $0x1;
	s6 =	sadd.s32 s21, s4  }
0x9e: {  	[timem:s8], [sflag:s22] =	dma.local [hbm:s6], s20  }
0x9f: {  	_ =	swait.ge [sflag:s22], s20  }
0xa0: {  	s5 =	ssub.s32 $0x0, s20;
	[sflag:s22] =	ssyncset.done $0x0  }
0xa1: {  	[sflag:s22] =	ssyncadd.s32 s5;
	_ =	sdelay $0x1  }
0xa2: {  	s23 =	simm.s32 $0x1B8B  }
0xa3: {  	_ =	swait.ge [sflag:s23], $0x1  }
0xa4: {  	[sflag:s23] =	ssyncset.done $0x0  }
0xa5: {  	s25 =	simm.s32 $0x1B8E;
	s24 =	sld [smem:$0x3FFE];
	[sflag:s23] =	ssyncadd.s32 $0xFFFFFFFF  }
0xa6: {  	s26 =	simm.s32 $execute0_lowered;
	[smem:$0x3FD2] =	sst s25  }
0xa7: {  	s6 =	sshll.u32 s26, $0x1;
	_ =	strace $0x80000046;
	[dreg:$0x1] =	wrdreg $0xFFFFFFFF  }
0xa8: {  	s28 =	simm.s32 $_size_execute0_lowered;
	s4 =	sadd.s32 s4, s6;
	[dreg:$0x0] =	wrdreg $0x0  }
0xa9: {  	s6 =	sshll.u32 s28, $0x1;
	[dreg:$0x2] =	wrdreg s4  }
0xaa: {  	[dreg:$0x3] =	wrdreg s6  }
0xab: {  	[dreg:$0x4] =	wrdreg $0xC0  }
0xac: {  	_ =	task [dreg:s8], $0x5FFFF  }
0xad: {  	[dreg:$0x1] =	wrdreg $0xFFFFFFFF  }
0xae: {  	[dreg:$0x0] =	wrdreg $0x60  }
0xaf: {  	[dreg:$0x2] =	wrdreg s2  }
0xb0: {  	[dreg:$0x3] =	wrdreg s18  }
0xb1: {  	[dreg:$0x4] =	wrdreg s24  }
0xb2: {  	[dreg:$0x5] =	wrdreg $0x9  }
0xb3: {  	_ =	task.clear_ibuf [dreg:s8], $0x6FFFF;
	_ =	strace $0x90000046  }
0xb4: {  	s29 =	simm.s32 $0x9;
	_ =	strace $0x80000048  }
0xb5: {  	_ =	swait.ge [sflag:s29], $0x1  }
0xb6: {  	[sflag:s29] =	ssyncadd.s32 $0xFFFFFFFF  }
0xb7: {  	_ =	strace $0x90000048  }
0xb8: {  	_ =	sfence  }
0xb9: {  	s30 =	sld [smem:$0x0];
	_ =	sdelay $0x2  }
0xba: {  	s31 =	sshll.u32 s1, $0xD;
	s1 =	sshrl.u32 s1, $0x2  }
0xbb: {  	s3 =	sand.u32 $0x4000, s31;
	s1 =	sadd.s32 s1, s30  }
0xbc: {  	s0 =	sor.u32 s3, s0;
	s1 =	sshll.u32 s1, $0x11  }
0xbd: {  	s0 =	sor.u32 s1, s0  }
0xbe: {  	s0 =	sadd.s32 $0x8F2B, s0  }
0xbf: {  	[sflag:s0] =	ssyncadd.remote.s32 $0x1  }
0xc0: {  	_ =	sfence.sel $0xFFFF  }
0xc1: {  	[dreg:$0x0] =	wrdreg $0xFFFFFFFF;
	(pc) =	sbr.abs _section_cstart, $3  }
0xc2: {  	[dreg:$0x1] =	wrdreg $0xFFFFFFFF  }
0xc3: {  	_ =	task.clear_ibuf [dreg:s8], $0x2FFFF;
	_ =	strace $0x9FFFFFFF  }
0xc4: {  	(tm) =	ssettm $0x7FFFFFFF  }
0xc5: {  	_ =	shalt  }
tec
execute0_lowered:
.L_overlay_start_1:
0x0: {  	(tag) =	ssettag $0x1  }
0x1: {  	s1 =	rddreg [dreg:$0x0]  }
0x2: {  	s7 =	rddreg [dreg:$0x1]  }
0x3: {  	s4 =	rddreg [dreg:$0x2]  }
0x4: {  	s0 =	rddreg [dreg:$0x3];
	s3 =	simm.s32 $0x0;
	s5 =	srdreg.scid  }
0x5: {  	s2 =	stileid.u32;
	s16 =	simm.s32 $0x180;
	s17 =	simm.s32 $0x200  }
0x6: {  	s18 =	simm.s32 $0x4200;
	s19 =	simm.s32 $0x8200;
	s20 =	simm.s32 $0xC200  }
0x7: {  	s21 =	simm.s32 $0x1;
	s22 =	simm.s32 $0x2;
	s23 =	simm.s32 $0x0  }
0x8: {  	v0 =	vimm.s32 $0xEFCDAB89;
	v1 =	vimm.s32 $0x67452301;
	[smem:$0x7FF] =	sst s3;
	s5 =	sand.u32 $0x1, s5;
	s6 =	sshll.u32 s2, $0xA  }
0x9: {  	v2 =	vimm.s32 $0xDCFE98BA;
	v3 =	vimm.s32 $0x54761032;
	s11 =	sadd.s32 $0x400, s4;
	s8 =	sshll.u32 s5, $0x9;
	s29 =	ssub.s32 $0x2, s5  }
0xa: {  	v4 =	vimm.s32 $0xBA98FEDC;
	v5 =	vimm.s32 $0x32107654;
	_ =	strace $0x80000047;
	s6 =	sor.u32 s8, s6;
	s5 =	sshrl.u32 s29, $0x1  }
0xb: {  	v0 =	vunpack.c.l.s4.s8 v0;
	v1 =	vunpack.c.l.s4.s8 v1;
	v2 =	vunpack.c.l.s4.s8 v2;
	s8 =	sshrl.u32 s6, $0x3;
	s9 =	sor.u32 $0x80, s6;
	s12 =	ssub.s32 s29, s5  }
0xc: {  	v3 =	vunpack.c.l.s4.s8 v3;
	v4 =	vunpack.c.l.s4.s8 v4;
	v5 =	vunpack.c.l.s4.s8 v5;
	s10 =	sor.u32 $0x100, s6;
	s13 =	sor.u32 $0x180, s6;
	s15 =	sshll.u32 s6, $0x4  }
0xd: {  	v0 =	vunpack.c.0.s8.s32 v0;
	v1 =	vunpack.c.0.s8.s32 v1;
	v2 =	vunpack.c.0.s8.s32 v2;
	s4 =	sadd.s32 s7, s8;
	s30 =	sshrl.u32 s9, $0x3;
	s31 =	sshrl.u32 s10, $0x3  }
0xe: {  	v3 =	vunpack.c.0.s8.s32 v3;
	v4 =	vunpack.c.0.s8.s32 v4;
	v5 =	vunpack.c.0.s8.s32 v5;
	s14 =	sshrl.u32 s13, $0x3;
	s8 =	sadd.s32 s11, s15;
	s9 =	sshll.u32 s9, $0x4  }
0xf: {  	s10 =	sshll.u32 s10, $0x4;
	s13 =	sshll.u32 s13, $0x4;
	v0 =	vcombine.low v1, v0;
	s12 =	smax.u32 s12, $0x1  }
0x10: {  	v1 =	vcombine.low v3, v2;
	s15 =	simm.s32 $0x100;
	v2 =	vcombine.low v5, v4;
	s5 =	sadd.s32 s7, s30;
	s6 =	sadd.s32 s7, s31  }
0x11: {  	s7 =	sadd.s32 s7, s14;
	s9 =	sadd.s32 s11, s9;
	s10 =	sadd.s32 s11, s10  }
0x12: {  	s11 =	sadd.s32 s11, s13;
	s13 =	simm.s32 $0x3;
	s14 =	simm.s32 $0x80;
	v0 =	vand.u32 $0xF, v0;
	v1 =	vand.u32 $0xF, v1;
	v2 =	vand.u32 $0xF, v2  }
.LBB2_1:
0x13: {  	[tilespmem:s3], [sflag:$0x3] =	stream.linear.gather [hbm4b:s4+s3], $0x80, $0x38;
	[tilespmem:$0x10200] =	vst v63  }
0x14: {  	_ =	swait.ge [sflag:s13], $0x80  }
0x15: {  	[sflag:s13] =	ssyncset.done $0x0  }
0x16: {  	[sflag:s13] =	ssyncadd.s32 $0xFFFFFF80  }
0x17: {  	[tilespmem:s14], [sflag:$0x3] =	stream.linear.gather [hbm4b:s5+s3], $0x80, $0x38;
	[tilespmem:$0x10200] =	vst v63  }
0x18: {  	_ =	swait.ge [sflag:s13], $0x80  }
0x19: {  	[sflag:s13] =	ssyncset.done $0x0  }
0x1a: {  	[sflag:s13] =	ssyncadd.s32 $0xFFFFFF80  }
0x1b: {  	[tilespmem:s15], [sflag:$0x3] =	stream.linear.gather [hbm4b:s6+s3], $0x80, $0x38;
	[tilespmem:$0x10200] =	vst v63  }
0x1c: {  	_ =	swait.ge [sflag:s13], $0x80  }
0x1d: {  	[sflag:s13] =	ssyncset.done $0x0  }
0x1e: {  	[sflag:s13] =	ssyncadd.s32 $0xFFFFFF80  }
0x1f: {  	[tilespmem:s16], [sflag:$0x3] =	stream.linear.gather [hbm4b:s7+s3], $0x80, $0x38;
	[tilespmem:$0x10200] =	vst v63  }
0x20: {  	_ =	swait.ge [sflag:s13], $0x80  }
0x21: {  	[sflag:s13] =	ssyncset.done $0x0  }
0x22: {  	[sflag:s13] =	ssyncadd.s32 $0xFFFFFF80  }
0x23: {  	[tilespmem:s17], [sflag:$0x1] =	stream.indirect.gather [hbm4b:s1+s14], $0x80, s3, s14, $0xb8;
	[tilespmem:$0x10200] =	vst v63  }
0x24: {  	_ = 	snop  }
0x25: {  	[tilespmem:s18], [sflag:$0x1] =	stream.indirect.gather [hbm4b:s1+s14], $0x80, s14, s14, $0xb8;
	[tilespmem:$0x10200] =	vst v63  }
0x26: {  	_ = 	snop  }
0x27: {  	[tilespmem:s19], [sflag:$0x1] =	stream.indirect.gather [hbm4b:s1+s14], $0x80, s15, s14, $0xb8;
	[tilespmem:$0x10200] =	vst v63  }
0x28: {  	_ = 	snop  }
0x29: {  	[tilespmem:s20], [sflag:$0x1] =	stream.indirect.gather [hbm4b:s1+s14], $0x80, s16, s14, $0xb8;
	[tilespmem:$0x10200] =	vst v63  }
0x2a: {  	_ =	swait.ge [sflag:s21], $0x4000  }
0x2b: {  	[sflag:s21] =	ssyncset.done $0x0  }
0x2c: {  	s24 =	simm.s32 $0x280;
	[sflag:s21] =	ssyncadd.s32 $0xFFFFC000  }
0x2d: {  	v3 =	vld [tilespmem:s24+$0x70]  }
0x2e: {  	v4 =	vld [tilespmem:s24+$0xFFFFFF90]  }
0x2f: {  	v5 =	vld [tilespmem:s24+$0xFFFFFFA0]  }
0x30: {  	v6 =	vld [tilespmem:s24+$0xFFFFFFB0]  }
0x31: {  	v8 =	vld [tilespmem:s24+$0xFFFFFFD0]  }
0x32: {  	v7 =	vld [tilespmem:s24+$0xFFFFFFC0]  }
0x33: {  	v9 =	vld [tilespmem:s24+$0xFFFFFFE0];
	v3 =	vsub.f32 $0.0e+00, v3  }
0x34: {  	v10 =	vld [tilespmem:s24+$0xFFFFFFF0];
	v4 =	vsub.f32 $0.0e+00, v4  }
0x35: {  	v11 =	vld [tilespmem:s24+$0x0];
	v5 =	vsub.f32 $0.0e+00, v5;
	v3 =	vmul.f32 $1.442695020e+00, v3  }
0x36: {  	v6 =	vsub.f32 $0.0e+00, v6;
	v8 =	vsub.f32 $0.0e+00, v8;
	v4 =	vmul.f32 $1.442695020e+00, v4  }
0x37: {  	(erf) = vpow2.f32 v3;
	v3 =	vmul.f32 $1.442695020e+00, v5;
	v5 =	vsub.f32 $0.0e+00, v7  }
0x38: {  	v6 =	vmul.f32 $1.442695020e+00, v6;
	v8 =	vmul.f32 $1.442695020e+00, v8;
	v7 =	vld [tilespmem:s24+$0x10]  }
0x39: {  	v12 =	vld [tilespmem:s24+$0x20];
	(erf) = vpow2.f32 v4;
	v4 =	vmul.f32 $1.442695020e+00, v5;
	v5 =	vsub.f32 $0.0e+00, v9  }
0x3a: {  	(erf) = vpow2.f32 v3;
	v9 =	vsub.f32 $0.0e+00, v10;
	v10 =	vsub.f32 $0.0e+00, v11  }
0x3b: {  	v3 =	vld [tilespmem:s24+$0x30];
	(erf) = vpow2.f32 v6;
	v5 =	vmul.f32 $1.442695020e+00, v5  }
0x3c: {  	v6 =	vld [tilespmem:s24+$0x40];
	(erf) = vpow2.f32 v4;
	v10 =	vmul.f32 $1.442695020e+00, v10  }
0x3d: {  	v4 =	vmul.f32 $1.442695020e+00, v9;
	v9 =	vld [tilespmem:s24+$0x50];
	v7 =	vsub.f32 $0.0e+00, v7;
	(erf) = vpow2.f32 v8  }
0x3e: {  	v11 =	vsub.f32 $0.0e+00, v12;
	v8 =	vld [tilespmem:s24+$0xFFFFFF80];
	(erf) = vpow2.f32 v5  }
0x3f: {  	v7 =	vmul.f32 $1.442695020e+00, v7;
	(erf) = vpow2.f32 v4  }
0x40: {  	v5 =	vld [tilespmem:s24+$0x60];
	v3 =	vsub.f32 $0.0e+00, v3;
	v4 =	vmul.f32 $1.442695020e+00, v11;
	(erf) = vpow2.f32 v10;
	v10 =	vpop (erf)  }
0x41: {  	v6 =	vsub.f32 $0.0e+00, v6;
	(erf) = vpow2.f32 v7;
	v7 =	vadd.f32 $1.000000000e+00, v10  }
0x42: {  	v10 =	vpop (erf);
	(erf) = vpow2.f32 v4;
	v4 =	vsub.f32 $0.0e+00, v9  }
0x43: {  	v3 =	vmul.f32 $1.442695020e+00, v3;
	v8 =	vsub.f32 $0.0e+00, v8;
	v6 =	vmul.f32 $1.442695020e+00, v6  }
0x44: {  	v9 =	vpop (erf);
	(erf) = vrcp.f32 v7  }
0x45: {  	v5 =	vsub.f32 $0.0e+00, v5;
	v8 =	vmul.f32 $1.442695020e+00, v8;
	v7 =	vpop (erf);
	(erf) = vpow2.f32 v3  }
0x46: {  	v3 =	vmul.f32 $1.442695020e+00, v4;
	v4 =	vpop (erf);
	(erf) = vpow2.f32 v6  }
0x47: {  	v5 =	vmul.f32 $1.442695020e+00, v5;
	v6 =	vpop (erf);
	(erf) = vpow2.f32 v8  }
0x48: {  	v8 =	vadd.f32 $1.000000000e+00, v10;
	v10 =	vpop (erf);
	(erf) = vpow2.f32 v3  }
0x49: {  	v3 =	vadd.f32 $1.000000000e+00, v9;
	v9 =	vpop (erf);
	(erf) = vpow2.f32 v5;
	v5 =	vadd.f32 $1.000000000e+00, v7  }
0x4a: {  	v7 =	vpop (erf);
	(erf) = vrcp.f32 v8  }
0x4b: {  	(erf) = vrcp.f32 v3;
	v3 =	vadd.f32 $1.000000000e+00, v6  }
0x4c: {  	v4 =	vadd.f32 $1.000000000e+00, v4;
	v8 =	vpop (erf);
	v6 =	vadd.f32 $1.000000000e+00, v10  }
0x4d: {  	s25 =	simm.s32 $0x380;
	(erf) = vrcp.f32 v5;
	v5 =	vpop (erf)  }
0x4e: {  	v58 =	vld [tilespmem:s25+$0x20];
	v7 =	vadd.f32 $1.000000000e+00, v7;
	v8 =	vadd.f32 $1.000000000e+00, v8;
	(erf) = vrcp.f32 v4;
	v17 =	vpop (erf)  }
0x4f: {  	v4 =	vadd.f32 $1.000000000e+00, v9;
	(erf) = vrcp.f32 v3;
	v9 =	vperm.xlane v17, v0;
	v3 =	vpop (erf)  }
0x50: {  	(erf) = vrcp.f32 v6;
	v6 =	vpop (erf)  }
0x51: {  	(erf) = vrcp.f32 v4;
	v9 =	vadd.f32 v17, v9;
	v10 =	vpop (erf)  }
0x52: {  	(erf) = vrcp.f32 v7;
	v4 =	vadd.f32 $1.000000000e+00, v10;
	v7 =	vpop (erf)  }
0x53: {  	v60 =	vsub.f32 $0.0e+00, v58;
	(erf) = vrcp.f32 v8;
	v10 =	vperm.xlane v9, v1;
	v8 =	vpop (erf)  }
0x54: {  	v5 =	vadd.f32 $1.000000000e+00, v5;
	v3 =	vadd.f32 $1.000000000e+00, v3;
	(erf) = vrcp.f32 v4;
	v13 =	vpop (erf)  }
0x55: {  	v4 =	vadd.f32 $1.000000000e+00, v6;
	v6 =	vperm.xlane v13, v0;
	v9 =	vadd.f32 v9, v10;
	v15 =	vpop (erf)  }
0x56: {  	v7 =	vadd.f32 $1.000000000e+00, v7;
	(erf) = vrcp.f32 v5;
	v5 =	vperm.xlane v15, v0  }
0x57: {  	v10 =	vadd.f32 $1.000000000e+00, v8;
	v14 =	vpop (erf);
	(erf) = vrcp.f32 v3;
	v3 =	vperm.xlane v9, v2  }
0x58: {  	v11 =	vpop (erf);
	v18 =	vadd.f32 v13, v6;
	(erf) = vrcp.f32 v4;
	v4 =	vperm.xlane v14, v0  }
0x59: {  	v12 =	vpop (erf);
	v21 =	vadd.f32 v15, v5;
	(erf) = vrcp.f32 v7;
	v5 =	vperm.xlane v11, v0  }
0x5a: {  	v8 =	vpop (erf);
	v3 =	vadd.f32 v9, v3;
	(erf) = vrcp.f32 v10;
	v6 =	vperm.xlane v12, v0  }
0x5b: {  	v22 =	vadd.f32 v14, v4;
	v20 =	vperm.xlane v18, v1;
	v9 =	vpop (erf);
	v4 =	vperm.xlane v8, v0  }
0x5c: {  	v23 =	vadd.f32 v11, v5;
	v28 =	vperm.xlane v21, v1;
	v5 =	vperm.xlane v9, v0  }
0x5d: {  	v10 =	vpop (erf);
	v3 =	vadd.f32 $9.999999960e-13, v3;
	v24 =	vadd.f32 v12, v6;
	v31 =	vperm.xlane v22, v1  }
0x5e: {  	v18 =	vadd.f32 v18, v20;
	v7 =	vpop (erf);
	v25 =	vadd.f32 v8, v4;
	v4 =	vperm.xlane v10, v0  }
0x5f: {  	v33 =	vperm.xlane v23, v1;
	v21 =	vadd.f32 v21, v28;
	v6 =	vperm.xlane v7, v0  }
0x60: {  	v16 =	vpop (erf);
	v26 =	vadd.f32 v9, v5;
	(erf) = vrcp.f32 v3;
	v38 =	vperm.xlane v24, v1  }
0x61: {  	v22 =	vadd.f32 v22, v31;
	v31 =	vperm.xlane v18, v2;
	v3 =	vperm.xlane v16, v0  }
0x62: {  	v27 =	vadd.f32 v10, v4;
	v19 =	vpop (erf);
	v40 =	vperm.xlane v25, v1;
	v23 =	vadd.f32 v23, v33  }
0x63: {  	v63 =	vperm.xlane v21, v2;
	v29 =	vperm.xlane v19, v0;
	v32 =	vadd.f32 v7, v6  }
0x64: {  	v41 =	vperm.xlane v26, v1;
	v24 =	vadd.f32 v24, v38;
	v48 =	vperm.xlane v22, v2  }
0x65: {  	v18 =	vadd.f32 v18, v31;
	v30 =	vadd.f32 v16, v3;
	v42 =	vperm.xlane v27, v1  }
0x66: {  	v4 =	vpop (erf);
	v25 =	vadd.f32 v25, v40;
	v49 =	vperm.xlane v23, v2;
	v21 =	vadd.f32 v21, v63  }
0x67: {  	v3 =	vperm.xlane v4, v0;
	v29 =	vadd.f32 v19, v29;
	v43 =	vperm.xlane v32, v1  }
0x68: {  	v26 =	vadd.f32 v26, v41;
	v50 =	vperm.xlane v24, v2;
	v22 =	vadd.f32 v22, v48  }
0x69: {  	v5 =	vpop (erf);
	v18 =	vadd.f32 $9.999999960e-13, v18;
	v35 =	vperm.xlane v30, v1;
	v27 =	vadd.f32 v27, v42  }
0x6a: {  	v34 =	vperm.xlane v5, v0;
	v23 =	vadd.f32 v23, v49;
	v21 =	vadd.f32 $9.999999960e-13, v21  }
0x6b: {  	v6 =	vpop (erf);
	v51 =	vperm.xlane v25, v2;
	v36 =	vadd.f32 v4, v3;
	v30 =	vadd.f32 v30, v35  }
0x6c: {  	v37 =	vperm.xlane v6, v0;
	v44 =	vperm.xlane v29, v1;
	v32 =	vadd.f32 v32, v43  }
0x6d: {  	v52 =	vperm.xlane v26, v2;
	v24 =	vadd.f32 v24, v50;
	v62 =	vperm.xlane v30, v2  }
0x6e: {  	v22 =	vadd.f32 $9.999999960e-13, v22;
	v34 =	vadd.f32 v5, v34;
	v31 =	vperm.xlane v27, v2  }
0x6f: {  	v23 =	vadd.f32 $9.999999960e-13, v23;
	v35 =	vmul.f32 $1.442695020e+00, v60;
	v30 =	vadd.f32 v30, v62  }
0x70: {  	v3 =	vpop (erf);
	v37 =	vadd.f32 v6, v37;
	v61 =	vperm.xlane v36, v1;
	v29 =	vadd.f32 v29, v44  }
0x71: {  	v53 =	vperm.xlane v32, v2;
	v39 =	vperm.xlane v3, v0;
	v45 =	vpop (erf);
	v30 =	vadd.f32 $9.999999960e-13, v30  }
0x72: {  	v24 =	vadd.f32 $9.999999960e-13, v24;
	v46 =	vperm.xlane v34, v1;
	v20 =	vmul.f32 v45, v17  }
0x73: {  	v17 =	vperm.xlane v37, v1;
	v39 =	vadd.f32 v3, v39;
	(erf) = vrcp.f32 v30  }
0x74: {  	v54 =	vperm.xlane v29, v2;
	(erf) = vrcp.f32 v18;
	v18 =	vadd.f32 v25, v51;
	v25 =	vld [tilespmem:s25+$0x70]  }
0x75: {  	v28 =	vperm.xlane v39, v1;
	(erf) = vrcp.f32 v21;
	v21 =	vadd.f32 v26, v52  }
0x76: {  	v26 =	vld [tilespmem:s25+$0xFFFFFF90];
	(erf) = vrcp.f32 v22;
	v22 =	vadd.f32 v27, v31;
	v18 =	vadd.f32 $9.999999960e-13, v18  }
0x77: {  	v27 =	vld [tilespmem:s25+$0xFFFFFFA0];
	(erf) = vrcp.f32 v23;
	v23 =	vadd.f32 v32, v53;
	v21 =	vadd.f32 $9.999999960e-13, v21  }
0x78: {  	(erf) = vrcp.f32 v24;
	v24 =	vadd.f32 v29, v54;
	v22 =	vadd.f32 $9.999999960e-13, v22;
	v29 =	vld [tilespmem:s25+$0xFFFFFFB0]  }
0x79: {  	(erf) = vrcp.f32 v18;
	v18 =	vadd.f32 $9.999999960e-13, v23;
	v23 =	vld [tilespmem:s25+$0xFFFFFFC0];
	v25 =	vsub.f32 $0.0e+00, v25  }
0x7a: {  	v30 =	vadd.f32 v36, v61;
	(erf) = vrcp.f32 v21;
	v21 =	vadd.f32 $9.999999960e-13, v24;
	v24 =	vld [tilespmem:s25+$0xFFFFFFD0]  }
0x7b: {  	(erf) = vrcp.f32 v22;
	v22 =	vsub.f32 $0.0e+00, v26;
	v26 =	vld [tilespmem:s25+$0xFFFFFFE0];
	v25 =	vmul.f32 $1.442695020e+00, v25  }
0x7c: {  	v55 =	vld [tilespmem:s25+$0xFFFFFFF0];
	v28 =	vadd.f32 v39, v28;
	v27 =	vsub.f32 $0.0e+00, v27;
	(erf) = vrcp.f32 v18  }
0x7d: {  	v31 =	vpop (erf);
	(erf) = vrcp.f32 v21;
	v21 =	vmul.f32 $1.442695020e+00, v22;
	v22 =	vsub.f32 $0.0e+00, v29;
	v29 =	vld [tilespmem:s25+$0x0]  }
0x7e: {  	v59 =	vld [tilespmem:s25+$0x40];
	v56 =	vperm.xlane v30, v2;
	v33 =	vpop (erf);
	v27 =	vmul.f32 $1.442695020e+00, v27;
	v23 =	vsub.f32 $0.0e+00, v23  }
0x7f: {  	(erf) = vpow2.f32 v25;
	v25 =	vpop (erf);
	v22 =	vmul.f32 $1.442695020e+00, v22;
	v24 =	vsub.f32 $0.0e+00, v24  }
0x80: {  	v57 =	vld [tilespmem:s25+$0x10];
	(erf) = vpow2.f32 v21;
	v36 =	vpop (erf);
	v21 =	vmul.f32 $1.442695020e+00, v23;
	v23 =	vsub.f32 $0.0e+00, v26  }
0x81: {  	(erf) = vpow2.f32 v27;
	v27 =	vsub.f32 $0.0e+00, v55;
	v40 =	vpop (erf);
	v24 =	vmul.f32 $1.442695020e+00, v24  }
0x82: {  	v63 =	vld [tilespmem:s25+$0x60];
	(erf) = vpow2.f32 v22;
	v26 =	vpop (erf);
	v22 =	vmul.f32 $1.442695020e+00, v23;
	v23 =	vsub.f32 $0.0e+00, v29  }
0x83: {  	v32 =	vsub.f32 $0.0e+00, v59;
	(erf) = vpow2.f32 v21;
	v29 =	vld [tilespmem:s25+$0x30];
	v21 =	vmul.f32 $1.442695020e+00, v27;
	v41 =	vpop (erf)  }
0x84: {  	v49 =	vperm.xlane v28, v2;
	v18 =	vadd.f32 v34, v46;
	v42 =	vpop (erf);
	v23 =	vmul.f32 $1.442695020e+00, v23  }
0x85: {  	v61 =	vld [tilespmem:s25+$0x50];
	v32 =	vmul.f32 $1.442695020e+00, v32;
	v27 =	vsub.f32 $0.0e+00, v57;
	(erf) = vpow2.f32 v24;
	v24 =	vpop (erf)  }
0x86: {  	v17 =	vadd.f32 v37, v17;
	v62 =	vperm.xlane v18, v2;
	(erf) = vpow2.f32 v22;
	v22 =	vld [tilespmem:s25+$0xFFFFFF80];
	v38 =	vpop (erf)  }
0x87: {  	v53 =	vsub.f32 $0.0e+00, v63;
	v27 =	vmul.f32 $1.442695020e+00, v27;
	(erf) = vpow2.f32 v21;
	v21 =	vpop (erf)  }
0x88: {  	v34 =	vmul.f32 v41, v8;
	(erf) = vpow2.f32 v23;
	v29 =	vsub.f32 $0.0e+00, v29;
	v23 =	vpop (erf)  }
0x89: {  	(erf) = vpow2.f32 v27;
	v27 =	vperm.xlane v17, v2;
	v23 =	vadd.f32 $1.000000000e+00, v23  }
0x8a: {  	v51 =	vsub.f32 $0.0e+00, v61;
	v48 =	vpop (erf);
	(erf) = vpow2.f32 v35;
	v29 =	vmul.f32 $1.442695020e+00, v29  }
0x8b: {  	v19 =	vmul.f32 v21, v19;
	v22 =	vsub.f32 $0.0e+00, v22;
	v50 =	vpop (erf);
	(erf) = vrcp.f32 v23  }
0x8c: {  	v54 =	vadd.f32 v17, v27;
	v17 =	vmul.f32 $1.442695020e+00, v51;
	v23 =	vadd.f32 v30, v56;
	v30 =	vpop (erf)  }
0x8d: {  	v18 =	vadd.f32 v18, v62;
	v22 =	vmul.f32 $1.442695020e+00, v22;
	v52 =	vpop (erf);
	(erf) = vpow2.f32 v29  }
0x8e: {  	v35 =	vmul.f32 v42, v9;
	v27 =	vadd.f32 v28, v49;
	v29 =	vpop (erf);
	(erf) = vpow2.f32 v32  }
0x8f: {  	v28 =	vmul.f32 $1.442695020e+00, v53;
	v57 =	vadd.f32 $1.000000000e+00, v48;
	v55 =	vpop (erf);
	(erf) = vpow2.f32 v22  }
0x90: {  	v32 =	vmul.f32 v40, v11;
	v22 =	vadd.f32 $9.999999960e-13, v23;
	v56 =	vpop (erf);
	(erf) = vpow2.f32 v17  }
0x91: {  	v23 =	vadd.f32 $9.999999960e-13, v18;
	v18 =	vadd.f32 $1.000000000e+00, v50;
	v17 =	vpop (erf);
	(erf) = vpow2.f32 v28  }
0x92: {  	v60 =	vadd.f32 $1.000000000e+00, v29;
	v29 =	vmul.f32 v25, v15;
	v58 =	vpop (erf);
	(erf) = vrcp.f32 v57  }
0x93: {  	v30 =	vadd.f32 $1.000000000e+00, v30;
	v28 =	vmul.f32 v31, v16;
	v31 =	vmul.f32 v36, v14;
	v59 =	vpop (erf)  }
0x94: {  	v37 =	vadd.f32 $1.000000000e+00, v52;
	v36 =	vmul.f32 v24, v10;
	(erf) = vrcp.f32 v18;
	v45 =	vpop (erf)  }
0x95: {  	v16 =	vadd.f32 $1.000000000e+00, v55;
	(erf) = vrcp.f32 v30;
	v18 =	vperm.xlane v45, v0  }
0x96: {  	v17 =	vadd.f32 $1.000000000e+00, v17;
	v30 =	vmul.f32 v33, v13;
	(erf) = vrcp.f32 v37;
	v15 =	vpop (erf)  }
0x97: {  	v13 =	vadd.f32 $1.000000000e+00, v56;
	(erf) = vrcp.f32 v60;
	v14 =	vpop (erf);
	v18 =	vadd.f32 v45, v18  }
0x98: {  	v27 =	vadd.f32 $9.999999960e-13, v27;
	v33 =	vmul.f32 v26, v12;
	(erf) = vrcp.f32 v16;
	v25 =	vpop (erf)  }
0x99: {  	(erf) = vrcp.f32 v13;
	v11 =	vadd.f32 $1.000000000e+00, v25;
	v25 =	vpop (erf);
	v13 =	vperm.xlane v18, v1  }
0x9a: {  	v37 =	vmul.f32 v38, v7;
	v38 =	vadd.f32 $9.999999960e-13, v54;
	v16 =	vadd.f32 $1.000000000e+00, v58;
	v12 =	vpop (erf)  }
0x9b: {  	(erf) = vrcp.f32 v17;
	v17 =	vpop (erf);
	v18 =	vadd.f32 v18, v13;
	v13 =	vadd.f32 $1.000000000e+00, v59  }
0x9c: {  	v8 =	vadd.f32 $1.000000000e+00, v15;
	(erf) = vrcp.f32 v16;
	v7 =	vperm.xlane v17, v0  }
0x9d: {  	v10 =	vadd.f32 $1.000000000e+00, v25;
	(erf) = vrcp.f32 v11;
	v9 =	vperm.xlane v18, v2  }
0x9e: {  	v11 =	vadd.f32 $1.000000000e+00, v14;
	v16 =	vpop (erf);
	(erf) = vrcp.f32 v13;
	v61 =	vadd.f32 v17, v7  }
0x9f: {  	v13 =	vpop (erf);
	(erf) = vrcp.f32 v8;
	v8 =	vadd.f32 v18, v9;
	v18 =	vperm.xlane v16, v0  }
0xa0: {  	v9 =	vadd.f32 $1.000000000e+00, v12;
	v48 =	vperm.xlane v61, v1;
	v14 =	vpop (erf);
	(erf) = vrcp.f32 v11  }
0xa1: {  	v7 =	vperm.xlane v13, v0;
	v15 =	vpop (erf);
	(erf) = vrcp.f32 v10;
	v8 =	vadd.f32 $9.999999960e-13, v8  }
0xa2: {  	v62 =	vadd.f32 v16, v18;
	v12 =	vpop (erf);
	(erf) = vrcp.f32 v9;
	v24 =	vperm.xlane v15, v0  }
0xa3: {  	v63 =	vadd.f32 v13, v7;
	v11 =	vpop (erf);
	(erf) = vrcp.f32 v8;
	v8 =	vperm.xlane v14, v0  }
0xa4: {  	v39 =	vadd.f32 v61, v48;
	v7 =	vperm.xlane v12, v0;
	v51 =	vperm.xlane v62, v1  }
0xa5: {  	v10 =	vpop (erf);
	v25 =	vperm.xlane v11, v0;
	v43 =	vadd.f32 v15, v24;
	v54 =	vperm.xlane v63, v1  }
0xa6: {  	v9 =	vpop (erf);
	v42 =	vadd.f32 v14, v8;
	v44 =	vadd.f32 v12, v7;
	v24 =	vperm.xlane v10, v0  }
0xa7: {  	v40 =	vadd.f32 v62, v51;
	v18 =	vpop (erf);
	v46 =	vadd.f32 v11, v25;
	v47 =	vperm.xlane v9, v0  }
0xa8: {  	v61 =	vperm.xlane v43, v1;
	v41 =	vadd.f32 v63, v54;
	v8 =	vperm.xlane v18, v0  }
0xa9: {  	v7 =	vpop (erf);
	v50 =	vadd.f32 v10, v24;
	v55 =	vperm.xlane v42, v1;
	v63 =	vperm.xlane v44, v1  }
0xaa: {  	v25 =	vpop (erf);
	v47 =	vadd.f32 v9, v47;
	v58 =	vperm.xlane v46, v1;
	v43 =	vadd.f32 v43, v61  }
0xab: {  	v49 =	vadd.f32 v18, v8;
	v8 =	vperm.xlane v7, v0;
	v26 =	vpop (erf);
	v52 =	vperm.xlane v25, v0  }
0xac: {  	v42 =	vadd.f32 v42, v55;
	v44 =	vadd.f32 v44, v63;
	v57 =	vperm.xlane v26, v0  }
0xad: {  	v24 =	vpop (erf);
	v46 =	vadd.f32 v46, v58;
	v53 =	vperm.xlane v49, v1;
	v56 =	vadd.f32 v7, v8  }
0xae: {  	[tilespmem:s24+$0x70] =	vst v20;
	v52 =	vadd.f32 v25, v52;
	v60 =	vperm.xlane v24, v0;
	v20 =	vperm.xlane v42, v2  }
0xaf: {  	[tilespmem:s24+$0xFFFFFF80] =	vst v28;
	v28 =	vperm.xlane v44, v2;
	v57 =	vadd.f32 v26, v57;
	v49 =	vadd.f32 v49, v53  }
0xb0: {  	v8 =	vpop (erf);
	v48 =	vadd.f32 v24, v60;
	v60 =	vperm.xlane v47, v1;
	v61 =	vperm.xlane v56, v1  }
0xb1: {  	v53 =	vperm.xlane v46, v2;
	v42 =	vadd.f32 v42, v20;
	v62 =	vperm.xlane v8, v0  }
0xb2: {  	v44 =	vadd.f32 v44, v28;
	v59 =	vpop (erf);
	v63 =	vperm.xlane v57, v1;
	(erf) = vrcp.f32 v22  }
0xb3: {  	[tilespmem:s24+$0x20] =	vst v19;
	v45 =	vmul.f32 v59, v45;
	v59 =	vperm.xlane v50, v1;
	v47 =	vadd.f32 v47, v60  }
0xb4: {  	[tilespmem:s24+$0xFFFFFFB0] =	vst v31;
	v55 =	vadd.f32 v56, v61;
	v60 =	vperm.xlane v48, v1;
	v31 =	vadd.f32 v46, v53  }
0xb5: {  	[tilespmem:s24+$0xFFFFFFD0] =	vst v33;
	(erf) = vrcp.f32 v23;
	v33 =	vadd.f32 $9.999999960e-13, v42;
	v19 =	vadd.f32 $9.999999960e-13, v44  }
0xb6: {  	v51 =	vadd.f32 v8, v62;
	v62 =	vperm.xlane v52, v1;
	v54 =	vadd.f32 v57, v63  }
0xb7: {  	v63 =	vperm.xlane v39, v2;
	(erf) = vrcp.f32 v38;
	v50 =	vadd.f32 v50, v59  }
0xb8: {  	v48 =	vadd.f32 v48, v60;
	v60 =	vperm.xlane v40, v2;
	v57 =	vperm.xlane v47, v2  }
0xb9: {  	v58 =	vperm.xlane v55, v2;
	(erf) = vrcp.f32 v27;
	v52 =	vadd.f32 v52, v62  }
0xba: {  	v61 =	vperm.xlane v51, v1;
	v62 =	vperm.xlane v49, v2;
	v39 =	vadd.f32 v39, v63  }
0xbb: {  	[tilespmem:s24+$0xFFFFFF90] =	vst v30;
	v59 =	vperm.xlane v54, v2;
	v40 =	vadd.f32 v40, v60;
	v30 =	vperm.xlane v50, v2  }
0xbc: {  	[tilespmem:s24+$0xFFFFFFA0] =	vst v29;
	v56 =	vperm.xlane v48, v2;
	v29 =	vadd.f32 v47, v57;
	v51 =	vadd.f32 v51, v61  }
0xbd: {  	v49 =	vadd.f32 v49, v62;
	v61 =	vperm.xlane v41, v2;
	v28 =	vadd.f32 v54, v59  }
0xbe: {  	[tilespmem:s24+$0xFFFFFFC0] =	vst v32;
	v62 =	vperm.xlane v43, v2;
	v63 =	vadd.f32 $9.999999960e-13, v39;
	v32 =	vadd.f32 v50, v30  }
0xbf: {  	[tilespmem:s24+$0xFFFFFFE0] =	vst v34;
	v20 =	vperm.xlane v52, v2;
	v30 =	vadd.f32 v55, v58;
	v22 =	vadd.f32 v48, v56  }
0xc0: {  	[tilespmem:s24+$0xFFFFFFF0] =	vst v35;
	v21 =	vadd.f32 $9.999999960e-13, v40;
	v60 =	vperm.xlane v51, v2;
	v27 =	vadd.f32 $9.999999960e-13, v49  }
0xc1: {  	[tilespmem:s24+$0x0] =	vst v36;
	v41 =	vadd.f32 v41, v61;
	v43 =	vadd.f32 v43, v62  }
0xc2: {  	[tilespmem:s24+$0x10] =	vst v37;
	v23 =	vadd.f32 v52, v20;
	v20 =	vadd.f32 v51, v60;
	(erf) = vrcp.f32 v27  }
0xc3: {  	s26 =	simm.s32 $0x2;
	s28 =	simm.s32 $0x480;
	[tilespmem:s25+$0x70] =	vst v45;
	v34 =	vadd.f32 $9.999999960e-13, v41;
	v27 =	vadd.f32 $9.999999960e-13, v43;
	(erf) = vrcp.f32 v63  }
.LBB2_2:
0xc4: {  	v35 =	vld [tilespmem:s28+$0x70];
	s26 =	sadd.s32 $0x2, s26;
	v31 =	vadd.f32 $9.999999960e-13, v31;
	v32 =	vadd.f32 $9.999999960e-13, v32;
	(erf) = vrcp.f32 v21  }
0xc5: {  	v29 =	vadd.f32 $9.999999960e-13, v29;
	v30 =	vadd.f32 $9.999999960e-13, v30;
	v36 =	vld [tilespmem:s28+$0xFFFFFF90];
	p0 =	slt.u32 s26, $0x7E;
	(erf) = vrcp.f32 v34;
	v34 =	vpop (erf)  }
0xc6: {  	v23 =	vadd.f32 $9.999999960e-13, v23;
	v21 =	vadd.f32 $9.999999960e-13, v28;
	v37 =	vld [tilespmem:s28+$0xFFFFFFA0];
	(erf) = vrcp.f32 v33;
	v28 =	vpop (erf)  }
0xc7: {  	v22 =	vadd.f32 $9.999999960e-13, v22;
	v20 =	vadd.f32 $9.999999960e-13, v20;
	v33 =	vld [tilespmem:s28+$0xFFFFFFB0];
	(erf) = vrcp.f32 v27;
	v27 =	vpop (erf)  }
0xc8: {  	v34 =	vmul.f32 v34, v4;
	v4 =	vmov v25;
	v38 =	vld [tilespmem:s28+$0xFFFFFFC0];
	(erf) = vrcp.f32 v19;
	v19 =	vpop (erf)  }
0xc9: {  	v28 =	vmul.f32 v28, v5;
	v5 =	vmovc v26;
	v25 =	vld [tilespmem:s28+$0xFFFFFFD0];
	v39 =	vsub.f32 $0.0e+00, v35;
	(erf) = vrcp.f32 v31  }
0xca: {  	v27 =	vmul.f32 v27, v6;
	v6 =	vmovc v24;
	v26 =	vsub.f32 $0.0e+00, v36;
	v31 =	vld [tilespmem:s28+$0xFFFFFFE0];
	(erf) = vrcp.f32 v32;
	[tilespmem:s24+$0x30] =	vst v34  }
0xcb: {  	v24 =	vsub.f32 $0.0e+00, v37;
	v32 =	vld [tilespmem:s28+$0xFFFFFFF0];
	v36 =	vmul.f32 $1.442695020e+00, v39;
	v35 =	vpop (erf);
	(erf) = vrcp.f32 v29;
	[tilespmem:s24+$0x40] =	vst v28  }
0xcc: {  	v37 =	vmul.f32 $1.442695020e+00, v26;
	v28 =	vsub.f32 $0.0e+00, v33;
	v29 =	vld [tilespmem:s28+$0x0];
	v33 =	vpop (erf);
	(erf) = vrcp.f32 v30;
	[tilespmem:s24+$0x50] =	vst v27  }
0xcd: {  	v39 =	vmul.f32 $1.442695020e+00, v24;
	v27 =	vsub.f32 $0.0e+00, v38;
	v30 =	vld [tilespmem:s28+$0x10];
	(erf) = vpow2.f32 v36;
	v34 =	vpop (erf)  }
0xce: {  	v43 =	vmul.f32 $1.442695020e+00, v28;
	v25 =	vsub.f32 $0.0e+00, v25;
	v36 =	vld [tilespmem:s28+$0x20];
	(erf) = vpow2.f32 v37;
	v26 =	vpop (erf)  }
0xcf: {  	v27 =	vmul.f32 $1.442695020e+00, v27;
	v31 =	vsub.f32 $0.0e+00, v31;
	v37 =	vld [tilespmem:s28+$0x30];
	(erf) = vpow2.f32 v39;
	v24 =	vpop (erf)  }
0xd0: {  	v41 =	vmul.f32 $1.442695020e+00, v25;
	v32 =	vsub.f32 $0.0e+00, v32;
	v38 =	vld [tilespmem:s28+$0x40];
	(erf) = vpow2.f32 v43;
	v28 =	vpop (erf)  }
0xd1: {  	v45 =	vmul.f32 $1.442695020e+00, v31;
	v29 =	vsub.f32 $0.0e+00, v29;
	v39 =	vld [tilespmem:s28+$0x50];
	(erf) = vpow2.f32 v27;
	v40 =	vpop (erf)  }
0xd2: {  	v43 =	vmul.f32 $1.442695020e+00, v32;
	v30 =	vsub.f32 $0.0e+00, v30;
	v32 =	vld [tilespmem:s28+$0x60];
	(erf) = vpow2.f32 v41;
	v25 =	vpop (erf)  }
0xd3: {  	v41 =	vld [tilespmem:s28+$0xFFFFFF80];
	v29 =	vmul.f32 $1.442695020e+00, v29;
	v36 =	vsub.f32 $0.0e+00, v36;
	(erf) = vpow2.f32 v45;
	v31 =	vpop (erf)  }
0xd4: {  	v44 =	vmul.f32 $1.442695020e+00, v30;
	v37 =	vsub.f32 $0.0e+00, v37;
	(erf) = vpow2.f32 v43;
	v42 =	vpop (erf)  }
0xd5: {  	v36 =	vmul.f32 $1.442695020e+00, v36;
	v38 =	vsub.f32 $0.0e+00, v38;
	(erf) = vpow2.f32 v29;
	v27 =	vpop (erf)  }
0xd6: {  	v29 =	vmul.f32 $1.442695020e+00, v37;
	v37 =	vsub.f32 $0.0e+00, v39;
	(erf) = vpow2.f32 v44;
	v30 =	vpop (erf)  }
0xd7: {  	v38 =	vmul.f32 $1.442695020e+00, v38;
	v32 =	vsub.f32 $0.0e+00, v32;
	v30 =	vadd.f32 $1.000000000e+00, v30;
	v39 =	vpop (erf)  }
0xd8: {  	v41 =	vsub.f32 $0.0e+00, v41;
	v37 =	vmul.f32 $1.442695020e+00, v37;
	v43 =	vpop (erf);
	(erf) = vpow2.f32 v36  }
0xd9: {  	v36 =	vadd.f32 $1.000000000e+00, v39;
	v32 =	vmul.f32 $1.442695020e+00, v32;
	v39 =	vpop (erf);
	(erf) = vrcp.f32 v30  }
0xda: {  	v44 =	vmul.f32 $1.442695020e+00, v41;
	v41 =	vadd.f32 $1.000000000e+00, v43;
	v43 =	vpop (erf);
	(erf) = vpow2.f32 v29  }
0xdb: {  	v29 =	vadd.f32 $1.000000000e+00, v39;
	v39 =	vadd.f32 $1.000000000e+00, v43;
	v43 =	vpop (erf);
	(erf) = vpow2.f32 v38  }
0xdc: {  	v18 =	vmul.f32 v35, v18;
	v38 =	vadd.f32 $1.000000000e+00, v43;
	(erf) = vpow2.f32 v44;
	v30 =	vpop (erf)  }
0xdd: {  	v17 =	vmul.f32 v33, v17;
	v30 =	vadd.f32 $1.000000000e+00, v30;
	v35 =	vpop (erf);
	(erf) = vpow2.f32 v37  }
0xde: {  	v34 =	vmul.f32 v34, v16;
	v33 =	vadd.f32 $1.000000000e+00, v35;
	v35 =	vpop (erf);
	(erf) = vpow2.f32 v32;
	[tilespmem:s25+$0xFFFFFF80] =	vst v18  }
0xdf: {  	v13 =	vmul.f32 v26, v13;
	v18 =	vadd.f32 $1.000000000e+00, v35;
	(erf) = vrcp.f32 v36;
	v32 =	vpop (erf);
	[tilespmem:s25+$0xFFFFFF90] =	vst v17  }
0xe0: {  	v14 =	vmul.f32 v24, v14;
	v17 =	vadd.f32 $1.000000000e+00, v32;
	(erf) = vrcp.f32 v41;
	[tilespmem:s25+$0xFFFFFFA0] =	vst v34  }
0xe1: {  	v26 =	vmul.f32 v28, v15;
	(erf) = vrcp.f32 v29;
	v16 =	vpop (erf);
	[tilespmem:s25+$0xFFFFFFB0] =	vst v13  }
0xe2: {  	v12 =	vmul.f32 v40, v12;
	v15 =	vadd.f32 $1.000000000e+00, v16;
	(erf) = vrcp.f32 v39;
	v28 =	vpop (erf);
	[tilespmem:s25+$0xFFFFFFC0] =	vst v14  }
0xe3: {  	v29 =	vperm.xlane v28, v0;
	(erf) = vrcp.f32 v38;
	v16 =	vpop (erf);
	[tilespmem:s25+$0xFFFFFFD0] =	vst v26  }
0xe4: {  	v11 =	vmul.f32 v25, v11;
	v24 =	vadd.f32 $1.000000000e+00, v16;
	(erf) = vrcp.f32 v30;
	v13 =	vpop (erf);
	[tilespmem:s25+$0xFFFFFFE0] =	vst v12  }
0xe5: {  	v12 =	vadd.f32 $1.000000000e+00, v13;
	v13 =	vadd.f32 v28, v29;
	v14 =	vpop (erf);
	(erf) = vrcp.f32 v33  }
0xe6: {  	v10 =	vmul.f32 v31, v10;
	v14 =	vadd.f32 $1.000000000e+00, v14;
	(erf) = vrcp.f32 v18;
	v16 =	vpop (erf);
	[tilespmem:s25+$0xFFFFFFF0] =	vst v11  }
0xe7: {  	v11 =	vadd.f32 $1.000000000e+00, v16;
	v26 =	vperm.xlane v13, v1;
	(erf) = vrcp.f32 v17;
	v17 =	vpop (erf)  }
0xe8: {  	v9 =	vmul.f32 v42, v9;
	v18 =	vadd.f32 $1.000000000e+00, v17;
	(erf) = vrcp.f32 v14;
	v17 =	vpop (erf);
	[tilespmem:s25+$0x0] =	vst v10  }
0xe9: {  	v10 =	vperm.xlane v17, v0;
	v25 =	vadd.f32 v13, v26;
	v16 =	vpop (erf);
	(erf) = vrcp.f32 v15  }
0xea: {  	v26 =	vperm.xlane v16, v0;
	v13 =	vpop (erf);
	(erf) = vrcp.f32 v24;
	[tilespmem:s25+$0x10] =	vst v9  }
0xeb: {  	v29 =	vadd.f32 v17, v10;
	v9 =	vperm.xlane v25, v2;
	v14 =	vpop (erf);
	(erf) = vrcp.f32 v12  }
0xec: {  	v33 =	vperm.xlane v13, v0;
	v30 =	vadd.f32 v16, v26;
	v15 =	vpop (erf);
	(erf) = vrcp.f32 v11  }
0xed: {  	v24 =	vperm.xlane v14, v0;
	v35 =	vadd.f32 v25, v9;
	v12 =	vpop (erf);
	(erf) = vrcp.f32 v18  }
0xee: {  	v31 =	vadd.f32 v13, v33;
	v36 =	vperm.xlane v15, v0;
	v25 =	vperm.xlane v12, v0;
	v11 =	vpop (erf)  }
0xef: {  	v32 =	vadd.f32 v14, v24;
	v24 =	vperm.xlane v11, v0;
	v26 =	vadd.f32 $9.999999960e-13, v35;
	v10 =	vpop (erf)  }
0xf0: {  	v33 =	vadd.f32 v15, v36;
	v34 =	vadd.f32 v12, v25;
	v41 =	vperm.xlane v10, v0;
	v9 =	vpop (erf)  }
0xf1: {  	v35 =	vadd.f32 v11, v24;
	v24 =	vperm.xlane v9, v0;
	v18 =	vpop (erf);
	(erf) = vrcp.f32 v26  }
0xf2: {  	v36 =	vperm.xlane v29, v1;
	v44 =	vperm.xlane v18, v0;
	v37 =	vadd.f32 v10, v41;
	v38 =	vpop (erf)  }
0xf3: {  	v39 =	vperm.xlane v30, v1;
	v40 =	vadd.f32 v9, v24;
	v47 =	vperm.xlane v38, v0;
	v25 =	vpop (erf)  }
0xf4: {  	v42 =	vperm.xlane v31, v1;
	v41 =	vadd.f32 v18, v44;
	v43 =	vperm.xlane v25, v0;
	v26 =	vpop (erf)  }
0xf5: {  	v44 =	vperm.xlane v32, v1;
	v45 =	vadd.f32 v38, v47;
	v46 =	vperm.xlane v26, v0;
	v24 =	vpop (erf)  }
0xf6: {  	v47 =	vperm.xlane v41, v1;
	v43 =	vadd.f32 v25, v43;
	v48 =	vperm.xlane v24, v0;
	v49 =	vpop (erf)  }
0xf7: {  	v50 =	vperm.xlane v33, v1;
	v46 =	vadd.f32 v26, v46;
	v51 =	vperm.xlane v49, v0  }
0xf8: {  	v52 =	vperm.xlane v34, v1;
	v53 =	vperm.xlane v35, v1;
	v48 =	vadd.f32 v24, v48  }
0xf9: {  	v54 =	vperm.xlane v37, v1;
	v55 =	vperm.xlane v40, v1;
	v51 =	vadd.f32 v49, v51  }
0xfa: {  	v41 =	vadd.f32 v41, v47;
	v47 =	vperm.xlane v45, v1;
	v56 =	vperm.xlane v43, v1;
	v57 =	vpop (erf)  }
0xfb: {  	v29 =	vadd.f32 v29, v36;
	v36 =	vperm.xlane v46, v1;
	v28 =	vmul.f32 v57, v28  }
0xfc: {  	v30 =	vadd.f32 v30, v39;
	v39 =	vperm.xlane v48, v1;
	v57 =	vperm.xlane v51, v1  }
0xfd: {  	v31 =	vadd.f32 v31, v42;
	v32 =	vadd.f32 v32, v44;
	v58 =	vperm.xlane v41, v2;
	[tilespmem:s28+$0x70] =	vst v28  }
0xfe: {  	v33 =	vadd.f32 v33, v50;
	v34 =	vadd.f32 v34, v52;
	v28 =	vperm.xlane v29, v2  }
0xff: {  	v42 =	vperm.xlane v30, v2;
	v35 =	vadd.f32 v35, v53;
	v37 =	vadd.f32 v37, v54  }
0x100: {  	v44 =	vperm.xlane v31, v2;
	v40 =	vadd.f32 v40, v55;
	v45 =	vadd.f32 v45, v47  }
0x101: {  	v47 =	vperm.xlane v32, v2;
	v43 =	vadd.f32 v43, v56;
	v36 =	vadd.f32 v46, v36  }
0x102: {  	v46 =	vperm.xlane v33, v2;
	v39 =	vadd.f32 v48, v39;
	v48 =	vadd.f32 v51, v57  }
0x103: {  	v50 =	vperm.xlane v34, v2;
	v41 =	vadd.f32 v41, v58;
	v51 =	vperm.xlane v35, v2  }
0x104: {  	v52 =	vadd.f32 v29, v28;
	v28 =	vperm.xlane v37, v2;
	v29 =	vperm.xlane v40, v2  }
0x105: {  	v42 =	vadd.f32 v30, v42;
	v30 =	vperm.xlane v45, v2;
	v53 =	vperm.xlane v43, v2  }
0x106: {  	v44 =	vadd.f32 v31, v44;
	v54 =	vperm.xlane v36, v2;
	v55 =	vperm.xlane v39, v2  }
0x107: {  	v47 =	vadd.f32 v32, v47;
	v46 =	vadd.f32 v33, v46;
	v33 =	vperm.xlane v48, v2  }
0x108: {  	v50 =	vadd.f32 v34, v50;
	v31 =	vadd.f32 v35, v51;
	(erf) = vrcp.f32 v23  }
0x109: {  	v32 =	vadd.f32 v37, v28;
	v29 =	vadd.f32 v40, v29;
	(erf) = vrcp.f32 v21  }
0x10a: {  	v30 =	vadd.f32 v45, v30;
	v23 =	vadd.f32 v43, v53;
	(erf) = vrcp.f32 v22  }
.Ltmp0:
0x10b: {  	v28 =	vadd.f32 v36, v54;
	v22 =	vadd.f32 v39, v55;
	(erf) = vrcp.f32 v20;
	(pc) =	sbr.rel @p0 .LBB2_2-.Ltmp0, $4  }
0x10c: {  	v27 =	vmul.f32 v27, v7;
	v7 =	vmovc v38;
	v35 =	vadd.f32 $9.999999960e-13, v41;
	v20 =	vadd.f32 v48, v33  }
0x10d: {  	v36 =	vadd.f32 $9.999999960e-13, v52;
	v37 =	vmul.f32 v19, v3;
	v3 =	vmovc v8;
	v8 =	vmovc v49;
	v21 =	vadd.f32 $9.999999960e-13, v42  }
0x10e: {  	v34 =	vadd.f32 $9.999999960e-13, v44;
	v33 =	vadd.f32 $9.999999960e-13, v47;
	(erf) = vrcp.f32 v35;
	[tilespmem:s25+$0x20] =	vst v27  }
0x10f: {  	v19 =	vadd.f32 $9.999999960e-13, v50;
	v27 =	vadd.f32 $9.999999960e-13, v46;
	(erf) = vrcp.f32 v36;
	[tilespmem:s24+$0x60] =	vst v37;
	s24 =	smov.u32 s25;
	s25 =	smov.u32 s28;
	s28 =	sadd.s32 $0x100, s28  }
0x110: {  	(erf) = vrcp.f32 v21  }
0x111: {  	(erf) = vrcp.f32 v34  }
0x112: {  	v21 =	vadd.f32 $9.999999960e-13, v31;
	v31 =	vpop (erf);
	(erf) = vrcp.f32 v33  }
0x113: {  	v57 =	vpop (erf);
	v4 =	vmul.f32 v31, v4;
	(erf) = vrcp.f32 v27;
	v27 =	vadd.f32 $9.999999960e-13, v32  }
0x114: {  	v5 =	vmul.f32 v57, v5;
	(erf) = vrcp.f32 v19;
	v19 =	vadd.f32 $9.999999960e-13, v29;
	v29 =	vpop (erf)  }
0x115: {  	[tilespmem:s24+$0x30] =	vst v4;
	(erf) = vrcp.f32 v21;
	v4 =	vmul.f32 v29, v6  }
0x116: {  	v21 =	vadd.f32 $9.999999960e-13, v30;
	v30 =	vpop (erf);
	(erf) = vrcp.f32 v27  }
0x117: {  	v6 =	vpop (erf);
	(erf) = vrcp.f32 v19  }
0x118: {  	[tilespmem:s24+$0x40] =	vst v5;
	v5 =	vpop (erf);
	(erf) = vrcp.f32 v21;
	v6 =	vmul.f32 v6, v18  }
0x119: {  	v19 =	vadd.f32 $9.999999960e-13, v23;
	[tilespmem:s24+$0x50] =	vst v4;
	v4 =	vpop (erf);
	v5 =	vmul.f32 v5, v17  }
0x11a: {  	v18 =	vadd.f32 $9.999999960e-13, v28;
	v21 =	vpop (erf);
	[tilespmem:s25+$0xFFFFFF80] =	vst v6;
	v4 =	vmul.f32 v4, v16;
	v6 =	vadd.f32 $9.999999960e-13, v20  }
0x11b: {  	v17 =	vadd.f32 $9.999999960e-13, v22;
	(erf) = vrcp.f32 v19;
	v16 =	vpop (erf);
	[tilespmem:s25+$0xFFFFFF90] =	vst v5;
	v5 =	vmul.f32 v21, v13  }
0x11c: {  	(erf) = vrcp.f32 v18;
	v13 =	vpop (erf);
	[tilespmem:s25+$0xFFFFFFA0] =	vst v4;
	v4 =	vmul.f32 v16, v14  }
0x11d: {  	(erf) = vrcp.f32 v17;
	v14 =	vpop (erf);
	[tilespmem:s25+$0xFFFFFFB0] =	vst v5;
	v5 =	vmul.f32 v13, v15  }
0x11e: {  	(erf) = vrcp.f32 v6;
	v6 =	vpop (erf);
	[tilespmem:s25+$0xFFFFFFC0] =	vst v4;
	v4 =	vmul.f32 v14, v12  }
0x11f: {  	v12 =	vpop (erf);
	[tilespmem:s25+$0xFFFFFFD0] =	vst v5;
	v5 =	vmul.f32 v6, v11  }
0x120: {  	v6 =	vpop (erf);
	[tilespmem:s25+$0xFFFFFFE0] =	vst v4;
	v4 =	vmul.f32 v12, v10  }
0x121: {  	v10 =	vpop (erf);
	[tilespmem:s25+$0xFFFFFFF0] =	vst v5;
	v5 =	vmul.f32 v6, v9  }
0x122: {  	[tilespmem:s25+$0x0] =	vst v4;
	v4 =	vmul.f32 v10, v7  }
0x123: {  	v3 =	vmul.f32 v30, v3;
	_ =	sdelay $0x1  }
0x124: {  	[tilespmem:s25+$0x10] =	vst v5;
	v5 =	vpop (erf)  }
0x125: {  	[tilespmem:s25+$0x20] =	vst v4;
	v4 =	vpop (erf);
	v5 =	vmul.f32 v5, v25  }
0x126: {  	[tilespmem:s24+$0x60] =	vst v3;
	v3 =	vpop (erf);
	v4 =	vmul.f32 v4, v26  }
0x127: {  	v6 =	vpop (erf);
	[tilespmem:s25+$0x30] =	vst v5;
	v3 =	vmul.f32 v3, v24  }
0x128: {  	[tilespmem:s25+$0x40] =	vst v4;
	v4 =	vmul.f32 v6, v8  }
0x129: {  	[tilespmem:s25+$0x50] =	vst v3  }
0x12a: {  	[tilespmem:s25+$0x60] =	vst v4  }
0x12b: {  	[hbm4b:s8+s3] =	stream.linear.scatter [tilespmem:s17], [sflag:$0x2], $0x4000, $0x38;
	[tilespmem:$0x10200] =	vst v63  }
0x12c: {  	_ =	swait.ge [sflag:s21], $0x4000  }
0x12d: {  	[sflag:s21] =	ssyncset.done $0x0  }
0x12e: {  	s24 =	simm.s32 $0x4200;
	[sflag:s21] =	ssyncadd.s32 $0xFFFFC000  }
0x12f: {  	v3 =	vld [tilespmem:s24+$0xF0]  }
0x130: {  	v4 =	vld [tilespmem:s24+$0x10]  }
0x131: {  	v5 =	vld [tilespmem:s24+$0x20]  }
0x132: {  	v6 =	vld [tilespmem:s24+$0x30]  }
0x133: {  	v8 =	vld [tilespmem:s24+$0x50]  }
0x134: {  	v7 =	vld [tilespmem:s24+$0x40]  }
0x135: {  	v9 =	vld [tilespmem:s24+$0x60];
	v3 =	vsub.f32 $0.0e+00, v3  }
0x136: {  	v10 =	vld [tilespmem:s24+$0x70];
	v4 =	vsub.f32 $0.0e+00, v4  }
0x137: {  	v11 =	vld [tilespmem:s24+$0x80];
	v5 =	vsub.f32 $0.0e+00, v5;
	v3 =	vmul.f32 $1.442695020e+00, v3  }
0x138: {  	v6 =	vsub.f32 $0.0e+00, v6;
	v8 =	vsub.f32 $0.0e+00, v8;
	v4 =	vmul.f32 $1.442695020e+00, v4  }
0x139: {  	(erf) = vpow2.f32 v3;
	v3 =	vmul.f32 $1.442695020e+00, v5;
	v5 =	vsub.f32 $0.0e+00, v7  }
0x13a: {  	v6 =	vmul.f32 $1.442695020e+00, v6;
	v8 =	vmul.f32 $1.442695020e+00, v8;
	v7 =	vld [tilespmem:s24+$0x90]  }
0x13b: {  	v12 =	vld [tilespmem:s24+$0xA0];
	(erf) = vpow2.f32 v4;
	v4 =	vmul.f32 $1.442695020e+00, v5;
	v5 =	vsub.f32 $0.0e+00, v9  }
0x13c: {  	(erf) = vpow2.f32 v3;
	v9 =	vsub.f32 $0.0e+00, v10;
	v10 =	vsub.f32 $0.0e+00, v11  }
0x13d: {  	v3 =	vld [tilespmem:s24+$0xB0];
	(erf) = vpow2.f32 v6;
	v5 =	vmul.f32 $1.442695020e+00, v5  }
0x13e: {  	v6 =	vld [tilespmem:s24+$0xC0];
	(erf) = vpow2.f32 v4;
	v10 =	vmul.f32 $1.442695020e+00, v10  }
0x13f: {  	v4 =	vmul.f32 $1.442695020e+00, v9;
	v9 =	vld [tilespmem:s24+$0xD0];
	v7 =	vsub.f32 $0.0e+00, v7;
	(erf) = vpow2.f32 v8  }
0x140: {  	v11 =	vsub.f32 $0.0e+00, v12;
	v8 =	vld [tilespmem:s24+$0x0];
	(erf) = vpow2.f32 v5  }
0x141: {  	v7 =	vmul.f32 $1.442695020e+00, v7;
	(erf) = vpow2.f32 v4  }
0x142: {  	v5 =	vld [tilespmem:s24+$0xE0];
	v3 =	vsub.f32 $0.0e+00, v3;
	v4 =	vmul.f32 $1.442695020e+00, v11;
	(erf) = vpow2.f32 v10;
	v10 =	vpop (erf)  }
0x143: {  	v6 =	vsub.f32 $0.0e+00, v6;
	(erf) = vpow2.f32 v7;
	v7 =	vadd.f32 $1.000000000e+00, v10  }
0x144: {  	v10 =	vpop (erf);
	(erf) = vpow2.f32 v4;
	v4 =	vsub.f32 $0.0e+00, v9  }
0x145: {  	v3 =	vmul.f32 $1.442695020e+00, v3;
	v8 =	vsub.f32 $0.0e+00, v8;
	v6 =	vmul.f32 $1.442695020e+00, v6  }
0x146: {  	v9 =	vpop (erf);
	(erf) = vrcp.f32 v7  }
0x147: {  	v5 =	vsub.f32 $0.0e+00, v5;
	v8 =	vmul.f32 $1.442695020e+00, v8;
	v7 =	vpop (erf);
	(erf) = vpow2.f32 v3  }
0x148: {  	v3 =	vmul.f32 $1.442695020e+00, v4;
	v4 =	vpop (erf);
	(erf) = vpow2.f32 v6  }
0x149: {  	v5 =	vmul.f32 $1.442695020e+00, v5;
	v6 =	vpop (erf);
	(erf) = vpow2.f32 v8  }
0x14a: {  	v8 =	vadd.f32 $1.000000000e+00, v10;
	v10 =	vpop (erf);
	(erf) = vpow2.f32 v3  }
0x14b: {  	v3 =	vadd.f32 $1.000000000e+00, v9;
	v9 =	vpop (erf);
	(erf) = vpow2.f32 v5;
	v5 =	vadd.f32 $1.000000000e+00, v7  }
0x14c: {  	v7 =	vpop (erf);
	(erf) = vrcp.f32 v8  }
0x14d: {  	(erf) = vrcp.f32 v3;
	v3 =	vadd.f32 $1.000000000e+00, v6  }
0x14e: {  	v4 =	vadd.f32 $1.000000000e+00, v4;
	v8 =	vpop (erf);
	v6 =	vadd.f32 $1.000000000e+00, v10  }
0x14f: {  	(erf) = vrcp.f32 v5;
	v5 =	vpop (erf)  }
0x150: {  	v7 =	vadd.f32 $1.000000000e+00, v7;
	v8 =	vadd.f32 $1.000000000e+00, v8;
	(erf) = vrcp.f32 v4;
	v17 =	vpop (erf)  }
0x151: {  	v4 =	vadd.f32 $1.000000000e+00, v9;
	(erf) = vrcp.f32 v3;
	v9 =	vperm.xlane v17, v0;
	v3 =	vpop (erf)  }
0x152: {  	(erf) = vrcp.f32 v6;
	v6 =	vpop (erf)  }
0x153: {  	(erf) = vrcp.f32 v4;
	v9 =	vadd.f32 v17, v9;
	v10 =	vpop (erf)  }
0x154: {  	(erf) = vrcp.f32 v7;
	v4 =	vadd.f32 $1.000000000e+00, v10;
	v7 =	vpop (erf)  }
0x155: {  	v5 =	vadd.f32 $1.000000000e+00, v5;
	(erf) = vrcp.f32 v8;
	v10 =	vperm.xlane v9, v1;
	v8 =	vpop (erf)  }
0x156: {  	v3 =	vadd.f32 $1.000000000e+00, v3;
	v7 =	vadd.f32 $1.000000000e+00, v7;
	(erf) = vrcp.f32 v4;
	v13 =	vpop (erf)  }
0x157: {  	v4 =	vadd.f32 $1.000000000e+00, v6;
	v6 =	vperm.xlane v13, v0;
	v9 =	vadd.f32 v9, v10;
	v15 =	vpop (erf)  }
0x158: {  	(erf) = vrcp.f32 v5;
	v10 =	vadd.f32 $1.000000000e+00, v8;
	v5 =	vperm.xlane v15, v0  }
0x159: {  	v14 =	vpop (erf);
	(erf) = vrcp.f32 v3;
	v3 =	vperm.xlane v9, v2;
	v18 =	vadd.f32 v13, v6  }
0x15a: {  	v11 =	vpop (erf);
	(erf) = vrcp.f32 v4;
	v4 =	vperm.xlane v14, v0;
	v21 =	vadd.f32 v15, v5  }
0x15b: {  	v12 =	vpop (erf);
	(erf) = vrcp.f32 v7;
	v5 =	vperm.xlane v11, v0;
	v3 =	vadd.f32 v9, v3  }
0x15c: {  	v8 =	vpop (erf);
	(erf) = vrcp.f32 v10;
	v6 =	vperm.xlane v12, v0;
	v22 =	vadd.f32 v14, v4  }
0x15d: {  	v20 =	vperm.xlane v18, v1;
	v9 =	vpop (erf);
	v4 =	vperm.xlane v8, v0;
	v23 =	vadd.f32 v11, v5  }
0x15e: {  	v28 =	vperm.xlane v21, v1;
	v5 =	vperm.xlane v9, v0;
	v3 =	vadd.f32 $9.999999960e-13, v3  }
0x15f: {  	v10 =	vpop (erf);
	v24 =	vadd.f32 v12, v6;
	v31 =	vperm.xlane v22, v1;
	v18 =	vadd.f32 v18, v20  }
0x160: {  	v7 =	vpop (erf);
	v25 =	vadd.f32 v8, v4;
	v4 =	vperm.xlane v10, v0;
	v59 =	vperm.xlane v23, v1  }
0x161: {  	v21 =	vadd.f32 v21, v28;
	v6 =	vperm.xlane v7, v0;
	v26 =	vadd.f32 v9, v5  }
0x162: {  	v16 =	vpop (erf);
	(erf) = vrcp.f32 v3;
	v38 =	vperm.xlane v24, v1;
	v22 =	vadd.f32 v22, v31  }
0x163: {  	v31 =	vperm.xlane v18, v2;
	v3 =	vperm.xlane v16, v0;
	v27 =	vadd.f32 v10, v4  }
0x164: {  	v19 =	vpop (erf);
	v40 =	vperm.xlane v25, v1;
	v23 =	vadd.f32 v23, v59;
	v63 =	vperm.xlane v21, v2  }
0x165: {  	v29 =	vperm.xlane v19, v0;
	v58 =	vadd.f32 v7, v6;
	v41 =	vperm.xlane v26, v1  }
0x166: {  	v24 =	vadd.f32 v24, v38;
	v48 =	vperm.xlane v22, v2;
	v18 =	vadd.f32 v18, v31  }
0x167: {  	v4 =	vpop (erf);
	v30 =	vadd.f32 v16, v3;
	v42 =	vperm.xlane v27, v1;
	v25 =	vadd.f32 v25, v40  }
0x168: {  	v49 =	vperm.xlane v23, v2;
	v21 =	vadd.f32 v21, v63;
	v3 =	vperm.xlane v4, v0  }
0x169: {  	v29 =	vadd.f32 v19, v29;
	v43 =	vperm.xlane v58, v1;
	v26 =	vadd.f32 v26, v41  }
0x16a: {  	v5 =	vpop (erf);
	v50 =	vperm.xlane v24, v2;
	v22 =	vadd.f32 v22, v48;
	v18 =	vadd.f32 $9.999999960e-13, v18  }
0x16b: {  	v60 =	vperm.xlane v5, v0;
	v35 =	vperm.xlane v30, v1;
	v27 =	vadd.f32 v27, v42  }
0x16c: {  	v6 =	vpop (erf);
	v51 =	vperm.xlane v25, v2;
	v23 =	vadd.f32 v23, v49;
	v21 =	vadd.f32 $9.999999960e-13, v21  }
0x16d: {  	v36 =	vadd.f32 v4, v3;
	v37 =	vperm.xlane v6, v0;
	v30 =	vadd.f32 v30, v35  }
0x16e: {  	v44 =	vperm.xlane v29, v1;
	v32 =	vadd.f32 v58, v43;
	v52 =	vperm.xlane v26, v2  }
0x16f: {  	s25 =	simm.s32 $0x4300;
	v24 =	vadd.f32 v24, v50;
	v22 =	vadd.f32 $9.999999960e-13, v22;
	v62 =	vperm.xlane v30, v2  }
0x170: {  	v58 =	vld [tilespmem:s25+$0xA0];
	v34 =	vadd.f32 v5, v60;
	v31 =	vperm.xlane v27, v2;
	v23 =	vadd.f32 $9.999999960e-13, v23  }
0x171: {  	v3 =	vpop (erf);
	v37 =	vadd.f32 v6, v37;
	v61 =	vperm.xlane v36, v1;
	v30 =	vadd.f32 v30, v62  }
0x172: {  	v29 =	vadd.f32 v29, v44;
	v53 =	vperm.xlane v32, v2;
	v39 =	vperm.xlane v3, v0  }
0x173: {  	v24 =	vadd.f32 $9.999999960e-13, v24;
	v45 =	vpop (erf);
	v46 =	vperm.xlane v34, v1;
	v30 =	vadd.f32 $9.999999960e-13, v30  }
0x174: {  	v20 =	vmul.f32 v45, v17;
	v17 =	vperm.xlane v37, v1;
	v39 =	vadd.f32 v3, v39  }
0x175: {  	v54 =	vperm.xlane v29, v2;
	v60 =	vsub.f32 $0.0e+00, v58;
	(erf) = vrcp.f32 v30  }
0x176: {  	v28 =	vperm.xlane v39, v1;
	(erf) = vrcp.f32 v18;
	v18 =	vadd.f32 v25, v51;
	v25 =	vld [tilespmem:s25+$0xF0]  }
0x177: {  	v35 =	vmul.f32 $1.442695020e+00, v60;
	(erf) = vrcp.f32 v21;
	v21 =	vadd.f32 v26, v52  }
0x178: {  	v26 =	vld [tilespmem:s25+$0x10];
	(erf) = vrcp.f32 v22;
	v22 =	vadd.f32 v27, v31;
	v18 =	vadd.f32 $9.999999960e-13, v18  }
0x179: {  	v27 =	vld [tilespmem:s25+$0x20];
	(erf) = vrcp.f32 v23;
	v23 =	vadd.f32 v32, v53;
	v21 =	vadd.f32 $9.999999960e-13, v21  }
0x17a: {  	(erf) = vrcp.f32 v24;
	v24 =	vadd.f32 v29, v54;
	v22 =	vadd.f32 $9.999999960e-13, v22;
	v29 =	vld [tilespmem:s25+$0x30]  }
0x17b: {  	(erf) = vrcp.f32 v18;
	v18 =	vadd.f32 $9.999999960e-13, v23;
	v23 =	vld [tilespmem:s25+$0x40];
	v25 =	vsub.f32 $0.0e+00, v25  }
0x17c: {  	v30 =	vadd.f32 v36, v61;
	(erf) = vrcp.f32 v21;
	v21 =	vadd.f32 $9.999999960e-13, v24;
	v24 =	vld [tilespmem:s25+$0x50]  }
0x17d: {  	(erf) = vrcp.f32 v22;
	v22 =	vsub.f32 $0.0e+00, v26;
	v26 =	vld [tilespmem:s25+$0x60];
	v25 =	vmul.f32 $1.442695020e+00, v25  }
0x17e: {  	v55 =	vld [tilespmem:s25+$0x70];
	v28 =	vadd.f32 v39, v28;
	v27 =	vsub.f32 $0.0e+00, v27;
	(erf) = vrcp.f32 v18  }
0x17f: {  	v31 =	vpop (erf);
	(erf) = vrcp.f32 v21;
	v21 =	vmul.f32 $1.442695020e+00, v22;
	v22 =	vsub.f32 $0.0e+00, v29;
	v29 =	vld [tilespmem:s25+$0x80]  }
0x180: {  	v59 =	vld [tilespmem:s25+$0xC0];
	v56 =	vperm.xlane v30, v2;
	v33 =	vpop (erf);
	v27 =	vmul.f32 $1.442695020e+00, v27;
	v23 =	vsub.f32 $0.0e+00, v23  }
0x181: {  	(erf) = vpow2.f32 v25;
	v25 =	vpop (erf);
	v22 =	vmul.f32 $1.442695020e+00, v22;
	v24 =	vsub.f32 $0.0e+00, v24  }
0x182: {  	v57 =	vld [tilespmem:s25+$0x90];
	(erf) = vpow2.f32 v21;
	v36 =	vpop (erf);
	v21 =	vmul.f32 $1.442695020e+00, v23;
	v23 =	vsub.f32 $0.0e+00, v26  }
0x183: {  	(erf) = vpow2.f32 v27;
	v27 =	vsub.f32 $0.0e+00, v55;
	v40 =	vpop (erf);
	v24 =	vmul.f32 $1.442695020e+00, v24  }
0x184: {  	v63 =	vld [tilespmem:s25+$0xE0];
	(erf) = vpow2.f32 v22;
	v26 =	vpop (erf);
	v22 =	vmul.f32 $1.442695020e+00, v23;
	v23 =	vsub.f32 $0.0e+00, v29  }
0x185: {  	v32 =	vsub.f32 $0.0e+00, v59;
	(erf) = vpow2.f32 v21;
	v29 =	vld [tilespmem:s25+$0xB0];
	v21 =	vmul.f32 $1.442695020e+00, v27;
	v41 =	vpop (erf)  }
0x186: {  	v49 =	vperm.xlane v28, v2;
	v18 =	vadd.f32 v34, v46;
	v42 =	vpop (erf);
	v23 =	vmul.f32 $1.442695020e+00, v23  }
0x187: {  	v61 =	vld [tilespmem:s25+$0xD0];
	v32 =	vmul.f32 $1.442695020e+00, v32;
	v27 =	vsub.f32 $0.0e+00, v57;
	(erf) = vpow2.f32 v24;
	v24 =	vpop (erf)  }
0x188: {  	v17 =	vadd.f32 v37, v17;
	v62 =	vperm.xlane v18, v2;
	(erf) = vpow2.f32 v22;
	v22 =	vld [tilespmem:s25+$0x0];
	v38 =	vpop (erf)  }
0x189: {  	v53 =	vsub.f32 $0.0e+00, v63;
	v27 =	vmul.f32 $1.442695020e+00, v27;
	(erf) = vpow2.f32 v21;
	v21 =	vpop (erf)  }
0x18a: {  	v34 =	vmul.f32 v41, v8;
	(erf) = vpow2.f32 v23;
	v29 =	vsub.f32 $0.0e+00, v29;
	v23 =	vpop (erf)  }
0x18b: {  	(erf) = vpow2.f32 v27;
	v27 =	vperm.xlane v17, v2;
	v23 =	vadd.f32 $1.000000000e+00, v23  }
0x18c: {  	v51 =	vsub.f32 $0.0e+00, v61;
	v48 =	vpop (erf);
	(erf) = vpow2.f32 v35;
	v29 =	vmul.f32 $1.442695020e+00, v29  }
0x18d: {  	v19 =	vmul.f32 v21, v19;
	v22 =	vsub.f32 $0.0e+00, v22;
	v50 =	vpop (erf);
	(erf) = vrcp.f32 v23  }
0x18e: {  	v54 =	vadd.f32 v17, v27;
	v17 =	vmul.f32 $1.442695020e+00, v51;
	v23 =	vadd.f32 v30, v56;
	v30 =	vpop (erf)  }
0x18f: {  	v18 =	vadd.f32 v18, v62;
	v22 =	vmul.f32 $1.442695020e+00, v22;
	v52 =	vpop (erf);
	(erf) = vpow2.f32 v29  }
0x190: {  	v35 =	vmul.f32 v42, v9;
	v27 =	vadd.f32 v28, v49;
	v29 =	vpop (erf);
	(erf) = vpow2.f32 v32  }
0x191: {  	v28 =	vmul.f32 $1.442695020e+00, v53;
	v57 =	vadd.f32 $1.000000000e+00, v48;
	v55 =	vpop (erf);
	(erf) = vpow2.f32 v22  }
0x192: {  	v32 =	vmul.f32 v40, v11;
	v22 =	vadd.f32 $9.999999960e-13, v23;
	v56 =	vpop (erf);
	(erf) = vpow2.f32 v17  }
0x193: {  	v23 =	vadd.f32 $9.999999960e-13, v18;
	v18 =	vadd.f32 $1.000000000e+00, v50;
	v17 =	vpop (erf);
	(erf) = vpow2.f32 v28  }
0x194: {  	v60 =	vadd.f32 $1.000000000e+00, v29;
	v29 =	vmul.f32 v25, v15;
	v58 =	vpop (erf);
	(erf) = vrcp.f32 v57  }
0x195: {  	v30 =	vadd.f32 $1.000000000e+00, v30;
	v28 =	vmul.f32 v31, v16;
	v31 =	vmul.f32 v36, v14;
	v59 =	vpop (erf)  }
0x196: {  	v37 =	vadd.f32 $1.000000000e+00, v52;
	v36 =	vmul.f32 v24, v10;
	(erf) = vrcp.f32 v18;
	v45 =	vpop (erf)  }
0x197: {  	v16 =	vadd.f32 $1.000000000e+00, v55;
	(erf) = vrcp.f32 v30;
	v18 =	vperm.xlane v45, v0  }
0x198: {  	v17 =	vadd.f32 $1.000000000e+00, v17;
	v30 =	vmul.f32 v33, v13;
	(erf) = vrcp.f32 v37;
	v15 =	vpop (erf)  }
0x199: {  	v13 =	vadd.f32 $1.000000000e+00, v56;
	(erf) = vrcp.f32 v60;
	v14 =	vpop (erf);
	v18 =	vadd.f32 v45, v18  }
0x19a: {  	v27 =	vadd.f32 $9.999999960e-13, v27;
	v33 =	vmul.f32 v26, v12;
	(erf) = vrcp.f32 v16;
	v25 =	vpop (erf)  }
0x19b: {  	(erf) = vrcp.f32 v13;
	v11 =	vadd.f32 $1.000000000e+00, v25;
	v25 =	vpop (erf);
	v13 =	vperm.xlane v18, v1  }
0x19c: {  	v37 =	vmul.f32 v38, v7;
	v38 =	vadd.f32 $9.999999960e-13, v54;
	v16 =	vadd.f32 $1.000000000e+00, v58;
	v12 =	vpop (erf)  }
0x19d: {  	(erf) = vrcp.f32 v17;
	v17 =	vpop (erf);
	v18 =	vadd.f32 v18, v13;
	v13 =	vadd.f32 $1.000000000e+00, v59  }
0x19e: {  	v8 =	vadd.f32 $1.000000000e+00, v15;
	(erf) = vrcp.f32 v16;
	v7 =	vperm.xlane v17, v0  }
0x19f: {  	v10 =	vadd.f32 $1.000000000e+00, v25;
	(erf) = vrcp.f32 v11;
	v9 =	vperm.xlane v18, v2  }
0x1a0: {  	v11 =	vadd.f32 $1.000000000e+00, v14;
	v16 =	vpop (erf);
	(erf) = vrcp.f32 v13;
	v61 =	vadd.f32 v17, v7  }
0x1a1: {  	v13 =	vpop (erf);
	(erf) = vrcp.f32 v8;
	v8 =	vadd.f32 v18, v9;
	v18 =	vperm.xlane v16, v0  }
0x1a2: {  	v9 =	vadd.f32 $1.000000000e+00, v12;
	v48 =	vperm.xlane v61, v1;
	v14 =	vpop (erf);
	(erf) = vrcp.f32 v11  }
0x1a3: {  	v7 =	vperm.xlane v13, v0;
	v15 =	vpop (erf);
	(erf) = vrcp.f32 v10;
	v8 =	vadd.f32 $9.999999960e-13, v8  }
0x1a4: {  	v62 =	vadd.f32 v16, v18;
	v12 =	vpop (erf);
	(erf) = vrcp.f32 v9;
	v24 =	vperm.xlane v15, v0  }
0x1a5: {  	v63 =	vadd.f32 v13, v7;
	v11 =	vpop (erf);
	(erf) = vrcp.f32 v8;
	v8 =	vperm.xlane v14, v0  }
0x1a6: {  	v39 =	vadd.f32 v61, v48;
	v7 =	vperm.xlane v12, v0;
	v51 =	vperm.xlane v62, v1  }
0x1a7: {  	v10 =	vpop (erf);
	v25 =	vperm.xlane v11, v0;
	v43 =	vadd.f32 v15, v24;
	v54 =	vperm.xlane v63, v1  }
0x1a8: {  	v9 =	vpop (erf);
	v42 =	vadd.f32 v14, v8;
	v44 =	vadd.f32 v12, v7;
	v24 =	vperm.xlane v10, v0  }
0x1a9: {  	v40 =	vadd.f32 v62, v51;
	v18 =	vpop (erf);
	v46 =	vadd.f32 v11, v25;
	v47 =	vperm.xlane v9, v0  }
0x1aa: {  	v61 =	vperm.xlane v43, v1;
	v41 =	vadd.f32 v63, v54;
	v8 =	vperm.xlane v18, v0  }
0x1ab: {  	v7 =	vpop (erf);
	v50 =	vadd.f32 v10, v24;
	v55 =	vperm.xlane v42, v1;
	v63 =	vperm.xlane v44, v1  }
0x1ac: {  	v25 =	vpop (erf);
	v47 =	vadd.f32 v9, v47;
	v58 =	vperm.xlane v46, v1;
	v43 =	vadd.f32 v43, v61  }
0x1ad: {  	v49 =	vadd.f32 v18, v8;
	v8 =	vperm.xlane v7, v0;
	v26 =	vpop (erf);
	v52 =	vperm.xlane v25, v0  }
0x1ae: {  	v42 =	vadd.f32 v42, v55;
	v44 =	vadd.f32 v44, v63;
	v57 =	vperm.xlane v26, v0  }
0x1af: {  	v24 =	vpop (erf);
	v46 =	vadd.f32 v46, v58;
	v53 =	vperm.xlane v49, v1;
	v56 =	vadd.f32 v7, v8  }
0x1b0: {  	[tilespmem:s24+$0xF0] =	vst v20;
	v52 =	vadd.f32 v25, v52;
	v60 =	vperm.xlane v24, v0;
	v20 =	vperm.xlane v42, v2  }
0x1b1: {  	[tilespmem:s24+$0x0] =	vst v28;
	v28 =	vperm.xlane v44, v2;
	v57 =	vadd.f32 v26, v57;
	v49 =	vadd.f32 v49, v53  }
0x1b2: {  	v8 =	vpop (erf);
	v48 =	vadd.f32 v24, v60;
	v60 =	vperm.xlane v47, v1;
	v61 =	vperm.xlane v56, v1  }
0x1b3: {  	v53 =	vperm.xlane v46, v2;
	v42 =	vadd.f32 v42, v20;
	v62 =	vperm.xlane v8, v0  }
0x1b4: {  	v44 =	vadd.f32 v44, v28;
	v59 =	vpop (erf);
	v63 =	vperm.xlane v57, v1;
	(erf) = vrcp.f32 v22  }
0x1b5: {  	[tilespmem:s24+$0xA0] =	vst v19;
	v45 =	vmul.f32 v59, v45;
	v59 =	vperm.xlane v50, v1;
	v47 =	vadd.f32 v47, v60  }
0x1b6: {  	[tilespmem:s24+$0x30] =	vst v31;
	v55 =	vadd.f32 v56, v61;
	v60 =	vperm.xlane v48, v1;
	v31 =	vadd.f32 v46, v53  }
0x1b7: {  	[tilespmem:s24+$0x50] =	vst v33;
	(erf) = vrcp.f32 v23;
	v33 =	vadd.f32 $9.999999960e-13, v42;
	v19 =	vadd.f32 $9.999999960e-13, v44  }
0x1b8: {  	v51 =	vadd.f32 v8, v62;
	v62 =	vperm.xlane v52, v1;
	v54 =	vadd.f32 v57, v63  }
0x1b9: {  	v63 =	vperm.xlane v39, v2;
	(erf) = vrcp.f32 v38;
	v50 =	vadd.f32 v50, v59  }
0x1ba: {  	v48 =	vadd.f32 v48, v60;
	v60 =	vperm.xlane v40, v2;
	v57 =	vperm.xlane v47, v2  }
0x1bb: {  	v58 =	vperm.xlane v55, v2;
	(erf) = vrcp.f32 v27;
	v52 =	vadd.f32 v52, v62  }
0x1bc: {  	v61 =	vperm.xlane v51, v1;
	v62 =	vperm.xlane v49, v2;
	v39 =	vadd.f32 v39, v63  }
0x1bd: {  	[tilespmem:s24+$0x10] =	vst v30;
	v59 =	vperm.xlane v54, v2;
	v40 =	vadd.f32 v40, v60;
	v30 =	vperm.xlane v50, v2  }
0x1be: {  	[tilespmem:s24+$0x20] =	vst v29;
	v56 =	vperm.xlane v48, v2;
	v29 =	vadd.f32 v47, v57;
	v51 =	vadd.f32 v51, v61  }
0x1bf: {  	v49 =	vadd.f32 v49, v62;
	v61 =	vperm.xlane v41, v2;
	v28 =	vadd.f32 v54, v59  }
0x1c0: {  	[tilespmem:s24+$0x40] =	vst v32;
	v62 =	vperm.xlane v43, v2;
	v63 =	vadd.f32 $9.999999960e-13, v39;
	v32 =	vadd.f32 v50, v30  }
0x1c1: {  	[tilespmem:s24+$0x60] =	vst v34;
	v20 =	vperm.xlane v52, v2;
	v30 =	vadd.f32 v55, v58;
	v22 =	vadd.f32 v48, v56  }
0x1c2: {  	[tilespmem:s24+$0x70] =	vst v35;
	v21 =	vadd.f32 $9.999999960e-13, v40;
	v60 =	vperm.xlane v51, v2;
	v27 =	vadd.f32 $9.999999960e-13, v49  }
0x1c3: {  	[tilespmem:s24+$0x80] =	vst v36;
	v41 =	vadd.f32 v41, v61;
	v43 =	vadd.f32 v43, v62  }
0x1c4: {  	[tilespmem:s24+$0x90] =	vst v37;
	v23 =	vadd.f32 v52, v20;
	v20 =	vadd.f32 v51, v60;
	(erf) = vrcp.f32 v27  }
0x1c5: {  	s26 =	simm.s32 $0x82;
	s28 =	simm.s32 $0x4400;
	[tilespmem:s25+$0xF0] =	vst v45;
	v34 =	vadd.f32 $9.999999960e-13, v41;
	v27 =	vadd.f32 $9.999999960e-13, v43;
	(erf) = vrcp.f32 v63  }
.LBB2_4:
0x1c6: {  	v35 =	vld [tilespmem:s28+$0xF0];
	s26 =	sadd.s32 $0x2, s26;
	v31 =	vadd.f32 $9.999999960e-13, v31;
	v32 =	vadd.f32 $9.999999960e-13, v32;
	(erf) = vrcp.f32 v21  }
0x1c7: {  	v29 =	vadd.f32 $9.999999960e-13, v29;
	v30 =	vadd.f32 $9.999999960e-13, v30;
	v36 =	vld [tilespmem:s28+$0x10];
	p0 =	slt.u32 s26, $0xFE;
	(erf) = vrcp.f32 v34;
	v34 =	vpop (erf)  }
0x1c8: {  	v23 =	vadd.f32 $9.999999960e-13, v23;
	v21 =	vadd.f32 $9.999999960e-13, v28;
	v37 =	vld [tilespmem:s28+$0x20];
	(erf) = vrcp.f32 v33;
	v28 =	vpop (erf)  }
0x1c9: {  	v22 =	vadd.f32 $9.999999960e-13, v22;
	v20 =	vadd.f32 $9.999999960e-13, v20;
	v33 =	vld [tilespmem:s28+$0x30];
	(erf) = vrcp.f32 v27;
	v27 =	vpop (erf)  }
0x1ca: {  	v34 =	vmul.f32 v34, v4;
	v4 =	vmov v25;
	v38 =	vld [tilespmem:s28+$0x40];
	(erf) = vrcp.f32 v19;
	v19 =	vpop (erf)  }
0x1cb: {  	v28 =	vmul.f32 v28, v5;
	v5 =	vmovc v26;
	v25 =	vld [tilespmem:s28+$0x50];
	v39 =	vsub.f32 $0.0e+00, v35;
	(erf) = vrcp.f32 v31  }
0x1cc: {  	v27 =	vmul.f32 v27, v6;
	v6 =	vmovc v24;
	v26 =	vsub.f32 $0.0e+00, v36;
	v31 =	vld [tilespmem:s28+$0x60];
	(erf) = vrcp.f32 v32;
	[tilespmem:s24+$0xB0] =	vst v34  }
0x1cd: {  	v24 =	vsub.f32 $0.0e+00, v37;
	v32 =	vld [tilespmem:s28+$0x70];
	v36 =	vmul.f32 $1.442695020e+00, v39;
	v35 =	vpop (erf);
	(erf) = vrcp.f32 v29;
	[tilespmem:s24+$0xC0] =	vst v28  }
0x1ce: {  	v37 =	vmul.f32 $1.442695020e+00, v26;
	v28 =	vsub.f32 $0.0e+00, v33;
	v29 =	vld [tilespmem:s28+$0x80];
	v33 =	vpop (erf);
	(erf) = vrcp.f32 v30;
	[tilespmem:s24+$0xD0] =	vst v27  }
0x1cf: {  	v39 =	vmul.f32 $1.442695020e+00, v24;
	v27 =	vsub.f32 $0.0e+00, v38;
	v30 =	vld [tilespmem:s28+$0x90];
	(erf) = vpow2.f32 v36;
	v34 =	vpop (erf)  }
0x1d0: {  	v43 =	vmul.f32 $1.442695020e+00, v28;
	v25 =	vsub.f32 $0.0e+00, v25;
	v36 =	vld [tilespmem:s28+$0xA0];
	(erf) = vpow2.f32 v37;
	v26 =	vpop (erf)  }
0x1d1: {  	v27 =	vmul.f32 $1.442695020e+00, v27;
	v31 =	vsub.f32 $0.0e+00, v31;
	v37 =	vld [tilespmem:s28+$0xB0];
	(erf) = vpow2.f32 v39;
	v24 =	vpop (erf)  }
0x1d2: {  	v41 =	vmul.f32 $1.442695020e+00, v25;
	v32 =	vsub.f32 $0.0e+00, v32;
	v38 =	vld [tilespmem:s28+$0xC0];
	(erf) = vpow2.f32 v43;
	v28 =	vpop (erf)  }
0x1d3: {  	v45 =	vmul.f32 $1.442695020e+00, v31;
	v29 =	vsub.f32 $0.0e+00, v29;
	v39 =	vld [tilespmem:s28+$0xD0];
	(erf) = vpow2.f32 v27;
	v40 =	vpop (erf)  }
0x1d4: {  	v43 =	vmul.f32 $1.442695020e+00, v32;
	v30 =	vsub.f32 $0.0e+00, v30;
	v32 =	vld [tilespmem:s28+$0xE0];
	(erf) = vpow2.f32 v41;
	v25 =	vpop (erf)  }
0x1d5: {  	v41 =	vld [tilespmem:s28+$0x0];
	v29 =	vmul.f32 $1.442695020e+00, v29;
	v36 =	vsub.f32 $0.0e+00, v36;
	(erf) = vpow2.f32 v45;
	v31 =	vpop (erf)  }
0x1d6: {  	v44 =	vmul.f32 $1.442695020e+00, v30;
	v37 =	vsub.f32 $0.0e+00, v37;
	(erf) = vpow2.f32 v43;
	v42 =	vpop (erf)  }
0x1d7: {  	v36 =	vmul.f32 $1.442695020e+00, v36;
	v38 =	vsub.f32 $0.0e+00, v38;
	(erf) = vpow2.f32 v29;
	v27 =	vpop (erf)  }
0x1d8: {  	v29 =	vmul.f32 $1.442695020e+00, v37;
	v37 =	vsub.f32 $0.0e+00, v39;
	(erf) = vpow2.f32 v44;
	v30 =	vpop (erf)  }
0x1d9: {  	v38 =	vmul.f32 $1.442695020e+00, v38;
	v32 =	vsub.f32 $0.0e+00, v32;
	v30 =	vadd.f32 $1.000000000e+00, v30;
	v39 =	vpop (erf)  }
0x1da: {  	v41 =	vsub.f32 $0.0e+00, v41;
	v37 =	vmul.f32 $1.442695020e+00, v37;
	v43 =	vpop (erf);
	(erf) = vpow2.f32 v36  }
0x1db: {  	v36 =	vadd.f32 $1.000000000e+00, v39;
	v32 =	vmul.f32 $1.442695020e+00, v32;
	v39 =	vpop (erf);
	(erf) = vrcp.f32 v30  }
0x1dc: {  	v44 =	vmul.f32 $1.442695020e+00, v41;
	v41 =	vadd.f32 $1.000000000e+00, v43;
	v43 =	vpop (erf);
	(erf) = vpow2.f32 v29  }
0x1dd: {  	v29 =	vadd.f32 $1.000000000e+00, v39;
	v39 =	vadd.f32 $1.000000000e+00, v43;
	v43 =	vpop (erf);
	(erf) = vpow2.f32 v38  }
0x1de: {  	v18 =	vmul.f32 v35, v18;
	v38 =	vadd.f32 $1.000000000e+00, v43;
	(erf) = vpow2.f32 v44;
	v30 =	vpop (erf)  }
0x1df: {  	v17 =	vmul.f32 v33, v17;
	v30 =	vadd.f32 $1.000000000e+00, v30;
	v35 =	vpop (erf);
	(erf) = vpow2.f32 v37  }
0x1e0: {  	v34 =	vmul.f32 v34, v16;
	v33 =	vadd.f32 $1.000000000e+00, v35;
	v35 =	vpop (erf);
	(erf) = vpow2.f32 v32;
	[tilespmem:s25+$0x0] =	vst v18  }
0x1e1: {  	v13 =	vmul.f32 v26, v13;
	v18 =	vadd.f32 $1.000000000e+00, v35;
	(erf) = vrcp.f32 v36;
	v32 =	vpop (erf);
	[tilespmem:s25+$0x10] =	vst v17  }
0x1e2: {  	v14 =	vmul.f32 v24, v14;
	v17 =	vadd.f32 $1.000000000e+00, v32;
	(erf) = vrcp.f32 v41;
	[tilespmem:s25+$0x20] =	vst v34  }
0x1e3: {  	v26 =	vmul.f32 v28, v15;
	(erf) = vrcp.f32 v29;
	v16 =	vpop (erf);
	[tilespmem:s25+$0x30] =	vst v13  }
0x1e4: {  	v12 =	vmul.f32 v40, v12;
	v15 =	vadd.f32 $1.000000000e+00, v16;
	(erf) = vrcp.f32 v39;
	v28 =	vpop (erf);
	[tilespmem:s25+$0x40] =	vst v14  }
0x1e5: {  	v29 =	vperm.xlane v28, v0;
	(erf) = vrcp.f32 v38;
	v16 =	vpop (erf);
	[tilespmem:s25+$0x50] =	vst v26  }
0x1e6: {  	v11 =	vmul.f32 v25, v11;
	v24 =	vadd.f32 $1.000000000e+00, v16;
	(erf) = vrcp.f32 v30;
	v13 =	vpop (erf);
	[tilespmem:s25+$0x60] =	vst v12  }
0x1e7: {  	v12 =	vadd.f32 $1.000000000e+00, v13;
	v13 =	vadd.f32 v28, v29;
	v14 =	vpop (erf);
	(erf) = vrcp.f32 v33  }
0x1e8: {  	v10 =	vmul.f32 v31, v10;
	v14 =	vadd.f32 $1.000000000e+00, v14;
	(erf) = vrcp.f32 v18;
	v16 =	vpop (erf);
	[tilespmem:s25+$0x70] =	vst v11  }
0x1e9: {  	v11 =	vadd.f32 $1.000000000e+00, v16;
	v26 =	vperm.xlane v13, v1;
	(erf) = vrcp.f32 v17;
	v17 =	vpop (erf)  }
0x1ea: {  	v9 =	vmul.f32 v42, v9;
	v18 =	vadd.f32 $1.000000000e+00, v17;
	(erf) = vrcp.f32 v14;
	v17 =	vpop (erf);
	[tilespmem:s25+$0x80] =	vst v10  }
0x1eb: {  	v10 =	vperm.xlane v17, v0;
	v25 =	vadd.f32 v13, v26;
	v16 =	vpop (erf);
	(erf) = vrcp.f32 v15  }
0x1ec: {  	v26 =	vperm.xlane v16, v0;
	v13 =	vpop (erf);
	(erf) = vrcp.f32 v24;
	[tilespmem:s25+$0x90] =	vst v9  }
0x1ed: {  	v29 =	vadd.f32 v17, v10;
	v9 =	vperm.xlane v25, v2;
	v14 =	vpop (erf);
	(erf) = vrcp.f32 v12  }
0x1ee: {  	v33 =	vperm.xlane v13, v0;
	v30 =	vadd.f32 v16, v26;
	v15 =	vpop (erf);
	(erf) = vrcp.f32 v11  }
0x1ef: {  	v24 =	vperm.xlane v14, v0;
	v35 =	vadd.f32 v25, v9;
	v12 =	vpop (erf);
	(erf) = vrcp.f32 v18  }
0x1f0: {  	v31 =	vadd.f32 v13, v33;
	v36 =	vperm.xlane v15, v0;
	v25 =	vperm.xlane v12, v0;
	v11 =	vpop (erf)  }
0x1f1: {  	v32 =	vadd.f32 v14, v24;
	v24 =	vperm.xlane v11, v0;
	v26 =	vadd.f32 $9.999999960e-13, v35;
	v10 =	vpop (erf)  }
0x1f2: {  	v33 =	vadd.f32 v15, v36;
	v34 =	vadd.f32 v12, v25;
	v41 =	vperm.xlane v10, v0;
	v9 =	vpop (erf)  }
0x1f3: {  	v35 =	vadd.f32 v11, v24;
	v24 =	vperm.xlane v9, v0;
	v18 =	vpop (erf);
	(erf) = vrcp.f32 v26  }
0x1f4: {  	v36 =	vperm.xlane v29, v1;
	v44 =	vperm.xlane v18, v0;
	v37 =	vadd.f32 v10, v41;
	v38 =	vpop (erf)  }
0x1f5: {  	v39 =	vperm.xlane v30, v1;
	v40 =	vadd.f32 v9, v24;
	v47 =	vperm.xlane v38, v0;
	v25 =	vpop (erf)  }
0x1f6: {  	v42 =	vperm.xlane v31, v1;
	v41 =	vadd.f32 v18, v44;
	v43 =	vperm.xlane v25, v0;
	v26 =	vpop (erf)  }
0x1f7: {  	v44 =	vperm.xlane v32, v1;
	v45 =	vadd.f32 v38, v47;
	v46 =	vperm.xlane v26, v0;
	v24 =	vpop (erf)  }
0x1f8: {  	v47 =	vperm.xlane v41, v1;
	v43 =	vadd.f32 v25, v43;
	v48 =	vperm.xlane v24, v0;
	v49 =	vpop (erf)  }
0x1f9: {  	v50 =	vperm.xlane v33, v1;
	v46 =	vadd.f32 v26, v46;
	v51 =	vperm.xlane v49, v0  }
0x1fa: {  	v52 =	vperm.xlane v34, v1;
	v53 =	vperm.xlane v35, v1;
	v48 =	vadd.f32 v24, v48  }
0x1fb: {  	v54 =	vperm.xlane v37, v1;
	v55 =	vperm.xlane v40, v1;
	v51 =	vadd.f32 v49, v51  }
0x1fc: {  	v41 =	vadd.f32 v41, v47;
	v47 =	vperm.xlane v45, v1;
	v56 =	vperm.xlane v43, v1;
	v57 =	vpop (erf)  }
0x1fd: {  	v29 =	vadd.f32 v29, v36;
	v36 =	vperm.xlane v46, v1;
	v28 =	vmul.f32 v57, v28  }
0x1fe: {  	v30 =	vadd.f32 v30, v39;
	v39 =	vperm.xlane v48, v1;
	v57 =	vperm.xlane v51, v1  }
0x1ff: {  	v31 =	vadd.f32 v31, v42;
	v32 =	vadd.f32 v32, v44;
	v58 =	vperm.xlane v41, v2;
	[tilespmem:s28+$0xF0] =	vst v28  }
0x200: {  	v33 =	vadd.f32 v33, v50;
	v34 =	vadd.f32 v34, v52;
	v28 =	vperm.xlane v29, v2  }
0x201: {  	v42 =	vperm.xlane v30, v2;
	v35 =	vadd.f32 v35, v53;
	v37 =	vadd.f32 v37, v54  }
0x202: {  	v44 =	vperm.xlane v31, v2;
	v40 =	vadd.f32 v40, v55;
	v45 =	vadd.f32 v45, v47  }
0x203: {  	v47 =	vperm.xlane v32, v2;
	v43 =	vadd.f32 v43, v56;
	v36 =	vadd.f32 v46, v36  }
0x204: {  	v46 =	vperm.xlane v33, v2;
	v39 =	vadd.f32 v48, v39;
	v48 =	vadd.f32 v51, v57  }
0x205: {  	v50 =	vperm.xlane v34, v2;
	v41 =	vadd.f32 v41, v58;
	v51 =	vperm.xlane v35, v2  }
0x206: {  	v52 =	vadd.f32 v29, v28;
	v28 =	vperm.xlane v37, v2;
	v29 =	vperm.xlane v40, v2  }
0x207: {  	v42 =	vadd.f32 v30, v42;
	v30 =	vperm.xlane v45, v2;
	v53 =	vperm.xlane v43, v2  }
0x208: {  	v44 =	vadd.f32 v31, v44;
	v54 =	vperm.xlane v36, v2;
	v55 =	vperm.xlane v39, v2  }
0x209: {  	v47 =	vadd.f32 v32, v47;
	v46 =	vadd.f32 v33, v46;
	v33 =	vperm.xlane v48, v2  }
0x20a: {  	v50 =	vadd.f32 v34, v50;
	v31 =	vadd.f32 v35, v51;
	(erf) = vrcp.f32 v23  }
0x20b: {  	v32 =	vadd.f32 v37, v28;
	v29 =	vadd.f32 v40, v29;
	(erf) = vrcp.f32 v21  }
0x20c: {  	v30 =	vadd.f32 v45, v30;
	v23 =	vadd.f32 v43, v53;
	(erf) = vrcp.f32 v22  }
.Ltmp1:
0x20d: {  	v28 =	vadd.f32 v36, v54;
	v22 =	vadd.f32 v39, v55;
	(erf) = vrcp.f32 v20;
	(pc) =	sbr.rel @p0 .LBB2_4-.Ltmp1, $4  }
0x20e: {  	v27 =	vmul.f32 v27, v7;
	v7 =	vmovc v38;
	v35 =	vadd.f32 $9.999999960e-13, v41;
	v20 =	vadd.f32 v48, v33  }
0x20f: {  	v36 =	vadd.f32 $9.999999960e-13, v52;
	v37 =	vmul.f32 v19, v3;
	v3 =	vmovc v8;
	v8 =	vmovc v49;
	v21 =	vadd.f32 $9.999999960e-13, v42  }
0x210: {  	v34 =	vadd.f32 $9.999999960e-13, v44;
	v33 =	vadd.f32 $9.999999960e-13, v47;
	(erf) = vrcp.f32 v35;
	[tilespmem:s25+$0xA0] =	vst v27  }
0x211: {  	v19 =	vadd.f32 $9.999999960e-13, v50;
	v27 =	vadd.f32 $9.999999960e-13, v46;
	(erf) = vrcp.f32 v36;
	[tilespmem:s24+$0xE0] =	vst v37;
	s24 =	smov.u32 s25;
	s25 =	smov.u32 s28;
	s28 =	sadd.s32 $0x100, s28  }
0x212: {  	(erf) = vrcp.f32 v21  }
0x213: {  	(erf) = vrcp.f32 v34  }
0x214: {  	v21 =	vadd.f32 $9.999999960e-13, v31;
	v31 =	vpop (erf);
	(erf) = vrcp.f32 v33  }
0x215: {  	v57 =	vpop (erf);
	v4 =	vmul.f32 v31, v4;
	(erf) = vrcp.f32 v27;
	v27 =	vadd.f32 $9.999999960e-13, v32  }
0x216: {  	v5 =	vmul.f32 v57, v5;
	(erf) = vrcp.f32 v19;
	v19 =	vadd.f32 $9.999999960e-13, v29;
	v29 =	vpop (erf)  }
0x217: {  	[tilespmem:s24+$0xB0] =	vst v4;
	(erf) = vrcp.f32 v21;
	v4 =	vmul.f32 v29, v6  }
0x218: {  	v21 =	vadd.f32 $9.999999960e-13, v30;
	v30 =	vpop (erf);
	(erf) = vrcp.f32 v27  }
0x219: {  	v6 =	vpop (erf);
	(erf) = vrcp.f32 v19  }
0x21a: {  	[tilespmem:s24+$0xC0] =	vst v5;
	v5 =	vpop (erf);
	(erf) = vrcp.f32 v21;
	v6 =	vmul.f32 v6, v18  }
0x21b: {  	v19 =	vadd.f32 $9.999999960e-13, v23;
	[tilespmem:s24+$0xD0] =	vst v4;
	v4 =	vpop (erf);
	v5 =	vmul.f32 v5, v17  }
0x21c: {  	v18 =	vadd.f32 $9.999999960e-13, v28;
	v21 =	vpop (erf);
	[tilespmem:s25+$0x0] =	vst v6;
	v4 =	vmul.f32 v4, v16;
	v6 =	vadd.f32 $9.999999960e-13, v20  }
0x21d: {  	v17 =	vadd.f32 $9.999999960e-13, v22;
	(erf) = vrcp.f32 v19;
	v16 =	vpop (erf);
	[tilespmem:s25+$0x10] =	vst v5;
	v5 =	vmul.f32 v21, v13  }
0x21e: {  	(erf) = vrcp.f32 v18;
	v13 =	vpop (erf);
	[tilespmem:s25+$0x20] =	vst v4;
	v4 =	vmul.f32 v16, v14  }
0x21f: {  	(erf) = vrcp.f32 v17;
	v14 =	vpop (erf);
	[tilespmem:s25+$0x30] =	vst v5;
	v5 =	vmul.f32 v13, v15  }
0x220: {  	(erf) = vrcp.f32 v6;
	v6 =	vpop (erf);
	[tilespmem:s25+$0x40] =	vst v4;
	v4 =	vmul.f32 v14, v12  }
0x221: {  	v12 =	vpop (erf);
	[tilespmem:s25+$0x50] =	vst v5;
	v5 =	vmul.f32 v6, v11  }
0x222: {  	v6 =	vpop (erf);
	[tilespmem:s25+$0x60] =	vst v4;
	v4 =	vmul.f32 v12, v10  }
0x223: {  	v10 =	vpop (erf);
	[tilespmem:s25+$0x70] =	vst v5;
	v5 =	vmul.f32 v6, v9  }
0x224: {  	[tilespmem:s25+$0x80] =	vst v4;
	v4 =	vmul.f32 v10, v7  }
0x225: {  	v3 =	vmul.f32 v30, v3;
	_ =	sdelay $0x1  }
0x226: {  	[tilespmem:s25+$0x90] =	vst v5;
	v5 =	vpop (erf)  }
0x227: {  	[tilespmem:s25+$0xA0] =	vst v4;
	v4 =	vpop (erf);
	v5 =	vmul.f32 v5, v25  }
0x228: {  	[tilespmem:s24+$0xE0] =	vst v3;
	v3 =	vpop (erf);
	v4 =	vmul.f32 v4, v26  }
0x229: {  	v6 =	vpop (erf);
	[tilespmem:s25+$0xB0] =	vst v5;
	v3 =	vmul.f32 v3, v24  }
0x22a: {  	[tilespmem:s25+$0xC0] =	vst v4;
	v4 =	vmul.f32 v6, v8  }
0x22b: {  	[tilespmem:s25+$0xD0] =	vst v3  }
0x22c: {  	[tilespmem:s25+$0xE0] =	vst v4  }
0x22d: {  	[hbm4b:s9+s3] =	stream.linear.scatter [tilespmem:s18], [sflag:$0x2], $0x4000, $0x38;
	[tilespmem:$0x10200] =	vst v63  }
0x22e: {  	_ =	swait.ge [sflag:s21], $0x4000  }
0x22f: {  	[sflag:s21] =	ssyncset.done $0x0  }
0x230: {  	s24 =	simm.s32 $0x8200;
	[sflag:s21] =	ssyncadd.s32 $0xFFFFC000  }
0x231: {  	v3 =	vld [tilespmem:s24+$0xF0]  }
0x232: {  	v4 =	vld [tilespmem:s24+$0x10]  }
0x233: {  	v5 =	vld [tilespmem:s24+$0x20]  }
0x234: {  	v6 =	vld [tilespmem:s24+$0x30]  }
0x235: {  	v8 =	vld [tilespmem:s24+$0x50]  }
0x236: {  	v7 =	vld [tilespmem:s24+$0x40]  }
0x237: {  	v9 =	vld [tilespmem:s24+$0x60];
	v3 =	vsub.f32 $0.0e+00, v3  }
0x238: {  	v10 =	vld [tilespmem:s24+$0x70];
	v4 =	vsub.f32 $0.0e+00, v4  }
0x239: {  	v11 =	vld [tilespmem:s24+$0x80];
	v5 =	vsub.f32 $0.0e+00, v5;
	v3 =	vmul.f32 $1.442695020e+00, v3  }
0x23a: {  	v6 =	vsub.f32 $0.0e+00, v6;
	v8 =	vsub.f32 $0.0e+00, v8;
	v4 =	vmul.f32 $1.442695020e+00, v4  }
0x23b: {  	(erf) = vpow2.f32 v3;
	v3 =	vmul.f32 $1.442695020e+00, v5;
	v5 =	vsub.f32 $0.0e+00, v7  }
0x23c: {  	v6 =	vmul.f32 $1.442695020e+00, v6;
	v8 =	vmul.f32 $1.442695020e+00, v8;
	v7 =	vld [tilespmem:s24+$0x90]  }
0x23d: {  	v12 =	vld [tilespmem:s24+$0xA0];
	(erf) = vpow2.f32 v4;
	v4 =	vmul.f32 $1.442695020e+00, v5;
	v5 =	vsub.f32 $0.0e+00, v9  }
0x23e: {  	(erf) = vpow2.f32 v3;
	v9 =	vsub.f32 $0.0e+00, v10;
	v10 =	vsub.f32 $0.0e+00, v11  }
0x23f: {  	v3 =	vld [tilespmem:s24+$0xB0];
	(erf) = vpow2.f32 v6;
	v5 =	vmul.f32 $1.442695020e+00, v5  }
0x240: {  	v6 =	vld [tilespmem:s24+$0xC0];
	(erf) = vpow2.f32 v4;
	v10 =	vmul.f32 $1.442695020e+00, v10  }
0x241: {  	v4 =	vmul.f32 $1.442695020e+00, v9;
	v9 =	vld [tilespmem:s24+$0xD0];
	v7 =	vsub.f32 $0.0e+00, v7;
	(erf) = vpow2.f32 v8  }
0x242: {  	v11 =	vsub.f32 $0.0e+00, v12;
	v8 =	vld [tilespmem:s24+$0x0];
	(erf) = vpow2.f32 v5  }
0x243: {  	v7 =	vmul.f32 $1.442695020e+00, v7;
	(erf) = vpow2.f32 v4  }
0x244: {  	v5 =	vld [tilespmem:s24+$0xE0];
	v3 =	vsub.f32 $0.0e+00, v3;
	v4 =	vmul.f32 $1.442695020e+00, v11;
	(erf) = vpow2.f32 v10;
	v10 =	vpop (erf)  }
0x245: {  	v6 =	vsub.f32 $0.0e+00, v6;
	(erf) = vpow2.f32 v7;
	v7 =	vadd.f32 $1.000000000e+00, v10  }
0x246: {  	v10 =	vpop (erf);
	(erf) = vpow2.f32 v4;
	v4 =	vsub.f32 $0.0e+00, v9  }
0x247: {  	v3 =	vmul.f32 $1.442695020e+00, v3;
	v8 =	vsub.f32 $0.0e+00, v8;
	v6 =	vmul.f32 $1.442695020e+00, v6  }
0x248: {  	v9 =	vpop (erf);
	(erf) = vrcp.f32 v7  }
0x249: {  	v5 =	vsub.f32 $0.0e+00, v5;
	v8 =	vmul.f32 $1.442695020e+00, v8;
	v7 =	vpop (erf);
	(erf) = vpow2.f32 v3  }
0x24a: {  	v3 =	vmul.f32 $1.442695020e+00, v4;
	v4 =	vpop (erf);
	(erf) = vpow2.f32 v6  }
0x24b: {  	v5 =	vmul.f32 $1.442695020e+00, v5;
	v6 =	vpop (erf);
	(erf) = vpow2.f32 v8  }
0x24c: {  	v8 =	vadd.f32 $1.000000000e+00, v10;
	v10 =	vpop (erf);
	(erf) = vpow2.f32 v3  }
0x24d: {  	v3 =	vadd.f32 $1.000000000e+00, v9;
	v9 =	vpop (erf);
	(erf) = vpow2.f32 v5;
	v5 =	vadd.f32 $1.000000000e+00, v7  }
0x24e: {  	v7 =	vpop (erf);
	(erf) = vrcp.f32 v8  }
0x24f: {  	(erf) = vrcp.f32 v3;
	v3 =	vadd.f32 $1.000000000e+00, v6  }
0x250: {  	v4 =	vadd.f32 $1.000000000e+00, v4;
	v8 =	vpop (erf);
	v6 =	vadd.f32 $1.000000000e+00, v10  }
0x251: {  	(erf) = vrcp.f32 v5;
	v5 =	vpop (erf)  }
0x252: {  	v7 =	vadd.f32 $1.000000000e+00, v7;
	v8 =	vadd.f32 $1.000000000e+00, v8;
	(erf) = vrcp.f32 v4;
	v17 =	vpop (erf)  }
0x253: {  	v4 =	vadd.f32 $1.000000000e+00, v9;
	(erf) = vrcp.f32 v3;
	v9 =	vperm.xlane v17, v0;
	v3 =	vpop (erf)  }
0x254: {  	(erf) = vrcp.f32 v6;
	v6 =	vpop (erf)  }
0x255: {  	(erf) = vrcp.f32 v4;
	v9 =	vadd.f32 v17, v9;
	v10 =	vpop (erf)  }
0x256: {  	(erf) = vrcp.f32 v7;
	v4 =	vadd.f32 $1.000000000e+00, v10;
	v7 =	vpop (erf)  }
0x257: {  	v5 =	vadd.f32 $1.000000000e+00, v5;
	(erf) = vrcp.f32 v8;
	v10 =	vperm.xlane v9, v1;
	v8 =	vpop (erf)  }
0x258: {  	v3 =	vadd.f32 $1.000000000e+00, v3;
	v7 =	vadd.f32 $1.000000000e+00, v7;
	(erf) = vrcp.f32 v4;
	v13 =	vpop (erf)  }
0x259: {  	v4 =	vadd.f32 $1.000000000e+00, v6;
	v6 =	vperm.xlane v13, v0;
	v9 =	vadd.f32 v9, v10;
	v15 =	vpop (erf)  }
0x25a: {  	(erf) = vrcp.f32 v5;
	v10 =	vadd.f32 $1.000000000e+00, v8;
	v5 =	vperm.xlane v15, v0  }
0x25b: {  	v14 =	vpop (erf);
	(erf) = vrcp.f32 v3;
	v3 =	vperm.xlane v9, v2;
	v18 =	vadd.f32 v13, v6  }
0x25c: {  	v11 =	vpop (erf);
	(erf) = vrcp.f32 v4;
	v4 =	vperm.xlane v14, v0;
	v21 =	vadd.f32 v15, v5  }
0x25d: {  	v12 =	vpop (erf);
	(erf) = vrcp.f32 v7;
	v5 =	vperm.xlane v11, v0;
	v3 =	vadd.f32 v9, v3  }
0x25e: {  	v8 =	vpop (erf);
	(erf) = vrcp.f32 v10;
	v6 =	vperm.xlane v12, v0;
	v22 =	vadd.f32 v14, v4  }
0x25f: {  	v20 =	vperm.xlane v18, v1;
	v9 =	vpop (erf);
	v4 =	vperm.xlane v8, v0;
	v23 =	vadd.f32 v11, v5  }
0x260: {  	v28 =	vperm.xlane v21, v1;
	v5 =	vperm.xlane v9, v0;
	v3 =	vadd.f32 $9.999999960e-13, v3  }
0x261: {  	v10 =	vpop (erf);
	v24 =	vadd.f32 v12, v6;
	v31 =	vperm.xlane v22, v1;
	v18 =	vadd.f32 v18, v20  }
0x262: {  	v7 =	vpop (erf);
	v25 =	vadd.f32 v8, v4;
	v4 =	vperm.xlane v10, v0;
	v59 =	vperm.xlane v23, v1  }
0x263: {  	v21 =	vadd.f32 v21, v28;
	v6 =	vperm.xlane v7, v0;
	v26 =	vadd.f32 v9, v5  }
0x264: {  	v16 =	vpop (erf);
	(erf) = vrcp.f32 v3;
	v38 =	vperm.xlane v24, v1;
	v22 =	vadd.f32 v22, v31  }
0x265: {  	v31 =	vperm.xlane v18, v2;
	v3 =	vperm.xlane v16, v0;
	v27 =	vadd.f32 v10, v4  }
0x266: {  	v19 =	vpop (erf);
	v40 =	vperm.xlane v25, v1;
	v23 =	vadd.f32 v23, v59;
	v63 =	vperm.xlane v21, v2  }
0x267: {  	v29 =	vperm.xlane v19, v0;
	v58 =	vadd.f32 v7, v6;
	v41 =	vperm.xlane v26, v1  }
0x268: {  	v24 =	vadd.f32 v24, v38;
	v48 =	vperm.xlane v22, v2;
	v18 =	vadd.f32 v18, v31  }
0x269: {  	v4 =	vpop (erf);
	v30 =	vadd.f32 v16, v3;
	v42 =	vperm.xlane v27, v1;
	v25 =	vadd.f32 v25, v40  }
0x26a: {  	v49 =	vperm.xlane v23, v2;
	v21 =	vadd.f32 v21, v63;
	v3 =	vperm.xlane v4, v0  }
0x26b: {  	v29 =	vadd.f32 v19, v29;
	v43 =	vperm.xlane v58, v1;
	v26 =	vadd.f32 v26, v41  }
0x26c: {  	v5 =	vpop (erf);
	v50 =	vperm.xlane v24, v2;
	v22 =	vadd.f32 v22, v48;
	v18 =	vadd.f32 $9.999999960e-13, v18  }
0x26d: {  	v60 =	vperm.xlane v5, v0;
	v35 =	vperm.xlane v30, v1;
	v27 =	vadd.f32 v27, v42  }
0x26e: {  	v6 =	vpop (erf);
	v51 =	vperm.xlane v25, v2;
	v23 =	vadd.f32 v23, v49;
	v21 =	vadd.f32 $9.999999960e-13, v21  }
0x26f: {  	v36 =	vadd.f32 v4, v3;
	v37 =	vperm.xlane v6, v0;
	v30 =	vadd.f32 v30, v35  }
0x270: {  	v44 =	vperm.xlane v29, v1;
	v32 =	vadd.f32 v58, v43;
	v52 =	vperm.xlane v26, v2  }
0x271: {  	s25 =	simm.s32 $0x8300;
	v24 =	vadd.f32 v24, v50;
	v22 =	vadd.f32 $9.999999960e-13, v22;
	v62 =	vperm.xlane v30, v2  }
0x272: {  	v58 =	vld [tilespmem:s25+$0xA0];
	v34 =	vadd.f32 v5, v60;
	v31 =	vperm.xlane v27, v2;
	v23 =	vadd.f32 $9.999999960e-13, v23  }
0x273: {  	v3 =	vpop (erf);
	v37 =	vadd.f32 v6, v37;
	v61 =	vperm.xlane v36, v1;
	v30 =	vadd.f32 v30, v62  }
0x274: {  	v29 =	vadd.f32 v29, v44;
	v53 =	vperm.xlane v32, v2;
	v39 =	vperm.xlane v3, v0  }
0x275: {  	v24 =	vadd.f32 $9.999999960e-13, v24;
	v45 =	vpop (erf);
	v46 =	vperm.xlane v34, v1;
	v30 =	vadd.f32 $9.999999960e-13, v30  }
0x276: {  	v20 =	vmul.f32 v45, v17;
	v17 =	vperm.xlane v37, v1;
	v39 =	vadd.f32 v3, v39  }
0x277: {  	v54 =	vperm.xlane v29, v2;
	v60 =	vsub.f32 $0.0e+00, v58;
	(erf) = vrcp.f32 v30  }
0x278: {  	v28 =	vperm.xlane v39, v1;
	(erf) = vrcp.f32 v18;
	v18 =	vadd.f32 v25, v51;
	v25 =	vld [tilespmem:s25+$0xF0]  }
0x279: {  	v35 =	vmul.f32 $1.442695020e+00, v60;
	(erf) = vrcp.f32 v21;
	v21 =	vadd.f32 v26, v52  }
0x27a: {  	v26 =	vld [tilespmem:s25+$0x10];
	(erf) = vrcp.f32 v22;
	v22 =	vadd.f32 v27, v31;
	v18 =	vadd.f32 $9.999999960e-13, v18  }
0x27b: {  	v27 =	vld [tilespmem:s25+$0x20];
	(erf) = vrcp.f32 v23;
	v23 =	vadd.f32 v32, v53;
	v21 =	vadd.f32 $9.999999960e-13, v21  }
0x27c: {  	(erf) = vrcp.f32 v24;
	v24 =	vadd.f32 v29, v54;
	v22 =	vadd.f32 $9.999999960e-13, v22;
	v29 =	vld [tilespmem:s25+$0x30]  }
0x27d: {  	(erf) = vrcp.f32 v18;
	v18 =	vadd.f32 $9.999999960e-13, v23;
	v23 =	vld [tilespmem:s25+$0x40];
	v25 =	vsub.f32 $0.0e+00, v25  }
0x27e: {  	v30 =	vadd.f32 v36, v61;
	(erf) = vrcp.f32 v21;
	v21 =	vadd.f32 $9.999999960e-13, v24;
	v24 =	vld [tilespmem:s25+$0x50]  }
0x27f: {  	(erf) = vrcp.f32 v22;
	v22 =	vsub.f32 $0.0e+00, v26;
	v26 =	vld [tilespmem:s25+$0x60];
	v25 =	vmul.f32 $1.442695020e+00, v25  }
0x280: {  	v55 =	vld [tilespmem:s25+$0x70];
	v28 =	vadd.f32 v39, v28;
	v27 =	vsub.f32 $0.0e+00, v27;
	(erf) = vrcp.f32 v18  }
0x281: {  	v31 =	vpop (erf);
	(erf) = vrcp.f32 v21;
	v21 =	vmul.f32 $1.442695020e+00, v22;
	v22 =	vsub.f32 $0.0e+00, v29;
	v29 =	vld [tilespmem:s25+$0x80]  }
0x282: {  	v59 =	vld [tilespmem:s25+$0xC0];
	v56 =	vperm.xlane v30, v2;
	v33 =	vpop (erf);
	v27 =	vmul.f32 $1.442695020e+00, v27;
	v23 =	vsub.f32 $0.0e+00, v23  }
0x283: {  	(erf) = vpow2.f32 v25;
	v25 =	vpop (erf);
	v22 =	vmul.f32 $1.442695020e+00, v22;
	v24 =	vsub.f32 $0.0e+00, v24  }
0x284: {  	v57 =	vld [tilespmem:s25+$0x90];
	(erf) = vpow2.f32 v21;
	v36 =	vpop (erf);
	v21 =	vmul.f32 $1.442695020e+00, v23;
	v23 =	vsub.f32 $0.0e+00, v26  }
0x285: {  	(erf) = vpow2.f32 v27;
	v27 =	vsub.f32 $0.0e+00, v55;
	v40 =	vpop (erf);
	v24 =	vmul.f32 $1.442695020e+00, v24  }
0x286: {  	v63 =	vld [tilespmem:s25+$0xE0];
	(erf) = vpow2.f32 v22;
	v26 =	vpop (erf);
	v22 =	vmul.f32 $1.442695020e+00, v23;
	v23 =	vsub.f32 $0.0e+00, v29  }
0x287: {  	v32 =	vsub.f32 $0.0e+00, v59;
	(erf) = vpow2.f32 v21;
	v29 =	vld [tilespmem:s25+$0xB0];
	v21 =	vmul.f32 $1.442695020e+00, v27;
	v41 =	vpop (erf)  }
0x288: {  	v49 =	vperm.xlane v28, v2;
	v18 =	vadd.f32 v34, v46;
	v42 =	vpop (erf);
	v23 =	vmul.f32 $1.442695020e+00, v23  }
0x289: {  	v61 =	vld [tilespmem:s25+$0xD0];
	v32 =	vmul.f32 $1.442695020e+00, v32;
	v27 =	vsub.f32 $0.0e+00, v57;
	(erf) = vpow2.f32 v24;
	v24 =	vpop (erf)  }
0x28a: {  	v17 =	vadd.f32 v37, v17;
	v62 =	vperm.xlane v18, v2;
	(erf) = vpow2.f32 v22;
	v22 =	vld [tilespmem:s25+$0x0];
	v38 =	vpop (erf)  }
0x28b: {  	v53 =	vsub.f32 $0.0e+00, v63;
	v27 =	vmul.f32 $1.442695020e+00, v27;
	(erf) = vpow2.f32 v21;
	v21 =	vpop (erf)  }
0x28c: {  	v34 =	vmul.f32 v41, v8;
	(erf) = vpow2.f32 v23;
	v29 =	vsub.f32 $0.0e+00, v29;
	v23 =	vpop (erf)  }
0x28d: {  	(erf) = vpow2.f32 v27;
	v27 =	vperm.xlane v17, v2;
	v23 =	vadd.f32 $1.000000000e+00, v23  }
0x28e: {  	v51 =	vsub.f32 $0.0e+00, v61;
	v48 =	vpop (erf);
	(erf) = vpow2.f32 v35;
	v29 =	vmul.f32 $1.442695020e+00, v29  }
0x28f: {  	v19 =	vmul.f32 v21, v19;
	v22 =	vsub.f32 $0.0e+00, v22;
	v50 =	vpop (erf);
	(erf) = vrcp.f32 v23  }
0x290: {  	v54 =	vadd.f32 v17, v27;
	v17 =	vmul.f32 $1.442695020e+00, v51;
	v23 =	vadd.f32 v30, v56;
	v30 =	vpop (erf)  }
0x291: {  	v18 =	vadd.f32 v18, v62;
	v22 =	vmul.f32 $1.442695020e+00, v22;
	v52 =	vpop (erf);
	(erf) = vpow2.f32 v29  }
0x292: {  	v35 =	vmul.f32 v42, v9;
	v27 =	vadd.f32 v28, v49;
	v29 =	vpop (erf);
	(erf) = vpow2.f32 v32  }
0x293: {  	v28 =	vmul.f32 $1.442695020e+00, v53;
	v57 =	vadd.f32 $1.000000000e+00, v48;
	v55 =	vpop (erf);
	(erf) = vpow2.f32 v22  }
0x294: {  	v32 =	vmul.f32 v40, v11;
	v22 =	vadd.f32 $9.999999960e-13, v23;
	v56 =	vpop (erf);
	(erf) = vpow2.f32 v17  }
0x295: {  	v23 =	vadd.f32 $9.999999960e-13, v18;
	v18 =	vadd.f32 $1.000000000e+00, v50;
	v17 =	vpop (erf);
	(erf) = vpow2.f32 v28  }
0x296: {  	v60 =	vadd.f32 $1.000000000e+00, v29;
	v29 =	vmul.f32 v25, v15;
	v58 =	vpop (erf);
	(erf) = vrcp.f32 v57  }
0x297: {  	v30 =	vadd.f32 $1.000000000e+00, v30;
	v28 =	vmul.f32 v31, v16;
	v31 =	vmul.f32 v36, v14;
	v59 =	vpop (erf)  }
0x298: {  	v37 =	vadd.f32 $1.000000000e+00, v52;
	v36 =	vmul.f32 v24, v10;
	(erf) = vrcp.f32 v18;
	v45 =	vpop (erf)  }
0x299: {  	v16 =	vadd.f32 $1.000000000e+00, v55;
	(erf) = vrcp.f32 v30;
	v18 =	vperm.xlane v45, v0  }
0x29a: {  	v17 =	vadd.f32 $1.000000000e+00, v17;
	v30 =	vmul.f32 v33, v13;
	(erf) = vrcp.f32 v37;
	v15 =	vpop (erf)  }
0x29b: {  	v13 =	vadd.f32 $1.000000000e+00, v56;
	(erf) = vrcp.f32 v60;
	v14 =	vpop (erf);
	v18 =	vadd.f32 v45, v18  }
0x29c: {  	v27 =	vadd.f32 $9.999999960e-13, v27;
	v33 =	vmul.f32 v26, v12;
	(erf) = vrcp.f32 v16;
	v25 =	vpop (erf)  }
0x29d: {  	(erf) = vrcp.f32 v13;
	v11 =	vadd.f32 $1.000000000e+00, v25;
	v25 =	vpop (erf);
	v13 =	vperm.xlane v18, v1  }
0x29e: {  	v37 =	vmul.f32 v38, v7;
	v38 =	vadd.f32 $9.999999960e-13, v54;
	v16 =	vadd.f32 $1.000000000e+00, v58;
	v12 =	vpop (erf)  }
0x29f: {  	(erf) = vrcp.f32 v17;
	v17 =	vpop (erf);
	v18 =	vadd.f32 v18, v13;
	v13 =	vadd.f32 $1.000000000e+00, v59  }
0x2a0: {  	v8 =	vadd.f32 $1.000000000e+00, v15;
	(erf) = vrcp.f32 v16;
	v7 =	vperm.xlane v17, v0  }
0x2a1: {  	v10 =	vadd.f32 $1.000000000e+00, v25;
	(erf) = vrcp.f32 v11;
	v9 =	vperm.xlane v18, v2  }
0x2a2: {  	v11 =	vadd.f32 $1.000000000e+00, v14;
	v16 =	vpop (erf);
	(erf) = vrcp.f32 v13;
	v61 =	vadd.f32 v17, v7  }
0x2a3: {  	v13 =	vpop (erf);
	(erf) = vrcp.f32 v8;
	v8 =	vadd.f32 v18, v9;
	v18 =	vperm.xlane v16, v0  }
0x2a4: {  	v9 =	vadd.f32 $1.000000000e+00, v12;
	v48 =	vperm.xlane v61, v1;
	v14 =	vpop (erf);
	(erf) = vrcp.f32 v11  }
0x2a5: {  	v7 =	vperm.xlane v13, v0;
	v15 =	vpop (erf);
	(erf) = vrcp.f32 v10;
	v8 =	vadd.f32 $9.999999960e-13, v8  }
0x2a6: {  	v62 =	vadd.f32 v16, v18;
	v12 =	vpop (erf);
	(erf) = vrcp.f32 v9;
	v24 =	vperm.xlane v15, v0  }
0x2a7: {  	v63 =	vadd.f32 v13, v7;
	v11 =	vpop (erf);
	(erf) = vrcp.f32 v8;
	v8 =	vperm.xlane v14, v0  }
0x2a8: {  	v39 =	vadd.f32 v61, v48;
	v7 =	vperm.xlane v12, v0;
	v51 =	vperm.xlane v62, v1  }
0x2a9: {  	v10 =	vpop (erf);
	v25 =	vperm.xlane v11, v0;
	v43 =	vadd.f32 v15, v24;
	v54 =	vperm.xlane v63, v1  }
0x2aa: {  	v9 =	vpop (erf);
	v42 =	vadd.f32 v14, v8;
	v44 =	vadd.f32 v12, v7;
	v24 =	vperm.xlane v10, v0  }
0x2ab: {  	v40 =	vadd.f32 v62, v51;
	v18 =	vpop (erf);
	v46 =	vadd.f32 v11, v25;
	v47 =	vperm.xlane v9, v0  }
0x2ac: {  	v61 =	vperm.xlane v43, v1;
	v41 =	vadd.f32 v63, v54;
	v8 =	vperm.xlane v18, v0  }
0x2ad: {  	v7 =	vpop (erf);
	v50 =	vadd.f32 v10, v24;
	v55 =	vperm.xlane v42, v1;
	v63 =	vperm.xlane v44, v1  }
0x2ae: {  	v25 =	vpop (erf);
	v47 =	vadd.f32 v9, v47;
	v58 =	vperm.xlane v46, v1;
	v43 =	vadd.f32 v43, v61  }
0x2af: {  	v49 =	vadd.f32 v18, v8;
	v8 =	vperm.xlane v7, v0;
	v26 =	vpop (erf);
	v52 =	vperm.xlane v25, v0  }
0x2b0: {  	v42 =	vadd.f32 v42, v55;
	v44 =	vadd.f32 v44, v63;
	v57 =	vperm.xlane v26, v0  }
0x2b1: {  	v24 =	vpop (erf);
	v46 =	vadd.f32 v46, v58;
	v53 =	vperm.xlane v49, v1;
	v56 =	vadd.f32 v7, v8  }
0x2b2: {  	[tilespmem:s24+$0xF0] =	vst v20;
	v52 =	vadd.f32 v25, v52;
	v60 =	vperm.xlane v24, v0;
	v20 =	vperm.xlane v42, v2  }
0x2b3: {  	[tilespmem:s24+$0x0] =	vst v28;
	v28 =	vperm.xlane v44, v2;
	v57 =	vadd.f32 v26, v57;
	v49 =	vadd.f32 v49, v53  }
0x2b4: {  	v8 =	vpop (erf);
	v48 =	vadd.f32 v24, v60;
	v60 =	vperm.xlane v47, v1;
	v61 =	vperm.xlane v56, v1  }
0x2b5: {  	v53 =	vperm.xlane v46, v2;
	v42 =	vadd.f32 v42, v20;
	v62 =	vperm.xlane v8, v0  }
0x2b6: {  	v44 =	vadd.f32 v44, v28;
	v59 =	vpop (erf);
	v63 =	vperm.xlane v57, v1;
	(erf) = vrcp.f32 v22  }
0x2b7: {  	[tilespmem:s24+$0xA0] =	vst v19;
	v45 =	vmul.f32 v59, v45;
	v59 =	vperm.xlane v50, v1;
	v47 =	vadd.f32 v47, v60  }
0x2b8: {  	[tilespmem:s24+$0x30] =	vst v31;
	v55 =	vadd.f32 v56, v61;
	v60 =	vperm.xlane v48, v1;
	v31 =	vadd.f32 v46, v53  }
0x2b9: {  	[tilespmem:s24+$0x50] =	vst v33;
	(erf) = vrcp.f32 v23;
	v33 =	vadd.f32 $9.999999960e-13, v42;
	v19 =	vadd.f32 $9.999999960e-13, v44  }
0x2ba: {  	v51 =	vadd.f32 v8, v62;
	v62 =	vperm.xlane v52, v1;
	v54 =	vadd.f32 v57, v63  }
0x2bb: {  	v63 =	vperm.xlane v39, v2;
	(erf) = vrcp.f32 v38;
	v50 =	vadd.f32 v50, v59  }
0x2bc: {  	v48 =	vadd.f32 v48, v60;
	v60 =	vperm.xlane v40, v2;
	v57 =	vperm.xlane v47, v2  }
0x2bd: {  	v58 =	vperm.xlane v55, v2;
	(erf) = vrcp.f32 v27;
	v52 =	vadd.f32 v52, v62  }
0x2be: {  	v61 =	vperm.xlane v51, v1;
	v62 =	vperm.xlane v49, v2;
	v39 =	vadd.f32 v39, v63  }
0x2bf: {  	[tilespmem:s24+$0x10] =	vst v30;
	v59 =	vperm.xlane v54, v2;
	v40 =	vadd.f32 v40, v60;
	v30 =	vperm.xlane v50, v2  }
0x2c0: {  	[tilespmem:s24+$0x20] =	vst v29;
	v56 =	vperm.xlane v48, v2;
	v29 =	vadd.f32 v47, v57;
	v51 =	vadd.f32 v51, v61  }
0x2c1: {  	v49 =	vadd.f32 v49, v62;
	v61 =	vperm.xlane v41, v2;
	v28 =	vadd.f32 v54, v59  }
0x2c2: {  	[tilespmem:s24+$0x40] =	vst v32;
	v62 =	vperm.xlane v43, v2;
	v63 =	vadd.f32 $9.999999960e-13, v39;
	v32 =	vadd.f32 v50, v30  }
0x2c3: {  	[tilespmem:s24+$0x60] =	vst v34;
	v20 =	vperm.xlane v52, v2;
	v30 =	vadd.f32 v55, v58;
	v22 =	vadd.f32 v48, v56  }
0x2c4: {  	[tilespmem:s24+$0x70] =	vst v35;
	v21 =	vadd.f32 $9.999999960e-13, v40;
	v60 =	vperm.xlane v51, v2;
	v27 =	vadd.f32 $9.999999960e-13, v49  }
0x2c5: {  	[tilespmem:s24+$0x80] =	vst v36;
	v41 =	vadd.f32 v41, v61;
	v43 =	vadd.f32 v43, v62  }
0x2c6: {  	[tilespmem:s24+$0x90] =	vst v37;
	v23 =	vadd.f32 v52, v20;
	v20 =	vadd.f32 v51, v60;
	(erf) = vrcp.f32 v27  }
0x2c7: {  	s26 =	simm.s32 $0x102;
	s28 =	simm.s32 $0x8400;
	[tilespmem:s25+$0xF0] =	vst v45;
	v34 =	vadd.f32 $9.999999960e-13, v41;
	v27 =	vadd.f32 $9.999999960e-13, v43;
	(erf) = vrcp.f32 v63  }
.LBB2_6:
0x2c8: {  	v35 =	vld [tilespmem:s28+$0xF0];
	s26 =	sadd.s32 $0x2, s26;
	v31 =	vadd.f32 $9.999999960e-13, v31;
	v32 =	vadd.f32 $9.999999960e-13, v32;
	(erf) = vrcp.f32 v21  }
0x2c9: {  	v29 =	vadd.f32 $9.999999960e-13, v29;
	v30 =	vadd.f32 $9.999999960e-13, v30;
	v36 =	vld [tilespmem:s28+$0x10];
	p0 =	slt.u32 s26, $0x17E;
	(erf) = vrcp.f32 v34;
	v34 =	vpop (erf)  }
0x2ca: {  	v23 =	vadd.f32 $9.999999960e-13, v23;
	v21 =	vadd.f32 $9.999999960e-13, v28;
	v37 =	vld [tilespmem:s28+$0x20];
	(erf) = vrcp.f32 v33;
	v28 =	vpop (erf)  }
0x2cb: {  	v22 =	vadd.f32 $9.999999960e-13, v22;
	v20 =	vadd.f32 $9.999999960e-13, v20;
	v33 =	vld [tilespmem:s28+$0x30];
	(erf) = vrcp.f32 v27;
	v27 =	vpop (erf)  }
0x2cc: {  	v34 =	vmul.f32 v34, v4;
	v4 =	vmov v25;
	v38 =	vld [tilespmem:s28+$0x40];
	(erf) = vrcp.f32 v19;
	v19 =	vpop (erf)  }
0x2cd: {  	v28 =	vmul.f32 v28, v5;
	v5 =	vmovc v26;
	v25 =	vld [tilespmem:s28+$0x50];
	v39 =	vsub.f32 $0.0e+00, v35;
	(erf) = vrcp.f32 v31  }
0x2ce: {  	v27 =	vmul.f32 v27, v6;
	v6 =	vmovc v24;
	v26 =	vsub.f32 $0.0e+00, v36;
	v31 =	vld [tilespmem:s28+$0x60];
	(erf) = vrcp.f32 v32;
	[tilespmem:s24+$0xB0] =	vst v34  }
0x2cf: {  	v24 =	vsub.f32 $0.0e+00, v37;
	v32 =	vld [tilespmem:s28+$0x70];
	v36 =	vmul.f32 $1.442695020e+00, v39;
	v35 =	vpop (erf);
	(erf) = vrcp.f32 v29;
	[tilespmem:s24+$0xC0] =	vst v28  }
0x2d0: {  	v37 =	vmul.f32 $1.442695020e+00, v26;
	v28 =	vsub.f32 $0.0e+00, v33;
	v29 =	vld [tilespmem:s28+$0x80];
	v33 =	vpop (erf);
	(erf) = vrcp.f32 v30;
	[tilespmem:s24+$0xD0] =	vst v27  }
0x2d1: {  	v39 =	vmul.f32 $1.442695020e+00, v24;
	v27 =	vsub.f32 $0.0e+00, v38;
	v30 =	vld [tilespmem:s28+$0x90];
	(erf) = vpow2.f32 v36;
	v34 =	vpop (erf)  }
0x2d2: {  	v43 =	vmul.f32 $1.442695020e+00, v28;
	v25 =	vsub.f32 $0.0e+00, v25;
	v36 =	vld [tilespmem:s28+$0xA0];
	(erf) = vpow2.f32 v37;
	v26 =	vpop (erf)  }
0x2d3: {  	v27 =	vmul.f32 $1.442695020e+00, v27;
	v31 =	vsub.f32 $0.0e+00, v31;
	v37 =	vld [tilespmem:s28+$0xB0];
	(erf) = vpow2.f32 v39;
	v24 =	vpop (erf)  }
0x2d4: {  	v41 =	vmul.f32 $1.442695020e+00, v25;
	v32 =	vsub.f32 $0.0e+00, v32;
	v38 =	vld [tilespmem:s28+$0xC0];
	(erf) = vpow2.f32 v43;
	v28 =	vpop (erf)  }
0x2d5: {  	v45 =	vmul.f32 $1.442695020e+00, v31;
	v29 =	vsub.f32 $0.0e+00, v29;
	v39 =	vld [tilespmem:s28+$0xD0];
	(erf) = vpow2.f32 v27;
	v40 =	vpop (erf)  }
0x2d6: {  	v43 =	vmul.f32 $1.442695020e+00, v32;
	v30 =	vsub.f32 $0.0e+00, v30;
	v32 =	vld [tilespmem:s28+$0xE0];
	(erf) = vpow2.f32 v41;
	v25 =	vpop (erf)  }
0x2d7: {  	v41 =	vld [tilespmem:s28+$0x0];
	v29 =	vmul.f32 $1.442695020e+00, v29;
	v36 =	vsub.f32 $0.0e+00, v36;
	(erf) = vpow2.f32 v45;
	v31 =	vpop (erf)  }
0x2d8: {  	v44 =	vmul.f32 $1.442695020e+00, v30;
	v37 =	vsub.f32 $0.0e+00, v37;
	(erf) = vpow2.f32 v43;
	v42 =	vpop (erf)  }
0x2d9: {  	v36 =	vmul.f32 $1.442695020e+00, v36;
	v38 =	vsub.f32 $0.0e+00, v38;
	(erf) = vpow2.f32 v29;
	v27 =	vpop (erf)  }
0x2da: {  	v29 =	vmul.f32 $1.442695020e+00, v37;
	v37 =	vsub.f32 $0.0e+00, v39;
	(erf) = vpow2.f32 v44;
	v30 =	vpop (erf)  }
0x2db: {  	v38 =	vmul.f32 $1.442695020e+00, v38;
	v32 =	vsub.f32 $0.0e+00, v32;
	v30 =	vadd.f32 $1.000000000e+00, v30;
	v39 =	vpop (erf)  }
0x2dc: {  	v41 =	vsub.f32 $0.0e+00, v41;
	v37 =	vmul.f32 $1.442695020e+00, v37;
	v43 =	vpop (erf);
	(erf) = vpow2.f32 v36  }
0x2dd: {  	v36 =	vadd.f32 $1.000000000e+00, v39;
	v32 =	vmul.f32 $1.442695020e+00, v32;
	v39 =	vpop (erf);
	(erf) = vrcp.f32 v30  }
0x2de: {  	v44 =	vmul.f32 $1.442695020e+00, v41;
	v41 =	vadd.f32 $1.000000000e+00, v43;
	v43 =	vpop (erf);
	(erf) = vpow2.f32 v29  }
0x2df: {  	v29 =	vadd.f32 $1.000000000e+00, v39;
	v39 =	vadd.f32 $1.000000000e+00, v43;
	v43 =	vpop (erf);
	(erf) = vpow2.f32 v38  }
0x2e0: {  	v18 =	vmul.f32 v35, v18;
	v38 =	vadd.f32 $1.000000000e+00, v43;
	(erf) = vpow2.f32 v44;
	v30 =	vpop (erf)  }
0x2e1: {  	v17 =	vmul.f32 v33, v17;
	v30 =	vadd.f32 $1.000000000e+00, v30;
	v35 =	vpop (erf);
	(erf) = vpow2.f32 v37  }
0x2e2: {  	v34 =	vmul.f32 v34, v16;
	v33 =	vadd.f32 $1.000000000e+00, v35;
	v35 =	vpop (erf);
	(erf) = vpow2.f32 v32;
	[tilespmem:s25+$0x0] =	vst v18  }
0x2e3: {  	v13 =	vmul.f32 v26, v13;
	v18 =	vadd.f32 $1.000000000e+00, v35;
	(erf) = vrcp.f32 v36;
	v32 =	vpop (erf);
	[tilespmem:s25+$0x10] =	vst v17  }
0x2e4: {  	v14 =	vmul.f32 v24, v14;
	v17 =	vadd.f32 $1.000000000e+00, v32;
	(erf) = vrcp.f32 v41;
	[tilespmem:s25+$0x20] =	vst v34  }
0x2e5: {  	v26 =	vmul.f32 v28, v15;
	(erf) = vrcp.f32 v29;
	v16 =	vpop (erf);
	[tilespmem:s25+$0x30] =	vst v13  }
0x2e6: {  	v12 =	vmul.f32 v40, v12;
	v15 =	vadd.f32 $1.000000000e+00, v16;
	(erf) = vrcp.f32 v39;
	v28 =	vpop (erf);
	[tilespmem:s25+$0x40] =	vst v14  }
0x2e7: {  	v29 =	vperm.xlane v28, v0;
	(erf) = vrcp.f32 v38;
	v16 =	vpop (erf);
	[tilespmem:s25+$0x50] =	vst v26  }
0x2e8: {  	v11 =	vmul.f32 v25, v11;
	v24 =	vadd.f32 $1.000000000e+00, v16;
	(erf) = vrcp.f32 v30;
	v13 =	vpop (erf);
	[tilespmem:s25+$0x60] =	vst v12  }
0x2e9: {  	v12 =	vadd.f32 $1.000000000e+00, v13;
	v13 =	vadd.f32 v28, v29;
	v14 =	vpop (erf);
	(erf) = vrcp.f32 v33  }
0x2ea: {  	v10 =	vmul.f32 v31, v10;
	v14 =	vadd.f32 $1.000000000e+00, v14;
	(erf) = vrcp.f32 v18;
	v16 =	vpop (erf);
	[tilespmem:s25+$0x70] =	vst v11  }
0x2eb: {  	v11 =	vadd.f32 $1.000000000e+00, v16;
	v26 =	vperm.xlane v13, v1;
	(erf) = vrcp.f32 v17;
	v17 =	vpop (erf)  }
0x2ec: {  	v9 =	vmul.f32 v42, v9;
	v18 =	vadd.f32 $1.000000000e+00, v17;
	(erf) = vrcp.f32 v14;
	v17 =	vpop (erf);
	[tilespmem:s25+$0x80] =	vst v10  }
0x2ed: {  	v10 =	vperm.xlane v17, v0;
	v25 =	vadd.f32 v13, v26;
	v16 =	vpop (erf);
	(erf) = vrcp.f32 v15  }
0x2ee: {  	v26 =	vperm.xlane v16, v0;
	v13 =	vpop (erf);
	(erf) = vrcp.f32 v24;
	[tilespmem:s25+$0x90] =	vst v9  }
0x2ef: {  	v29 =	vadd.f32 v17, v10;
	v9 =	vperm.xlane v25, v2;
	v14 =	vpop (erf);
	(erf) = vrcp.f32 v12  }
0x2f0: {  	v33 =	vperm.xlane v13, v0;
	v30 =	vadd.f32 v16, v26;
	v15 =	vpop (erf);
	(erf) = vrcp.f32 v11  }
0x2f1: {  	v24 =	vperm.xlane v14, v0;
	v35 =	vadd.f32 v25, v9;
	v12 =	vpop (erf);
	(erf) = vrcp.f32 v18  }
0x2f2: {  	v31 =	vadd.f32 v13, v33;
	v36 =	vperm.xlane v15, v0;
	v25 =	vperm.xlane v12, v0;
	v11 =	vpop (erf)  }
0x2f3: {  	v32 =	vadd.f32 v14, v24;
	v24 =	vperm.xlane v11, v0;
	v26 =	vadd.f32 $9.999999960e-13, v35;
	v10 =	vpop (erf)  }
0x2f4: {  	v33 =	vadd.f32 v15, v36;
	v34 =	vadd.f32 v12, v25;
	v41 =	vperm.xlane v10, v0;
	v9 =	vpop (erf)  }
0x2f5: {  	v35 =	vadd.f32 v11, v24;
	v24 =	vperm.xlane v9, v0;
	v18 =	vpop (erf);
	(erf) = vrcp.f32 v26  }
0x2f6: {  	v36 =	vperm.xlane v29, v1;
	v44 =	vperm.xlane v18, v0;
	v37 =	vadd.f32 v10, v41;
	v38 =	vpop (erf)  }
0x2f7: {  	v39 =	vperm.xlane v30, v1;
	v40 =	vadd.f32 v9, v24;
	v47 =	vperm.xlane v38, v0;
	v25 =	vpop (erf)  }
0x2f8: {  	v42 =	vperm.xlane v31, v1;
	v41 =	vadd.f32 v18, v44;
	v43 =	vperm.xlane v25, v0;
	v26 =	vpop (erf)  }
0x2f9: {  	v44 =	vperm.xlane v32, v1;
	v45 =	vadd.f32 v38, v47;
	v46 =	vperm.xlane v26, v0;
	v24 =	vpop (erf)  }
0x2fa: {  	v47 =	vperm.xlane v41, v1;
	v43 =	vadd.f32 v25, v43;
	v48 =	vperm.xlane v24, v0;
	v49 =	vpop (erf)  }
0x2fb: {  	v50 =	vperm.xlane v33, v1;
	v46 =	vadd.f32 v26, v46;
	v51 =	vperm.xlane v49, v0  }
0x2fc: {  	v52 =	vperm.xlane v34, v1;
	v53 =	vperm.xlane v35, v1;
	v48 =	vadd.f32 v24, v48  }
0x2fd: {  	v54 =	vperm.xlane v37, v1;
	v55 =	vperm.xlane v40, v1;
	v51 =	vadd.f32 v49, v51  }
0x2fe: {  	v41 =	vadd.f32 v41, v47;
	v47 =	vperm.xlane v45, v1;
	v56 =	vperm.xlane v43, v1;
	v57 =	vpop (erf)  }
0x2ff: {  	v29 =	vadd.f32 v29, v36;
	v36 =	vperm.xlane v46, v1;
	v28 =	vmul.f32 v57, v28  }
0x300: {  	v30 =	vadd.f32 v30, v39;
	v39 =	vperm.xlane v48, v1;
	v57 =	vperm.xlane v51, v1  }
0x301: {  	v31 =	vadd.f32 v31, v42;
	v32 =	vadd.f32 v32, v44;
	v58 =	vperm.xlane v41, v2;
	[tilespmem:s28+$0xF0] =	vst v28  }
0x302: {  	v33 =	vadd.f32 v33, v50;
	v34 =	vadd.f32 v34, v52;
	v28 =	vperm.xlane v29, v2  }
0x303: {  	v42 =	vperm.xlane v30, v2;
	v35 =	vadd.f32 v35, v53;
	v37 =	vadd.f32 v37, v54  }
0x304: {  	v44 =	vperm.xlane v31, v2;
	v40 =	vadd.f32 v40, v55;
	v45 =	vadd.f32 v45, v47  }
0x305: {  	v47 =	vperm.xlane v32, v2;
	v43 =	vadd.f32 v43, v56;
	v36 =	vadd.f32 v46, v36  }
0x306: {  	v46 =	vperm.xlane v33, v2;
	v39 =	vadd.f32 v48, v39;
	v48 =	vadd.f32 v51, v57  }
0x307: {  	v50 =	vperm.xlane v34, v2;
	v41 =	vadd.f32 v41, v58;
	v51 =	vperm.xlane v35, v2  }
0x308: {  	v52 =	vadd.f32 v29, v28;
	v28 =	vperm.xlane v37, v2;
	v29 =	vperm.xlane v40, v2  }
0x309: {  	v42 =	vadd.f32 v30, v42;
	v30 =	vperm.xlane v45, v2;
	v53 =	vperm.xlane v43, v2  }
0x30a: {  	v44 =	vadd.f32 v31, v44;
	v54 =	vperm.xlane v36, v2;
	v55 =	vperm.xlane v39, v2  }
0x30b: {  	v47 =	vadd.f32 v32, v47;
	v46 =	vadd.f32 v33, v46;
	v33 =	vperm.xlane v48, v2  }
0x30c: {  	v50 =	vadd.f32 v34, v50;
	v31 =	vadd.f32 v35, v51;
	(erf) = vrcp.f32 v23  }
0x30d: {  	v32 =	vadd.f32 v37, v28;
	v29 =	vadd.f32 v40, v29;
	(erf) = vrcp.f32 v21  }
0x30e: {  	v30 =	vadd.f32 v45, v30;
	v23 =	vadd.f32 v43, v53;
	(erf) = vrcp.f32 v22  }
.Ltmp2:
0x30f: {  	v28 =	vadd.f32 v36, v54;
	v22 =	vadd.f32 v39, v55;
	(erf) = vrcp.f32 v20;
	(pc) =	sbr.rel @p0 .LBB2_6-.Ltmp2, $4  }
0x310: {  	v27 =	vmul.f32 v27, v7;
	v7 =	vmovc v38;
	v35 =	vadd.f32 $9.999999960e-13, v41;
	v20 =	vadd.f32 v48, v33  }
0x311: {  	v36 =	vadd.f32 $9.999999960e-13, v52;
	v37 =	vmul.f32 v19, v3;
	v3 =	vmovc v8;
	v8 =	vmovc v49;
	v21 =	vadd.f32 $9.999999960e-13, v42  }
0x312: {  	v34 =	vadd.f32 $9.999999960e-13, v44;
	v33 =	vadd.f32 $9.999999960e-13, v47;
	(erf) = vrcp.f32 v35;
	[tilespmem:s25+$0xA0] =	vst v27  }
0x313: {  	v19 =	vadd.f32 $9.999999960e-13, v50;
	v27 =	vadd.f32 $9.999999960e-13, v46;
	(erf) = vrcp.f32 v36;
	[tilespmem:s24+$0xE0] =	vst v37;
	s24 =	smov.u32 s25;
	s25 =	smov.u32 s28;
	s28 =	sadd.s32 $0x100, s28  }
0x314: {  	(erf) = vrcp.f32 v21  }
0x315: {  	(erf) = vrcp.f32 v34  }
0x316: {  	v21 =	vadd.f32 $9.999999960e-13, v31;
	v31 =	vpop (erf);
	(erf) = vrcp.f32 v33  }
0x317: {  	v57 =	vpop (erf);
	v4 =	vmul.f32 v31, v4;
	(erf) = vrcp.f32 v27;
	v27 =	vadd.f32 $9.999999960e-13, v32  }
0x318: {  	v5 =	vmul.f32 v57, v5;
	(erf) = vrcp.f32 v19;
	v19 =	vadd.f32 $9.999999960e-13, v29;
	v29 =	vpop (erf)  }
0x319: {  	[tilespmem:s24+$0xB0] =	vst v4;
	(erf) = vrcp.f32 v21;
	v4 =	vmul.f32 v29, v6  }
0x31a: {  	v21 =	vadd.f32 $9.999999960e-13, v30;
	v30 =	vpop (erf);
	(erf) = vrcp.f32 v27  }
0x31b: {  	v6 =	vpop (erf);
	(erf) = vrcp.f32 v19  }
0x31c: {  	[tilespmem:s24+$0xC0] =	vst v5;
	v5 =	vpop (erf);
	(erf) = vrcp.f32 v21;
	v6 =	vmul.f32 v6, v18  }
0x31d: {  	v19 =	vadd.f32 $9.999999960e-13, v23;
	[tilespmem:s24+$0xD0] =	vst v4;
	v4 =	vpop (erf);
	v5 =	vmul.f32 v5, v17  }
0x31e: {  	v18 =	vadd.f32 $9.999999960e-13, v28;
	v21 =	vpop (erf);
	[tilespmem:s25+$0x0] =	vst v6;
	v4 =	vmul.f32 v4, v16;
	v6 =	vadd.f32 $9.999999960e-13, v20  }
0x31f: {  	v17 =	vadd.f32 $9.999999960e-13, v22;
	(erf) = vrcp.f32 v19;
	v16 =	vpop (erf);
	[tilespmem:s25+$0x10] =	vst v5;
	v5 =	vmul.f32 v21, v13  }
0x320: {  	(erf) = vrcp.f32 v18;
	v13 =	vpop (erf);
	[tilespmem:s25+$0x20] =	vst v4;
	v4 =	vmul.f32 v16, v14  }
0x321: {  	(erf) = vrcp.f32 v17;
	v14 =	vpop (erf);
	[tilespmem:s25+$0x30] =	vst v5;
	v5 =	vmul.f32 v13, v15  }
0x322: {  	(erf) = vrcp.f32 v6;
	v6 =	vpop (erf);
	[tilespmem:s25+$0x40] =	vst v4;
	v4 =	vmul.f32 v14, v12  }
0x323: {  	v12 =	vpop (erf);
	[tilespmem:s25+$0x50] =	vst v5;
	v5 =	vmul.f32 v6, v11  }
0x324: {  	v6 =	vpop (erf);
	[tilespmem:s25+$0x60] =	vst v4;
	v4 =	vmul.f32 v12, v10  }
0x325: {  	v10 =	vpop (erf);
	[tilespmem:s25+$0x70] =	vst v5;
	v5 =	vmul.f32 v6, v9  }
0x326: {  	[tilespmem:s25+$0x80] =	vst v4;
	v4 =	vmul.f32 v10, v7  }
0x327: {  	v3 =	vmul.f32 v30, v3;
	_ =	sdelay $0x1  }
0x328: {  	[tilespmem:s25+$0x90] =	vst v5;
	v5 =	vpop (erf)  }
0x329: {  	[tilespmem:s25+$0xA0] =	vst v4;
	v4 =	vpop (erf);
	v5 =	vmul.f32 v5, v25  }
0x32a: {  	[tilespmem:s24+$0xE0] =	vst v3;
	v3 =	vpop (erf);
	v4 =	vmul.f32 v4, v26  }
0x32b: {  	v6 =	vpop (erf);
	[tilespmem:s25+$0xB0] =	vst v5;
	v3 =	vmul.f32 v3, v24  }
0x32c: {  	[tilespmem:s25+$0xC0] =	vst v4;
	v4 =	vmul.f32 v6, v8  }
0x32d: {  	[tilespmem:s25+$0xD0] =	vst v3  }
0x32e: {  	[tilespmem:s25+$0xE0] =	vst v4  }
0x32f: {  	[hbm4b:s10+s3] =	stream.linear.scatter [tilespmem:s19], [sflag:$0x2], $0x4000, $0x38;
	[tilespmem:$0x10200] =	vst v63  }
0x330: {  	_ =	swait.ge [sflag:s21], $0x4000  }
0x331: {  	[sflag:s21] =	ssyncset.done $0x0  }
0x332: {  	s24 =	simm.s32 $0xC200;
	[sflag:s21] =	ssyncadd.s32 $0xFFFFC000  }
0x333: {  	v3 =	vld [tilespmem:s24+$0xF0]  }
0x334: {  	v4 =	vld [tilespmem:s24+$0x10]  }
0x335: {  	v5 =	vld [tilespmem:s24+$0x20]  }
0x336: {  	v6 =	vld [tilespmem:s24+$0x30]  }
0x337: {  	v8 =	vld [tilespmem:s24+$0x50]  }
0x338: {  	v7 =	vld [tilespmem:s24+$0x40]  }
0x339: {  	v9 =	vld [tilespmem:s24+$0x60];
	v3 =	vsub.f32 $0.0e+00, v3  }
0x33a: {  	v10 =	vld [tilespmem:s24+$0x70];
	v4 =	vsub.f32 $0.0e+00, v4  }
0x33b: {  	v11 =	vld [tilespmem:s24+$0x80];
	v5 =	vsub.f32 $0.0e+00, v5;
	v3 =	vmul.f32 $1.442695020e+00, v3  }
0x33c: {  	v6 =	vsub.f32 $0.0e+00, v6;
	v8 =	vsub.f32 $0.0e+00, v8;
	v4 =	vmul.f32 $1.442695020e+00, v4  }
0x33d: {  	(erf) = vpow2.f32 v3;
	v3 =	vmul.f32 $1.442695020e+00, v5;
	v5 =	vsub.f32 $0.0e+00, v7  }
0x33e: {  	v6 =	vmul.f32 $1.442695020e+00, v6;
	v8 =	vmul.f32 $1.442695020e+00, v8;
	v7 =	vld [tilespmem:s24+$0x90]  }
0x33f: {  	v12 =	vld [tilespmem:s24+$0xA0];
	(erf) = vpow2.f32 v4;
	v4 =	vmul.f32 $1.442695020e+00, v5;
	v5 =	vsub.f32 $0.0e+00, v9  }
0x340: {  	(erf) = vpow2.f32 v3;
	v9 =	vsub.f32 $0.0e+00, v10;
	v10 =	vsub.f32 $0.0e+00, v11  }
0x341: {  	v3 =	vld [tilespmem:s24+$0xB0];
	(erf) = vpow2.f32 v6;
	v5 =	vmul.f32 $1.442695020e+00, v5  }
0x342: {  	v6 =	vld [tilespmem:s24+$0xC0];
	(erf) = vpow2.f32 v4;
	v10 =	vmul.f32 $1.442695020e+00, v10  }
0x343: {  	v4 =	vmul.f32 $1.442695020e+00, v9;
	v9 =	vld [tilespmem:s24+$0xD0];
	v7 =	vsub.f32 $0.0e+00, v7;
	(erf) = vpow2.f32 v8  }
0x344: {  	v11 =	vsub.f32 $0.0e+00, v12;
	v8 =	vld [tilespmem:s24+$0x0];
	(erf) = vpow2.f32 v5  }
0x345: {  	v7 =	vmul.f32 $1.442695020e+00, v7;
	(erf) = vpow2.f32 v4  }
0x346: {  	v5 =	vld [tilespmem:s24+$0xE0];
	v3 =	vsub.f32 $0.0e+00, v3;
	v4 =	vmul.f32 $1.442695020e+00, v11;
	(erf) = vpow2.f32 v10;
	v10 =	vpop (erf)  }
0x347: {  	v6 =	vsub.f32 $0.0e+00, v6;
	(erf) = vpow2.f32 v7;
	v7 =	vadd.f32 $1.000000000e+00, v10  }
0x348: {  	v10 =	vpop (erf);
	(erf) = vpow2.f32 v4;
	v4 =	vsub.f32 $0.0e+00, v9  }
0x349: {  	v3 =	vmul.f32 $1.442695020e+00, v3;
	v8 =	vsub.f32 $0.0e+00, v8;
	v6 =	vmul.f32 $1.442695020e+00, v6  }
0x34a: {  	v9 =	vpop (erf);
	(erf) = vrcp.f32 v7  }
0x34b: {  	v5 =	vsub.f32 $0.0e+00, v5;
	v8 =	vmul.f32 $1.442695020e+00, v8;
	v7 =	vpop (erf);
	(erf) = vpow2.f32 v3  }
0x34c: {  	v3 =	vmul.f32 $1.442695020e+00, v4;
	v4 =	vpop (erf);
	(erf) = vpow2.f32 v6  }
0x34d: {  	v5 =	vmul.f32 $1.442695020e+00, v5;
	v6 =	vpop (erf);
	(erf) = vpow2.f32 v8  }
0x34e: {  	v8 =	vadd.f32 $1.000000000e+00, v10;
	v10 =	vpop (erf);
	(erf) = vpow2.f32 v3  }
0x34f: {  	v3 =	vadd.f32 $1.000000000e+00, v9;
	v9 =	vpop (erf);
	(erf) = vpow2.f32 v5;
	v5 =	vadd.f32 $1.000000000e+00, v7  }
0x350: {  	v7 =	vpop (erf);
	(erf) = vrcp.f32 v8  }
0x351: {  	(erf) = vrcp.f32 v3;
	v3 =	vadd.f32 $1.000000000e+00, v6  }
0x352: {  	v4 =	vadd.f32 $1.000000000e+00, v4;
	v8 =	vpop (erf);
	v6 =	vadd.f32 $1.000000000e+00, v10  }
0x353: {  	(erf) = vrcp.f32 v5;
	v5 =	vpop (erf)  }
0x354: {  	v7 =	vadd.f32 $1.000000000e+00, v7;
	v8 =	vadd.f32 $1.000000000e+00, v8;
	(erf) = vrcp.f32 v4;
	v17 =	vpop (erf)  }
0x355: {  	v4 =	vadd.f32 $1.000000000e+00, v9;
	(erf) = vrcp.f32 v3;
	v9 =	vperm.xlane v17, v0;
	v3 =	vpop (erf)  }
0x356: {  	(erf) = vrcp.f32 v6;
	v6 =	vpop (erf)  }
0x357: {  	(erf) = vrcp.f32 v4;
	v9 =	vadd.f32 v17, v9;
	v10 =	vpop (erf)  }
0x358: {  	(erf) = vrcp.f32 v7;
	v4 =	vadd.f32 $1.000000000e+00, v10;
	v7 =	vpop (erf)  }
0x359: {  	v5 =	vadd.f32 $1.000000000e+00, v5;
	(erf) = vrcp.f32 v8;
	v10 =	vperm.xlane v9, v1;
	v8 =	vpop (erf)  }
0x35a: {  	v3 =	vadd.f32 $1.000000000e+00, v3;
	v7 =	vadd.f32 $1.000000000e+00, v7;
	(erf) = vrcp.f32 v4;
	v13 =	vpop (erf)  }
0x35b: {  	v4 =	vadd.f32 $1.000000000e+00, v6;
	v6 =	vperm.xlane v13, v0;
	v9 =	vadd.f32 v9, v10;
	v15 =	vpop (erf)  }
0x35c: {  	(erf) = vrcp.f32 v5;
	v10 =	vadd.f32 $1.000000000e+00, v8;
	v5 =	vperm.xlane v15, v0  }
0x35d: {  	v14 =	vpop (erf);
	(erf) = vrcp.f32 v3;
	v3 =	vperm.xlane v9, v2;
	v18 =	vadd.f32 v13, v6  }
0x35e: {  	v11 =	vpop (erf);
	(erf) = vrcp.f32 v4;
	v4 =	vperm.xlane v14, v0;
	v21 =	vadd.f32 v15, v5  }
0x35f: {  	v12 =	vpop (erf);
	(erf) = vrcp.f32 v7;
	v5 =	vperm.xlane v11, v0;
	v3 =	vadd.f32 v9, v3  }
0x360: {  	v8 =	vpop (erf);
	(erf) = vrcp.f32 v10;
	v6 =	vperm.xlane v12, v0;
	v22 =	vadd.f32 v14, v4  }
0x361: {  	v20 =	vperm.xlane v18, v1;
	v9 =	vpop (erf);
	v4 =	vperm.xlane v8, v0;
	v23 =	vadd.f32 v11, v5  }
0x362: {  	v28 =	vperm.xlane v21, v1;
	v5 =	vperm.xlane v9, v0;
	v3 =	vadd.f32 $9.999999960e-13, v3  }
0x363: {  	v10 =	vpop (erf);
	v24 =	vadd.f32 v12, v6;
	v31 =	vperm.xlane v22, v1;
	v18 =	vadd.f32 v18, v20  }
0x364: {  	v7 =	vpop (erf);
	v25 =	vadd.f32 v8, v4;
	v4 =	vperm.xlane v10, v0;
	v59 =	vperm.xlane v23, v1  }
0x365: {  	v21 =	vadd.f32 v21, v28;
	v6 =	vperm.xlane v7, v0;
	v26 =	vadd.f32 v9, v5  }
0x366: {  	v16 =	vpop (erf);
	(erf) = vrcp.f32 v3;
	v38 =	vperm.xlane v24, v1;
	v22 =	vadd.f32 v22, v31  }
0x367: {  	v31 =	vperm.xlane v18, v2;
	v3 =	vperm.xlane v16, v0;
	v27 =	vadd.f32 v10, v4  }
0x368: {  	v19 =	vpop (erf);
	v40 =	vperm.xlane v25, v1;
	v23 =	vadd.f32 v23, v59;
	v63 =	vperm.xlane v21, v2  }
0x369: {  	v29 =	vperm.xlane v19, v0;
	v58 =	vadd.f32 v7, v6;
	v41 =	vperm.xlane v26, v1  }
0x36a: {  	v24 =	vadd.f32 v24, v38;
	v48 =	vperm.xlane v22, v2;
	v18 =	vadd.f32 v18, v31  }
0x36b: {  	v4 =	vpop (erf);
	v30 =	vadd.f32 v16, v3;
	v42 =	vperm.xlane v27, v1;
	v25 =	vadd.f32 v25, v40  }
0x36c: {  	v49 =	vperm.xlane v23, v2;
	v21 =	vadd.f32 v21, v63;
	v3 =	vperm.xlane v4, v0  }
0x36d: {  	v29 =	vadd.f32 v19, v29;
	v43 =	vperm.xlane v58, v1;
	v26 =	vadd.f32 v26, v41  }
0x36e: {  	v5 =	vpop (erf);
	v50 =	vperm.xlane v24, v2;
	v22 =	vadd.f32 v22, v48;
	v18 =	vadd.f32 $9.999999960e-13, v18  }
0x36f: {  	v60 =	vperm.xlane v5, v0;
	v35 =	vperm.xlane v30, v1;
	v27 =	vadd.f32 v27, v42  }
0x370: {  	v6 =	vpop (erf);
	v51 =	vperm.xlane v25, v2;
	v23 =	vadd.f32 v23, v49;
	v21 =	vadd.f32 $9.999999960e-13, v21  }
0x371: {  	v36 =	vadd.f32 v4, v3;
	v37 =	vperm.xlane v6, v0;
	v30 =	vadd.f32 v30, v35  }
0x372: {  	v44 =	vperm.xlane v29, v1;
	v32 =	vadd.f32 v58, v43;
	v52 =	vperm.xlane v26, v2  }
0x373: {  	s25 =	simm.s32 $0xC300;
	v24 =	vadd.f32 v24, v50;
	v22 =	vadd.f32 $9.999999960e-13, v22;
	v62 =	vperm.xlane v30, v2  }
0x374: {  	v58 =	vld [tilespmem:s25+$0xA0];
	v34 =	vadd.f32 v5, v60;
	v31 =	vperm.xlane v27, v2;
	v23 =	vadd.f32 $9.999999960e-13, v23  }
0x375: {  	v3 =	vpop (erf);
	v37 =	vadd.f32 v6, v37;
	v61 =	vperm.xlane v36, v1;
	v30 =	vadd.f32 v30, v62  }
0x376: {  	v29 =	vadd.f32 v29, v44;
	v53 =	vperm.xlane v32, v2;
	v39 =	vperm.xlane v3, v0  }
0x377: {  	v24 =	vadd.f32 $9.999999960e-13, v24;
	v45 =	vpop (erf);
	v46 =	vperm.xlane v34, v1;
	v30 =	vadd.f32 $9.999999960e-13, v30  }
0x378: {  	v20 =	vmul.f32 v45, v17;
	v17 =	vperm.xlane v37, v1;
	v39 =	vadd.f32 v3, v39  }
0x379: {  	v54 =	vperm.xlane v29, v2;
	v60 =	vsub.f32 $0.0e+00, v58;
	(erf) = vrcp.f32 v30  }
0x37a: {  	v28 =	vperm.xlane v39, v1;
	(erf) = vrcp.f32 v18;
	v18 =	vadd.f32 v25, v51;
	v25 =	vld [tilespmem:s25+$0xF0]  }
0x37b: {  	v35 =	vmul.f32 $1.442695020e+00, v60;
	(erf) = vrcp.f32 v21;
	v21 =	vadd.f32 v26, v52  }
0x37c: {  	v26 =	vld [tilespmem:s25+$0x10];
	(erf) = vrcp.f32 v22;
	v22 =	vadd.f32 v27, v31;
	v18 =	vadd.f32 $9.999999960e-13, v18  }
0x37d: {  	v27 =	vld [tilespmem:s25+$0x20];
	(erf) = vrcp.f32 v23;
	v23 =	vadd.f32 v32, v53;
	v21 =	vadd.f32 $9.999999960e-13, v21  }
0x37e: {  	(erf) = vrcp.f32 v24;
	v24 =	vadd.f32 v29, v54;
	v22 =	vadd.f32 $9.999999960e-13, v22;
	v29 =	vld [tilespmem:s25+$0x30]  }
0x37f: {  	(erf) = vrcp.f32 v18;
	v18 =	vadd.f32 $9.999999960e-13, v23;
	v23 =	vld [tilespmem:s25+$0x40];
	v25 =	vsub.f32 $0.0e+00, v25  }
0x380: {  	v30 =	vadd.f32 v36, v61;
	(erf) = vrcp.f32 v21;
	v21 =	vadd.f32 $9.999999960e-13, v24;
	v24 =	vld [tilespmem:s25+$0x50]  }
0x381: {  	(erf) = vrcp.f32 v22;
	v22 =	vsub.f32 $0.0e+00, v26;
	v26 =	vld [tilespmem:s25+$0x60];
	v25 =	vmul.f32 $1.442695020e+00, v25  }
0x382: {  	v55 =	vld [tilespmem:s25+$0x70];
	v28 =	vadd.f32 v39, v28;
	v27 =	vsub.f32 $0.0e+00, v27;
	(erf) = vrcp.f32 v18  }
0x383: {  	v31 =	vpop (erf);
	(erf) = vrcp.f32 v21;
	v21 =	vmul.f32 $1.442695020e+00, v22;
	v22 =	vsub.f32 $0.0e+00, v29;
	v29 =	vld [tilespmem:s25+$0x80]  }
0x384: {  	v59 =	vld [tilespmem:s25+$0xC0];
	v56 =	vperm.xlane v30, v2;
	v33 =	vpop (erf);
	v27 =	vmul.f32 $1.442695020e+00, v27;
	v23 =	vsub.f32 $0.0e+00, v23  }
0x385: {  	(erf) = vpow2.f32 v25;
	v25 =	vpop (erf);
	v22 =	vmul.f32 $1.442695020e+00, v22;
	v24 =	vsub.f32 $0.0e+00, v24  }
0x386: {  	v57 =	vld [tilespmem:s25+$0x90];
	(erf) = vpow2.f32 v21;
	v36 =	vpop (erf);
	v21 =	vmul.f32 $1.442695020e+00, v23;
	v23 =	vsub.f32 $0.0e+00, v26  }
0x387: {  	(erf) = vpow2.f32 v27;
	v27 =	vsub.f32 $0.0e+00, v55;
	v40 =	vpop (erf);
	v24 =	vmul.f32 $1.442695020e+00, v24  }
0x388: {  	v63 =	vld [tilespmem:s25+$0xE0];
	(erf) = vpow2.f32 v22;
	v26 =	vpop (erf);
	v22 =	vmul.f32 $1.442695020e+00, v23;
	v23 =	vsub.f32 $0.0e+00, v29  }
0x389: {  	v32 =	vsub.f32 $0.0e+00, v59;
	(erf) = vpow2.f32 v21;
	v29 =	vld [tilespmem:s25+$0xB0];
	v21 =	vmul.f32 $1.442695020e+00, v27;
	v41 =	vpop (erf)  }
0x38a: {  	v49 =	vperm.xlane v28, v2;
	v18 =	vadd.f32 v34, v46;
	v42 =	vpop (erf);
	v23 =	vmul.f32 $1.442695020e+00, v23  }
0x38b: {  	v61 =	vld [tilespmem:s25+$0xD0];
	v32 =	vmul.f32 $1.442695020e+00, v32;
	v27 =	vsub.f32 $0.0e+00, v57;
	(erf) = vpow2.f32 v24;
	v24 =	vpop (erf)  }
0x38c: {  	v17 =	vadd.f32 v37, v17;
	v62 =	vperm.xlane v18, v2;
	(erf) = vpow2.f32 v22;
	v22 =	vld [tilespmem:s25+$0x0];
	v38 =	vpop (erf)  }
0x38d: {  	v53 =	vsub.f32 $0.0e+00, v63;
	v27 =	vmul.f32 $1.442695020e+00, v27;
	(erf) = vpow2.f32 v21;
	v21 =	vpop (erf)  }
0x38e: {  	v34 =	vmul.f32 v41, v8;
	(erf) = vpow2.f32 v23;
	v29 =	vsub.f32 $0.0e+00, v29;
	v23 =	vpop (erf)  }
0x38f: {  	(erf) = vpow2.f32 v27;
	v27 =	vperm.xlane v17, v2;
	v23 =	vadd.f32 $1.000000000e+00, v23  }
0x390: {  	v51 =	vsub.f32 $0.0e+00, v61;
	v48 =	vpop (erf);
	(erf) = vpow2.f32 v35;
	v29 =	vmul.f32 $1.442695020e+00, v29  }
0x391: {  	v19 =	vmul.f32 v21, v19;
	v22 =	vsub.f32 $0.0e+00, v22;
	v50 =	vpop (erf);
	(erf) = vrcp.f32 v23  }
0x392: {  	v54 =	vadd.f32 v17, v27;
	v17 =	vmul.f32 $1.442695020e+00, v51;
	v23 =	vadd.f32 v30, v56;
	v30 =	vpop (erf)  }
0x393: {  	v18 =	vadd.f32 v18, v62;
	v22 =	vmul.f32 $1.442695020e+00, v22;
	v52 =	vpop (erf);
	(erf) = vpow2.f32 v29  }
0x394: {  	v35 =	vmul.f32 v42, v9;
	v27 =	vadd.f32 v28, v49;
	v29 =	vpop (erf);
	(erf) = vpow2.f32 v32  }
0x395: {  	v28 =	vmul.f32 $1.442695020e+00, v53;
	v57 =	vadd.f32 $1.000000000e+00, v48;
	v55 =	vpop (erf);
	(erf) = vpow2.f32 v22  }
0x396: {  	v32 =	vmul.f32 v40, v11;
	v22 =	vadd.f32 $9.999999960e-13, v23;
	v56 =	vpop (erf);
	(erf) = vpow2.f32 v17  }
0x397: {  	v23 =	vadd.f32 $9.999999960e-13, v18;
	v18 =	vadd.f32 $1.000000000e+00, v50;
	v17 =	vpop (erf);
	(erf) = vpow2.f32 v28  }
0x398: {  	v60 =	vadd.f32 $1.000000000e+00, v29;
	v29 =	vmul.f32 v25, v15;
	v58 =	vpop (erf);
	(erf) = vrcp.f32 v57  }
0x399: {  	v30 =	vadd.f32 $1.000000000e+00, v30;
	v28 =	vmul.f32 v31, v16;
	v31 =	vmul.f32 v36, v14;
	v59 =	vpop (erf)  }
0x39a: {  	v37 =	vadd.f32 $1.000000000e+00, v52;
	v36 =	vmul.f32 v24, v10;
	(erf) = vrcp.f32 v18;
	v45 =	vpop (erf)  }
0x39b: {  	v16 =	vadd.f32 $1.000000000e+00, v55;
	(erf) = vrcp.f32 v30;
	v18 =	vperm.xlane v45, v0  }
0x39c: {  	v17 =	vadd.f32 $1.000000000e+00, v17;
	v30 =	vmul.f32 v33, v13;
	(erf) = vrcp.f32 v37;
	v15 =	vpop (erf)  }
0x39d: {  	v13 =	vadd.f32 $1.000000000e+00, v56;
	(erf) = vrcp.f32 v60;
	v14 =	vpop (erf);
	v18 =	vadd.f32 v45, v18  }
0x39e: {  	v27 =	vadd.f32 $9.999999960e-13, v27;
	v33 =	vmul.f32 v26, v12;
	(erf) = vrcp.f32 v16;
	v25 =	vpop (erf)  }
0x39f: {  	(erf) = vrcp.f32 v13;
	v11 =	vadd.f32 $1.000000000e+00, v25;
	v25 =	vpop (erf);
	v13 =	vperm.xlane v18, v1  }
0x3a0: {  	v37 =	vmul.f32 v38, v7;
	v38 =	vadd.f32 $9.999999960e-13, v54;
	v16 =	vadd.f32 $1.000000000e+00, v58;
	v12 =	vpop (erf)  }
0x3a1: {  	(erf) = vrcp.f32 v17;
	v17 =	vpop (erf);
	v18 =	vadd.f32 v18, v13;
	v13 =	vadd.f32 $1.000000000e+00, v59  }
0x3a2: {  	v8 =	vadd.f32 $1.000000000e+00, v15;
	(erf) = vrcp.f32 v16;
	v7 =	vperm.xlane v17, v0  }
0x3a3: {  	v10 =	vadd.f32 $1.000000000e+00, v25;
	(erf) = vrcp.f32 v11;
	v9 =	vperm.xlane v18, v2  }
0x3a4: {  	v11 =	vadd.f32 $1.000000000e+00, v14;
	v16 =	vpop (erf);
	(erf) = vrcp.f32 v13;
	v61 =	vadd.f32 v17, v7  }
0x3a5: {  	v13 =	vpop (erf);
	(erf) = vrcp.f32 v8;
	v8 =	vadd.f32 v18, v9;
	v18 =	vperm.xlane v16, v0  }
0x3a6: {  	v9 =	vadd.f32 $1.000000000e+00, v12;
	v48 =	vperm.xlane v61, v1;
	v14 =	vpop (erf);
	(erf) = vrcp.f32 v11  }
0x3a7: {  	v7 =	vperm.xlane v13, v0;
	v15 =	vpop (erf);
	(erf) = vrcp.f32 v10;
	v8 =	vadd.f32 $9.999999960e-13, v8  }
0x3a8: {  	v62 =	vadd.f32 v16, v18;
	v12 =	vpop (erf);
	(erf) = vrcp.f32 v9;
	v24 =	vperm.xlane v15, v0  }
0x3a9: {  	v63 =	vadd.f32 v13, v7;
	v11 =	vpop (erf);
	(erf) = vrcp.f32 v8;
	v8 =	vperm.xlane v14, v0  }
0x3aa: {  	v39 =	vadd.f32 v61, v48;
	v7 =	vperm.xlane v12, v0;
	v51 =	vperm.xlane v62, v1  }
0x3ab: {  	v10 =	vpop (erf);
	v25 =	vperm.xlane v11, v0;
	v43 =	vadd.f32 v15, v24;
	v54 =	vperm.xlane v63, v1  }
0x3ac: {  	v9 =	vpop (erf);
	v42 =	vadd.f32 v14, v8;
	v44 =	vadd.f32 v12, v7;
	v24 =	vperm.xlane v10, v0  }
0x3ad: {  	v40 =	vadd.f32 v62, v51;
	v18 =	vpop (erf);
	v46 =	vadd.f32 v11, v25;
	v47 =	vperm.xlane v9, v0  }
0x3ae: {  	v61 =	vperm.xlane v43, v1;
	v41 =	vadd.f32 v63, v54;
	v8 =	vperm.xlane v18, v0  }
0x3af: {  	v7 =	vpop (erf);
	v50 =	vadd.f32 v10, v24;
	v55 =	vperm.xlane v42, v1;
	v63 =	vperm.xlane v44, v1  }
0x3b0: {  	v25 =	vpop (erf);
	v47 =	vadd.f32 v9, v47;
	v58 =	vperm.xlane v46, v1;
	v43 =	vadd.f32 v43, v61  }
0x3b1: {  	v49 =	vadd.f32 v18, v8;
	v8 =	vperm.xlane v7, v0;
	v26 =	vpop (erf);
	v52 =	vperm.xlane v25, v0  }
0x3b2: {  	v42 =	vadd.f32 v42, v55;
	v44 =	vadd.f32 v44, v63;
	v57 =	vperm.xlane v26, v0  }
0x3b3: {  	v24 =	vpop (erf);
	v46 =	vadd.f32 v46, v58;
	v53 =	vperm.xlane v49, v1;
	v56 =	vadd.f32 v7, v8  }
0x3b4: {  	[tilespmem:s24+$0xF0] =	vst v20;
	v52 =	vadd.f32 v25, v52;
	v60 =	vperm.xlane v24, v0;
	v20 =	vperm.xlane v42, v2  }
0x3b5: {  	[tilespmem:s24+$0x0] =	vst v28;
	v28 =	vperm.xlane v44, v2;
	v57 =	vadd.f32 v26, v57;
	v49 =	vadd.f32 v49, v53  }
0x3b6: {  	v8 =	vpop (erf);
	v48 =	vadd.f32 v24, v60;
	v60 =	vperm.xlane v47, v1;
	v61 =	vperm.xlane v56, v1  }
0x3b7: {  	v53 =	vperm.xlane v46, v2;
	v42 =	vadd.f32 v42, v20;
	v62 =	vperm.xlane v8, v0  }
0x3b8: {  	v44 =	vadd.f32 v44, v28;
	v59 =	vpop (erf);
	v63 =	vperm.xlane v57, v1;
	(erf) = vrcp.f32 v22  }
0x3b9: {  	[tilespmem:s24+$0xA0] =	vst v19;
	v45 =	vmul.f32 v59, v45;
	v59 =	vperm.xlane v50, v1;
	v47 =	vadd.f32 v47, v60  }
0x3ba: {  	[tilespmem:s24+$0x30] =	vst v31;
	v55 =	vadd.f32 v56, v61;
	v60 =	vperm.xlane v48, v1;
	v31 =	vadd.f32 v46, v53  }
0x3bb: {  	[tilespmem:s24+$0x50] =	vst v33;
	(erf) = vrcp.f32 v23;
	v33 =	vadd.f32 $9.999999960e-13, v42;
	v19 =	vadd.f32 $9.999999960e-13, v44  }
0x3bc: {  	v51 =	vadd.f32 v8, v62;
	v62 =	vperm.xlane v52, v1;
	v54 =	vadd.f32 v57, v63  }
0x3bd: {  	v63 =	vperm.xlane v39, v2;
	(erf) = vrcp.f32 v38;
	v50 =	vadd.f32 v50, v59  }
0x3be: {  	v48 =	vadd.f32 v48, v60;
	v60 =	vperm.xlane v40, v2;
	v57 =	vperm.xlane v47, v2  }
0x3bf: {  	v58 =	vperm.xlane v55, v2;
	(erf) = vrcp.f32 v27;
	v52 =	vadd.f32 v52, v62  }
0x3c0: {  	v61 =	vperm.xlane v51, v1;
	v62 =	vperm.xlane v49, v2;
	v39 =	vadd.f32 v39, v63  }
0x3c1: {  	[tilespmem:s24+$0x10] =	vst v30;
	v59 =	vperm.xlane v54, v2;
	v40 =	vadd.f32 v40, v60;
	v30 =	vperm.xlane v50, v2  }
0x3c2: {  	[tilespmem:s24+$0x20] =	vst v29;
	v56 =	vperm.xlane v48, v2;
	v29 =	vadd.f32 v47, v57;
	v51 =	vadd.f32 v51, v61  }
0x3c3: {  	v49 =	vadd.f32 v49, v62;
	v61 =	vperm.xlane v41, v2;
	v28 =	vadd.f32 v54, v59  }
0x3c4: {  	[tilespmem:s24+$0x40] =	vst v32;
	v62 =	vperm.xlane v43, v2;
	v63 =	vadd.f32 $9.999999960e-13, v39;
	v32 =	vadd.f32 v50, v30  }
0x3c5: {  	[tilespmem:s24+$0x60] =	vst v34;
	v20 =	vperm.xlane v52, v2;
	v30 =	vadd.f32 v55, v58;
	v22 =	vadd.f32 v48, v56  }
0x3c6: {  	[tilespmem:s24+$0x70] =	vst v35;
	v21 =	vadd.f32 $9.999999960e-13, v40;
	v60 =	vperm.xlane v51, v2;
	v27 =	vadd.f32 $9.999999960e-13, v49  }
0x3c7: {  	[tilespmem:s24+$0x80] =	vst v36;
	v41 =	vadd.f32 v41, v61;
	v43 =	vadd.f32 v43, v62  }
0x3c8: {  	[tilespmem:s24+$0x90] =	vst v37;
	v23 =	vadd.f32 v52, v20;
	v20 =	vadd.f32 v51, v60;
	(erf) = vrcp.f32 v27  }
0x3c9: {  	s26 =	simm.s32 $0x182;
	s28 =	simm.s32 $0xC400;
	[tilespmem:s25+$0xF0] =	vst v45;
	v34 =	vadd.f32 $9.999999960e-13, v41;
	v27 =	vadd.f32 $9.999999960e-13, v43;
	(erf) = vrcp.f32 v63  }
.LBB2_8:
0x3ca: {  	v35 =	vld [tilespmem:s28+$0xF0];
	s26 =	sadd.s32 $0x2, s26;
	v31 =	vadd.f32 $9.999999960e-13, v31;
	v32 =	vadd.f32 $9.999999960e-13, v32;
	(erf) = vrcp.f32 v21  }
0x3cb: {  	v29 =	vadd.f32 $9.999999960e-13, v29;
	v30 =	vadd.f32 $9.999999960e-13, v30;
	v36 =	vld [tilespmem:s28+$0x10];
	p0 =	slt.u32 s26, $0x1FE;
	(erf) = vrcp.f32 v34;
	v34 =	vpop (erf)  }
0x3cc: {  	v23 =	vadd.f32 $9.999999960e-13, v23;
	v21 =	vadd.f32 $9.999999960e-13, v28;
	v37 =	vld [tilespmem:s28+$0x20];
	(erf) = vrcp.f32 v33;
	v28 =	vpop (erf)  }
0x3cd: {  	v22 =	vadd.f32 $9.999999960e-13, v22;
	v20 =	vadd.f32 $9.999999960e-13, v20;
	v33 =	vld [tilespmem:s28+$0x30];
	(erf) = vrcp.f32 v27;
	v27 =	vpop (erf)  }
0x3ce: {  	v34 =	vmul.f32 v34, v4;
	v4 =	vmov v25;
	v38 =	vld [tilespmem:s28+$0x40];
	(erf) = vrcp.f32 v19;
	v19 =	vpop (erf)  }
0x3cf: {  	v28 =	vmul.f32 v28, v5;
	v5 =	vmovc v26;
	v25 =	vld [tilespmem:s28+$0x50];
	v39 =	vsub.f32 $0.0e+00, v35;
	(erf) = vrcp.f32 v31  }
0x3d0: {  	v27 =	vmul.f32 v27, v6;
	v6 =	vmovc v24;
	v26 =	vsub.f32 $0.0e+00, v36;
	v31 =	vld [tilespmem:s28+$0x60];
	(erf) = vrcp.f32 v32;
	[tilespmem:s24+$0xB0] =	vst v34  }
0x3d1: {  	v24 =	vsub.f32 $0.0e+00, v37;
	v32 =	vld [tilespmem:s28+$0x70];
	v36 =	vmul.f32 $1.442695020e+00, v39;
	v35 =	vpop (erf);
	(erf) = vrcp.f32 v29;
	[tilespmem:s24+$0xC0] =	vst v28  }
0x3d2: {  	v37 =	vmul.f32 $1.442695020e+00, v26;
	v28 =	vsub.f32 $0.0e+00, v33;
	v29 =	vld [tilespmem:s28+$0x80];
	v33 =	vpop (erf);
	(erf) = vrcp.f32 v30;
	[tilespmem:s24+$0xD0] =	vst v27  }
0x3d3: {  	v39 =	vmul.f32 $1.442695020e+00, v24;
	v27 =	vsub.f32 $0.0e+00, v38;
	v30 =	vld [tilespmem:s28+$0x90];
	(erf) = vpow2.f32 v36;
	v34 =	vpop (erf)  }
0x3d4: {  	v43 =	vmul.f32 $1.442695020e+00, v28;
	v25 =	vsub.f32 $0.0e+00, v25;
	v36 =	vld [tilespmem:s28+$0xA0];
	(erf) = vpow2.f32 v37;
	v26 =	vpop (erf)  }
0x3d5: {  	v27 =	vmul.f32 $1.442695020e+00, v27;
	v31 =	vsub.f32 $0.0e+00, v31;
	v37 =	vld [tilespmem:s28+$0xB0];
	(erf) = vpow2.f32 v39;
	v24 =	vpop (erf)  }
0x3d6: {  	v41 =	vmul.f32 $1.442695020e+00, v25;
	v32 =	vsub.f32 $0.0e+00, v32;
	v38 =	vld [tilespmem:s28+$0xC0];
	(erf) = vpow2.f32 v43;
	v28 =	vpop (erf)  }
0x3d7: {  	v45 =	vmul.f32 $1.442695020e+00, v31;
	v29 =	vsub.f32 $0.0e+00, v29;
	v39 =	vld [tilespmem:s28+$0xD0];
	(erf) = vpow2.f32 v27;
	v40 =	vpop (erf)  }
0x3d8: {  	v43 =	vmul.f32 $1.442695020e+00, v32;
	v30 =	vsub.f32 $0.0e+00, v30;
	v32 =	vld [tilespmem:s28+$0xE0];
	(erf) = vpow2.f32 v41;
	v25 =	vpop (erf)  }
0x3d9: {  	v41 =	vld [tilespmem:s28+$0x0];
	v29 =	vmul.f32 $1.442695020e+00, v29;
	v36 =	vsub.f32 $0.0e+00, v36;
	(erf) = vpow2.f32 v45;
	v31 =	vpop (erf)  }
0x3da: {  	v44 =	vmul.f32 $1.442695020e+00, v30;
	v37 =	vsub.f32 $0.0e+00, v37;
	(erf) = vpow2.f32 v43;
	v42 =	vpop (erf)  }
0x3db: {  	v36 =	vmul.f32 $1.442695020e+00, v36;
	v38 =	vsub.f32 $0.0e+00, v38;
	(erf) = vpow2.f32 v29;
	v27 =	vpop (erf)  }
0x3dc: {  	v29 =	vmul.f32 $1.442695020e+00, v37;
	v37 =	vsub.f32 $0.0e+00, v39;
	(erf) = vpow2.f32 v44;
	v30 =	vpop (erf)  }
0x3dd: {  	v38 =	vmul.f32 $1.442695020e+00, v38;
	v32 =	vsub.f32 $0.0e+00, v32;
	v30 =	vadd.f32 $1.000000000e+00, v30;
	v39 =	vpop (erf)  }
0x3de: {  	v41 =	vsub.f32 $0.0e+00, v41;
	v37 =	vmul.f32 $1.442695020e+00, v37;
	v43 =	vpop (erf);
	(erf) = vpow2.f32 v36  }
0x3df: {  	v36 =	vadd.f32 $1.000000000e+00, v39;
	v32 =	vmul.f32 $1.442695020e+00, v32;
	v39 =	vpop (erf);
	(erf) = vrcp.f32 v30  }
0x3e0: {  	v44 =	vmul.f32 $1.442695020e+00, v41;
	v41 =	vadd.f32 $1.000000000e+00, v43;
	v43 =	vpop (erf);
	(erf) = vpow2.f32 v29  }
0x3e1: {  	v29 =	vadd.f32 $1.000000000e+00, v39;
	v39 =	vadd.f32 $1.000000000e+00, v43;
	v43 =	vpop (erf);
	(erf) = vpow2.f32 v38  }
0x3e2: {  	v18 =	vmul.f32 v35, v18;
	v38 =	vadd.f32 $1.000000000e+00, v43;
	(erf) = vpow2.f32 v44;
	v30 =	vpop (erf)  }
0x3e3: {  	v17 =	vmul.f32 v33, v17;
	v30 =	vadd.f32 $1.000000000e+00, v30;
	v35 =	vpop (erf);
	(erf) = vpow2.f32 v37  }
0x3e4: {  	v34 =	vmul.f32 v34, v16;
	v33 =	vadd.f32 $1.000000000e+00, v35;
	v35 =	vpop (erf);
	(erf) = vpow2.f32 v32;
	[tilespmem:s25+$0x0] =	vst v18  }
0x3e5: {  	v13 =	vmul.f32 v26, v13;
	v18 =	vadd.f32 $1.000000000e+00, v35;
	(erf) = vrcp.f32 v36;
	v32 =	vpop (erf);
	[tilespmem:s25+$0x10] =	vst v17  }
0x3e6: {  	v14 =	vmul.f32 v24, v14;
	v17 =	vadd.f32 $1.000000000e+00, v32;
	(erf) = vrcp.f32 v41;
	[tilespmem:s25+$0x20] =	vst v34  }
0x3e7: {  	v26 =	vmul.f32 v28, v15;
	(erf) = vrcp.f32 v29;
	v16 =	vpop (erf);
	[tilespmem:s25+$0x30] =	vst v13  }
0x3e8: {  	v12 =	vmul.f32 v40, v12;
	v15 =	vadd.f32 $1.000000000e+00, v16;
	(erf) = vrcp.f32 v39;
	v28 =	vpop (erf);
	[tilespmem:s25+$0x40] =	vst v14  }
0x3e9: {  	v29 =	vperm.xlane v28, v0;
	(erf) = vrcp.f32 v38;
	v16 =	vpop (erf);
	[tilespmem:s25+$0x50] =	vst v26  }
0x3ea: {  	v11 =	vmul.f32 v25, v11;
	v24 =	vadd.f32 $1.000000000e+00, v16;
	(erf) = vrcp.f32 v30;
	v13 =	vpop (erf);
	[tilespmem:s25+$0x60] =	vst v12  }
0x3eb: {  	v12 =	vadd.f32 $1.000000000e+00, v13;
	v13 =	vadd.f32 v28, v29;
	v14 =	vpop (erf);
	(erf) = vrcp.f32 v33  }
0x3ec: {  	v10 =	vmul.f32 v31, v10;
	v14 =	vadd.f32 $1.000000000e+00, v14;
	(erf) = vrcp.f32 v18;
	v16 =	vpop (erf);
	[tilespmem:s25+$0x70] =	vst v11  }
0x3ed: {  	v11 =	vadd.f32 $1.000000000e+00, v16;
	v26 =	vperm.xlane v13, v1;
	(erf) = vrcp.f32 v17;
	v17 =	vpop (erf)  }
0x3ee: {  	v9 =	vmul.f32 v42, v9;
	v18 =	vadd.f32 $1.000000000e+00, v17;
	(erf) = vrcp.f32 v14;
	v17 =	vpop (erf);
	[tilespmem:s25+$0x80] =	vst v10  }
0x3ef: {  	v10 =	vperm.xlane v17, v0;
	v25 =	vadd.f32 v13, v26;
	v16 =	vpop (erf);
	(erf) = vrcp.f32 v15  }
0x3f0: {  	v26 =	vperm.xlane v16, v0;
	v13 =	vpop (erf);
	(erf) = vrcp.f32 v24;
	[tilespmem:s25+$0x90] =	vst v9  }
0x3f1: {  	v29 =	vadd.f32 v17, v10;
	v9 =	vperm.xlane v25, v2;
	v14 =	vpop (erf);
	(erf) = vrcp.f32 v12  }
0x3f2: {  	v33 =	vperm.xlane v13, v0;
	v30 =	vadd.f32 v16, v26;
	v15 =	vpop (erf);
	(erf) = vrcp.f32 v11  }
0x3f3: {  	v24 =	vperm.xlane v14, v0;
	v35 =	vadd.f32 v25, v9;
	v12 =	vpop (erf);
	(erf) = vrcp.f32 v18  }
0x3f4: {  	v31 =	vadd.f32 v13, v33;
	v36 =	vperm.xlane v15, v0;
	v25 =	vperm.xlane v12, v0;
	v11 =	vpop (erf)  }
0x3f5: {  	v32 =	vadd.f32 v14, v24;
	v24 =	vperm.xlane v11, v0;
	v26 =	vadd.f32 $9.999999960e-13, v35;
	v10 =	vpop (erf)  }
0x3f6: {  	v33 =	vadd.f32 v15, v36;
	v34 =	vadd.f32 v12, v25;
	v41 =	vperm.xlane v10, v0;
	v9 =	vpop (erf)  }
0x3f7: {  	v35 =	vadd.f32 v11, v24;
	v24 =	vperm.xlane v9, v0;
	v18 =	vpop (erf);
	(erf) = vrcp.f32 v26  }
0x3f8: {  	v36 =	vperm.xlane v29, v1;
	v44 =	vperm.xlane v18, v0;
	v37 =	vadd.f32 v10, v41;
	v38 =	vpop (erf)  }
0x3f9: {  	v39 =	vperm.xlane v30, v1;
	v40 =	vadd.f32 v9, v24;
	v47 =	vperm.xlane v38, v0;
	v25 =	vpop (erf)  }
0x3fa: {  	v42 =	vperm.xlane v31, v1;
	v41 =	vadd.f32 v18, v44;
	v43 =	vperm.xlane v25, v0;
	v26 =	vpop (erf)  }
0x3fb: {  	v44 =	vperm.xlane v32, v1;
	v45 =	vadd.f32 v38, v47;
	v46 =	vperm.xlane v26, v0;
	v24 =	vpop (erf)  }
0x3fc: {  	v47 =	vperm.xlane v41, v1;
	v43 =	vadd.f32 v25, v43;
	v48 =	vperm.xlane v24, v0;
	v49 =	vpop (erf)  }
0x3fd: {  	v50 =	vperm.xlane v33, v1;
	v46 =	vadd.f32 v26, v46;
	v51 =	vperm.xlane v49, v0  }
0x3fe: {  	v52 =	vperm.xlane v34, v1;
	v53 =	vperm.xlane v35, v1;
	v48 =	vadd.f32 v24, v48  }
0x3ff: {  	v54 =	vperm.xlane v37, v1;
	v55 =	vperm.xlane v40, v1;
	v51 =	vadd.f32 v49, v51  }
0x400: {  	v41 =	vadd.f32 v41, v47;
	v47 =	vperm.xlane v45, v1;
	v56 =	vperm.xlane v43, v1;
	v57 =	vpop (erf)  }
0x401: {  	v29 =	vadd.f32 v29, v36;
	v36 =	vperm.xlane v46, v1;
	v28 =	vmul.f32 v57, v28  }
0x402: {  	v30 =	vadd.f32 v30, v39;
	v39 =	vperm.xlane v48, v1;
	v57 =	vperm.xlane v51, v1  }
0x403: {  	v31 =	vadd.f32 v31, v42;
	v32 =	vadd.f32 v32, v44;
	v58 =	vperm.xlane v41, v2;
	[tilespmem:s28+$0xF0] =	vst v28  }
0x404: {  	v33 =	vadd.f32 v33, v50;
	v34 =	vadd.f32 v34, v52;
	v28 =	vperm.xlane v29, v2  }
0x405: {  	v42 =	vperm.xlane v30, v2;
	v35 =	vadd.f32 v35, v53;
	v37 =	vadd.f32 v37, v54  }
0x406: {  	v44 =	vperm.xlane v31, v2;
	v40 =	vadd.f32 v40, v55;
	v45 =	vadd.f32 v45, v47  }
0x407: {  	v47 =	vperm.xlane v32, v2;
	v43 =	vadd.f32 v43, v56;
	v36 =	vadd.f32 v46, v36  }
0x408: {  	v46 =	vperm.xlane v33, v2;
	v39 =	vadd.f32 v48, v39;
	v48 =	vadd.f32 v51, v57  }
0x409: {  	v50 =	vperm.xlane v34, v2;
	v41 =	vadd.f32 v41, v58;
	v51 =	vperm.xlane v35, v2  }
0x40a: {  	v52 =	vadd.f32 v29, v28;
	v28 =	vperm.xlane v37, v2;
	v29 =	vperm.xlane v40, v2  }
0x40b: {  	v42 =	vadd.f32 v30, v42;
	v30 =	vperm.xlane v45, v2;
	v53 =	vperm.xlane v43, v2  }
0x40c: {  	v44 =	vadd.f32 v31, v44;
	v54 =	vperm.xlane v36, v2;
	v55 =	vperm.xlane v39, v2  }
0x40d: {  	v47 =	vadd.f32 v32, v47;
	v46 =	vadd.f32 v33, v46;
	v33 =	vperm.xlane v48, v2  }
0x40e: {  	v50 =	vadd.f32 v34, v50;
	v31 =	vadd.f32 v35, v51;
	(erf) = vrcp.f32 v23  }
0x40f: {  	v32 =	vadd.f32 v37, v28;
	v29 =	vadd.f32 v40, v29;
	(erf) = vrcp.f32 v21  }
0x410: {  	v30 =	vadd.f32 v45, v30;
	v23 =	vadd.f32 v43, v53;
	(erf) = vrcp.f32 v22  }
.Ltmp3:
0x411: {  	v28 =	vadd.f32 v36, v54;
	v22 =	vadd.f32 v39, v55;
	(erf) = vrcp.f32 v20;
	(pc) =	sbr.rel @p0 .LBB2_8-.Ltmp3, $4  }
0x412: {  	v27 =	vmul.f32 v27, v7;
	v7 =	vmovc v38;
	v35 =	vadd.f32 $9.999999960e-13, v41;
	v20 =	vadd.f32 v48, v33  }
0x413: {  	v36 =	vadd.f32 $9.999999960e-13, v52;
	v37 =	vmul.f32 v19, v3;
	v3 =	vmovc v8;
	v8 =	vmovc v49;
	v21 =	vadd.f32 $9.999999960e-13, v42  }
0x414: {  	v34 =	vadd.f32 $9.999999960e-13, v44;
	v33 =	vadd.f32 $9.999999960e-13, v47;
	(erf) = vrcp.f32 v35;
	[tilespmem:s25+$0xA0] =	vst v27  }
0x415: {  	v19 =	vadd.f32 $9.999999960e-13, v50;
	v27 =	vadd.f32 $9.999999960e-13, v46;
	(erf) = vrcp.f32 v36;
	[tilespmem:s24+$0xE0] =	vst v37;
	s24 =	smov.u32 s25;
	s25 =	smov.u32 s28;
	s28 =	sadd.s32 $0x100, s28  }
0x416: {  	(erf) = vrcp.f32 v21  }
0x417: {  	(erf) = vrcp.f32 v34  }
0x418: {  	(erf) = vrcp.f32 v33  }
0x419: {  	v60 =	vpop (erf);
	(erf) = vrcp.f32 v27  }
0x41a: {  	v59 =	vadd.f32 $9.999999960e-13, v31;
	v62 =	vpop (erf);
	(erf) = vrcp.f32 v19  }
0x41b: {  	v61 =	vadd.f32 $9.999999960e-13, v32;
	v4 =	vmul.f32 v60, v4;
	v33 =	vpop (erf)  }
0x41c: {  	v63 =	vadd.f32 $9.999999960e-13, v29;
	v5 =	vmul.f32 v62, v5;
	v35 =	vpop (erf);
	(erf) = vrcp.f32 v59  }
0x41d: {  	v34 =	vadd.f32 $9.999999960e-13, v30;
	[tilespmem:s24+$0xB0] =	vst v4;
	v36 =	vmul.f32 v33, v6;
	(erf) = vrcp.f32 v61;
	v37 =	vpop (erf)  }
0x41e: {  	v38 =	vadd.f32 $9.999999960e-13, v23;
	[tilespmem:s24+$0xC0] =	vst v5;
	v3 =	vmul.f32 v35, v3;
	(erf) = vrcp.f32 v63;
	v39 =	vpop (erf)  }
0x41f: {  	v40 =	vadd.f32 $9.999999960e-13, v28;
	[tilespmem:s24+$0xD0] =	vst v36;
	(erf) = vrcp.f32 v34;
	v6 =	vmul.f32 v37, v18;
	v41 =	vpop (erf)  }
0x420: {  	v42 =	vadd.f32 $9.999999960e-13, v22;
	[tilespmem:s24+$0xE0] =	vst v3;
	v5 =	vmul.f32 v39, v17;
	(erf) = vrcp.f32 v38;
	v43 =	vpop (erf)  }
0x421: {  	v44 =	vadd.f32 $9.999999960e-13, v20;
	[tilespmem:s25+$0x0] =	vst v6;
	v4 =	vmul.f32 v41, v16;
	(erf) = vrcp.f32 v40;
	v45 =	vpop (erf)  }
0x422: {  	[tilespmem:s25+$0x10] =	vst v5;
	v46 =	vmul.f32 v43, v13;
	v47 =	vpop (erf);
	(erf) = vrcp.f32 v42  }
0x423: {  	[tilespmem:s25+$0x20] =	vst v4;
	v48 =	vmul.f32 v45, v14;
	v49 =	vpop (erf);
	(erf) = vrcp.f32 v44  }
0x424: {  	[tilespmem:s25+$0x30] =	vst v46;
	v50 =	vmul.f32 v47, v15  }
0x425: {  	v51 =	vpop (erf);
	[tilespmem:s25+$0x40] =	vst v48;
	v52 =	vmul.f32 v49, v12  }
0x426: {  	v53 =	vpop (erf);
	[tilespmem:s25+$0x50] =	vst v50;
	v54 =	vmul.f32 v51, v11  }
0x427: {  	v55 =	vpop (erf);
	[tilespmem:s25+$0x60] =	vst v52;
	v56 =	vmul.f32 v53, v10  }
0x428: {  	v57 =	vpop (erf);
	[tilespmem:s25+$0x70] =	vst v54;
	v58 =	vmul.f32 v55, v9  }
0x429: {  	[tilespmem:s25+$0x80] =	vst v56;
	v59 =	vmul.f32 v57, v7;
	v60 =	vpop (erf)  }
0x42a: {  	[tilespmem:s25+$0x90] =	vst v58;
	v61 =	vpop (erf);
	v5 =	vmul.f32 v60, v25  }
0x42b: {  	[tilespmem:s25+$0xA0] =	vst v59;
	v4 =	vmul.f32 v61, v26;
	v3 =	vpop (erf)  }
0x42c: {  	[tilespmem:s25+$0xB0] =	vst v5;
	v62 =	vpop (erf);
	v3 =	vmul.f32 v3, v24  }
0x42d: {  	[tilespmem:s25+$0xC0] =	vst v4;
	v63 =	vmul.f32 v62, v8  }
0x42e: {  	[tilespmem:s25+$0xD0] =	vst v3  }
0x42f: {  	[tilespmem:s25+$0xE0] =	vst v63  }
0x430: {  	[hbm4b:s11+s3] =	stream.linear.scatter [tilespmem:s20], [sflag:$0x2], $0x4000, $0x38;
	[tilespmem:$0x10200] =	vst v63  }
0x431: {  	_ =	swait.ge [sflag:s22], $0x4000  }
0x432: {  	[sflag:s22] =	ssyncset.done $0x0  }
0x433: {  	[sflag:s22] =	ssyncadd.s32 $0xFFFFC000  }
0x434: {  	_ =	swait.ge [sflag:s22], $0x4000  }
0x435: {  	[sflag:s22] =	ssyncset.done $0x0  }
0x436: {  	s23 =	sadd.s32 $0x1, s23;
	[sflag:s22] =	ssyncadd.s32 $0xFFFFC000  }
0x437: {  	p0 =	sne.s32 s23, s12;
	_ =	swait.ge [sflag:s22], $0x4000  }
.Ltmp4:
0x438: {  	[sflag:s22] =	ssyncset.done $0x0;
	(pc) =	sbr.rel @p0 .LBB2_1-.Ltmp4, $4  }
0x439: {  	[sflag:s22] =	ssyncadd.s32 $0xFFFFC000  }
0x43a: {  	_ =	swait.ge [sflag:s22], $0x4000  }
0x43b: {  	[sflag:s22] =	ssyncset.done $0x0  }
0x43c: {  	[sflag:s22] =	ssyncadd.s32 $0xFFFFC000  }
0x43d: {  	_ =	sfence.sel $0x180000  }
0x43e: {  	[bflag:$0x0] =	sbarrier.arrive $0xFFFF  }
0x43f: {  	p0 =	sne.s32 s2, $0x0;
	_ =	strace $0x90000047  }
0x440: {  	s0 =	sadd.s32 @!p0 $0x100000, s0;
	[bflag:$0x2] =	sbarrier.arrive $0xFFFF  }
0x441: {  	[sflag:s0] =	ssyncadd.tile.s32 @!p0 $0x1;
	_ =	shalt  }
.Lfunc_end2:
_tile_overlayer_lowered:
.L_overlay_start_2:
0x442: {  	(tag) =	ssettag $0x2  }
0x443: {  	s0 =	rddreg [dreg:$0x0];
	s2 =	stileid.u32  }
0x444: {  	s1 =	rddreg [dreg:$0x1];
	p0 =	sne.s32 s2, $0x0  }
0x445: {  	s3 =	rddreg [dreg:$0x2];
	[bflag:$0x3] =	sbarrier.arrive $0xFFFF;
	s2 =	simm.s32 @!p0 $0x1C03  }
0x446: {  	[timem:s3], [sflag:s2] =	dma.local @!p0 [hbm:s0], s1  }
0x447: {  	s0 =	simm.s32 @!p0 $0x3  }
0x448: {  	_ =	swait.ge @!p0 [sflag:s0], s1  }
0x449: {  	s1 =	ssub.s32 @!p0 $0x0, s1;
	[sflag:s0] =	ssyncset.done @!p0 $0x0  }
0x44a: {  	[sflag:s0] =	ssyncadd.s32 @!p0 s1  }
0x44b: {  	[bflag:$0x3] =	sbarrier.arrive $0xFFFF  }
0x44c: {  	_ =	shalt  }

</sc_bundles>
